<compile_context>
chip_gen: v7x
topology: tpu7x:2x2x1
jax: 0.10.2.dev20260603
libtpu: 0.0.44.dev20260713+nightly
codegen_flags: <defaults>
</compile_context>

<pallas_src>
import functools

import jax
import jax.numpy as jnp
from jax import lax
from jax.experimental import pallas as pl
from jax.experimental.pallas import tpu as pltpu
from jax.experimental.pallas import tpu_sc as plsc

N_NODES = 10000
N_FEAT = 128
SPLIT = N_FEAT // 10
LO = 16
N_EDGES = 320000
CHUNK = 128
NW = 32
BASE_CHUNKS = 78
MAX_CHUNKS = 79
IDX_STAGE = MAX_CHUNKS * CHUNK
NBUF = 16
DEPTH = 8
FULL_GROUPS = 4
ACC_ROWS = 10048
ROWS_PER_TILE = ACC_ROWS // 16
PACK_ROWS = ACC_ROWS // 8
REAL_PACK_ROWS = N_NODES // 8
MM_BLOCK = 1000


def _mm_body(r_ref, w_ref, b_ref, vs_ref, shi_ref):
    i = pl.program_id(0)
    vs = jnp.dot(r_ref[...], w_ref[...], preferred_element_type=jnp.float32)
    vs_ref[...] = vs
    part = jnp.sum(jnp.maximum(vs + b_ref[...], 0.0), axis=0, keepdims=True)

    @pl.when(i == 0)
    def _():
        shi_ref[...] = part

    @pl.when(i != 0)
    def _():
        shi_ref[...] = shi_ref[...] + part


_mm_call = pl.pallas_call(
    _mm_body,
    grid=(N_NODES // MM_BLOCK,),
    in_specs=[
        pl.BlockSpec((MM_BLOCK, N_FEAT), lambda i: (i, 0)),
        pl.BlockSpec((N_FEAT, N_FEAT), lambda i: (0, 0)),
        pl.BlockSpec((1, N_FEAT), lambda i: (0, 0)),
    ],
    out_specs=[
        pl.BlockSpec((MM_BLOCK, N_FEAT), lambda i: (i, 0)),
        pl.BlockSpec((1, N_FEAT), lambda i: (0, 0)),
    ],
    out_shape=[
        jax.ShapeDtypeStruct((N_NODES, N_FEAT), jnp.float32),
        jax.ShapeDtypeStruct((1, N_FEAT), jnp.float32),
    ],
)


def _sc_scatter_body(v16_hbm, ei_hbm, out_hbm,
                     col_all, row_all, msgs, zbuf, acc, gsem, ssem):
    cid = lax.axis_index("c")
    sid = lax.axis_index("s")
    wid = sid * 2 + cid

    cnt = BASE_CHUNKS + jnp.where(wid >= 28, 1, 0)
    start = wid * BASE_CHUNKS + jnp.maximum(wid - 28, 0)
    e0 = start * CHUNK

    pltpu.async_copy(ei_hbm.at[pl.ds(e0, IDX_STAGE)], row_all, gsem)
    pltpu.async_copy(ei_hbm.at[pl.ds(N_EDGES + e0, IDX_STAGE)], col_all, ssem)

    z16 = jnp.zeros((LO,), jnp.float32)

    def _zf(j, carry):
        zbuf[j, :] = z16
        return carry

    lax.fori_loop(0, ROWS_PER_TILE, _zf, 0)
    base = sid * ROWS_PER_TILE

    pltpu.make_async_copy(ei_hbm.at[pl.ds(e0, IDX_STAGE)], col_all, ssem).wait()

    def _sc8(k, carry):
        for u in range(4):
            off = (k * 4 + u) * 16
            col_all[pl.ds(off, 16)] = col_all[pl.ds(off, 16)] * 8
        return carry

    lax.fori_loop(0, IDX_STAGE // 64, _sc8, 0)

    pltpu.make_async_copy(ei_hbm.at[pl.ds(e0, IDX_STAGE)], row_all, gsem).wait()
    pltpu.sync_copy(zbuf, acc.at[pl.ds(base, ROWS_PER_TILE)])
    plsc.subcore_barrier()

    def _cidx(i):
        return col_all.at[pl.ds(i * CHUNK, CHUNK)]

    def _ridx(i):
        return row_all.at[pl.ds(i * CHUNK, CHUNK)]

    def _gfire(i, b):
        pltpu.async_copy(v16_hbm.at[_cidx(i)], msgs.at[b], gsem)

    def _gwait(b):
        pltpu.make_async_copy(v16_hbm.at[_cidx(0)], msgs.at[b], gsem).wait()

    def _sfire(i, b):
        pltpu.async_copy(msgs.at[b], acc.at[_ridx(i)], ssem, add=True)

    def _swait():
        pltpu.make_async_copy(msgs.at[0], acc.at[_ridx(0)], ssem).wait()

    for b in range(DEPTH):
        _gfire(b, b)

    def _group(g, carry):
        for bi in range(NBUF):
            i = g * NBUF + bi
            bj = (bi + DEPTH) % NBUF
            _gwait(bi)
            _sfire(i, bi)
            if bi < DEPTH:
                @pl.when(g > 0)
                def _():
                    _swait()
                    _gfire(i + DEPTH, bj)

                @pl.when(g == 0)
                def _():
                    _gfire(i + DEPTH, bj)
            else:
                _swait()
                _gfire(i + DEPTH, bj)
        return carry

    lax.fori_loop(0, FULL_GROUPS, _group, 0)

    for bi in range(NBUF):
        i = FULL_GROUPS * NBUF + bi
        bj = (bi + DEPTH) % NBUF
        if i < 72:
            _gwait(bi)
            _sfire(i, bi)
        elif i < MAX_CHUNKS:
            @pl.when(i < cnt)
            def _():
                _gwait(bi)
                _sfire(i, bi)
        _swait()
        if i + DEPTH < BASE_CHUNKS:
            _gfire(i + DEPTH, bj)
        elif i + DEPTH < MAX_CHUNKS:
            @pl.when(i + DEPTH < cnt)
            def _():
                _gfire(i + DEPTH, bj)

    for k in range(72, MAX_CHUNKS):
        @pl.when(k < cnt)
        def _():
            _swait()

    plsc.subcore_barrier()
    pltpu.sync_copy(acc.at[pl.ds(base, ROWS_PER_TILE)],
                    out_hbm.at[cid, pl.ds(base, ROWS_PER_TILE)])


@functools.lru_cache(maxsize=None)
def _sc_scatter_call():
    mesh = plsc.VectorSubcoreMesh(core_axis_name="c", subcore_axis_name="s")
    return pl.kernel(
        _sc_scatter_body,
        out_type=jax.ShapeDtypeStruct((2, ACC_ROWS, LO), jnp.float32),
        mesh=mesh,
        scratch_types=[
            pltpu.VMEM((IDX_STAGE,), jnp.int32),
            pltpu.VMEM((IDX_STAGE,), jnp.int32),
            pltpu.VMEM((NBUF, CHUNK, LO), jnp.float32),
            pltpu.VMEM((ROWS_PER_TILE, LO), jnp.float32),
            pltpu.VMEM_SHARED((ACC_ROWS, LO), jnp.float32),
            pltpu.SemaphoreType.DMA,
            pltpu.SemaphoreType.DMA,
        ],
        compiler_params=pltpu.CompilerParams(use_tc_tiling_on_sc=False),
    )


def _fin_body(acc_ref, b_ref, out_ref):
    a = acc_ref[0] + acc_ref[1]
    act = jnp.maximum(a + b_ref[...], 0.0)
    rid = lax.broadcasted_iota(jnp.int32, (PACK_ROWS, N_FEAT), 0)
    act = jnp.where(rid < REAL_PACK_ROWS, act, 0.0)
    out_ref[...] = jnp.sum(act, axis=0, keepdims=True)


_fin_call = pl.pallas_call(
    _fin_body,
    grid=(1,),
    in_specs=[
        pl.BlockSpec((2, PACK_ROWS, N_FEAT), lambda i: (0, 0, 0)),
        pl.BlockSpec((1, N_FEAT), lambda i: (0, 0)),
    ],
    out_specs=pl.BlockSpec((1, N_FEAT), lambda i: (0, 0)),
    out_shape=jax.ShapeDtypeStruct((1, N_FEAT), jnp.float32),
)


def kernel(r_s, edge_index, weight_W, bias):
    bias2 = bias.reshape(1, N_FEAT)
    v_s, shi = _mm_call(r_s, weight_W, bias2)
    vs_flat = v_s.reshape(N_NODES * 8, LO)

    acc = _sc_scatter_call()(vs_flat,
                             edge_index.astype(jnp.int32).reshape(2 * N_EDGES))
    accp = acc.reshape(2, PACK_ROWS, N_FEAT)

    bias_lo = jnp.tile(bias[:LO], 8).reshape(1, N_FEAT)
    slo = _fin_call(accp, bias_lo)
    f_lo = jnp.sum(slo.reshape(8, LO), axis=0)
    f = jnp.concatenate([f_lo[:SPLIT], shi[0, SPLIT:]]) * (1.0 / N_NODES)
    return f

# --- scband reference (transcript-rebuilt; emitter-appended) ---
"""Pipeline reference for scband-gcnmax-edge-70609262346359 (READ-ONLY COPY).

The authoritative reference and input builder live on the scoring server;
editing this copy changes nothing except your own understanding.
"""

import jax, jax.numpy as jnp
import numpy as np

IN_FEATURES = 128
PRINT_LENGTH = 128
N_NODES = 10000
N_EDGES = 320000


def setup_inputs(seed: int = 0) -> dict:
    key = jax.random.key(seed)
    k1, k2, k3, k4 = jax.random.split(key, 4)
    r_s = jax.random.normal(k1, (N_NODES, IN_FEATURES), dtype=jnp.float32)
    edge_index = jax.random.randint(k2, (2, N_EDGES), 0, N_NODES, dtype=jnp.int64)
    # parameters, initialized like reset_parameters()
    stdv_b = 6.0 / np.sqrt(PRINT_LENGTH)
    bias = jax.random.uniform(k3, (PRINT_LENGTH,), minval=-stdv_b, maxval=stdv_b, dtype=jnp.float32)
    stdv_w = 6.0 / np.sqrt(IN_FEATURES + PRINT_LENGTH)
    weight_W = jax.random.uniform(k4, (IN_FEATURES, PRINT_LENGTH), minval=-stdv_w, maxval=stdv_w, dtype=jnp.float32)
    return {"r_s": r_s, "edge_index": edge_index, "weight_W": weight_W, "bias": bias}


def reference(r_s, edge_index, weight_W, bias):
    # activation is fixed to relu (passed as a callable in the torch module)
    v_s = jnp.dot(r_s, weight_W)
    row = edge_index[0].astype(jnp.int32)
    col = edge_index[1].astype(jnp.int32)
    output = jnp.zeros_like(v_s).at[row].add(v_s[col])
    split = output.shape[1] // 10
    output = jnp.concatenate((output[:, :split], v_s[:, split:]), axis=1)
    output = output + bias
    i_s = jax.nn.relu(output)
    f = jnp.mean(i_s, axis=0)
    return f

if __name__ == "__main__":
    import jax
    _d = setup_inputs()
    print(jax.jit(kernel)(*tuple(_d.values())))

</pallas_src>

<mosaic_0001>
#map = affine_map<(d0, d1) -> (0, 0)>
#map1 = affine_map<(d0, d1) -> (0)>
#map2 = affine_map<(d0, d1) -> (0, 0, 0)>
module attributes {stable_mosaic.version = 14 : i64} {
  func.func @_sc_scatter_body(%arg0: i32, %arg1: i32, %arg2: memref<80000x16xf32, #tpu.memory_space<hbm>>, %arg3: memref<640000xi32, #tpu.memory_space<hbm>>, %arg4: memref<2x10048x16xf32, #tpu.memory_space<hbm>>, %arg5: memref<10112xi32, #tpu.memory_space<vmem>>, %arg6: memref<10112xi32, #tpu.memory_space<vmem>>, %arg7: memref<16x128x16xf32, #tpu.memory_space<vmem>>, %arg8: memref<628x16xf32, #tpu.memory_space<vmem>>, %arg9: memref<10048x16xf32, #tpu.memory_space<vmem_shared>>, %arg10: memref<!tpu.dma_semaphore, #tpu.memory_space<semaphore_mem>>, %arg11: memref<!tpu.dma_semaphore, #tpu.memory_space<semaphore_mem>>) attributes {dimension_semantics = [#tpu.dimension_semantics<core_parallel>, #tpu.dimension_semantics<subcore_parallel>], iteration_bounds = array<i64: 2, 16>, scalar_prefetch = 0 : i64, scratch_operands = 7 : i64, tpu.core_type = #tpu.core_type<sc_vector_subcore>, window_params = [{transform_indices = #map}, {transform_indices = #map1}, {transform_indices = #map2}]} {
    %mul3A = arith.constant 2 : i32
    %mul3A_0 = arith.muli %arg1, %mul3A : i32
    %add3A = arith.addi %mul3A_0, %arg0 : i32
    %ge3A = arith.constant 28 : i32
    %ge3A_1 = arith.cmpi sge, %add3A, %ge3A : i32
    %jit3A = arith.constant 1 : i32
    %jit3A_2 = arith.constant 0 : i32
    %select_n3A = arith.select %ge3A_1, %jit3A, %jit3A_2 : i32
    %add3A_3 = arith.constant 78 : i32
    %add3A_4 = arith.addi %add3A_3, %select_n3A : i32
    %mul3A_5 = arith.constant 78 : i32
    %mul3A_6 = arith.muli %add3A, %mul3A_5 : i32
    %sub3A = arith.constant 28 : i32
    %sub3A_7 = arith.subi %add3A, %sub3A : i32
    %max3A = arith.constant 0 : i32
    %max3A_8 = arith.maxsi %sub3A_7, %max3A : i32
    %add3A_9 = arith.addi %mul3A_6, %max3A_8 : i32
    %mul3A_10 = arith.constant 128 : i32
    %mul3A_11 = arith.muli %add3A_9, %mul3A_10 : i32
    %dma_start3A = tpu.memref_slice %arg3[%mul3A_11] : memref<640000xi32, #tpu.memory_space<hbm>> -> memref<10112xi32, #tpu.memory_space<hbm>>
    %dma_start3A_12 = tpu.memref_slice %arg3[%mul3A_11] : memref<640000xi32, #tpu.memory_space<hbm>> -> memref<10112xi32, #tpu.memory_space<hbm>>
    tpu.enqueue_dma source(%dma_start3A_12 : memref<10112xi32, #tpu.memory_space<hbm>>) target(%arg6 : memref<10112xi32, #tpu.memory_space<vmem>>) target_semaphore(%arg10 : memref<!tpu.dma_semaphore, #tpu.memory_space<semaphore_mem>>)
    %add3A_13 = arith.constant 320000 : i32
    %add3A_14 = arith.addi %add3A_13, %mul3A_11 : i32
    %dma_start3A_15 = tpu.memref_slice %arg3[%add3A_14] : memref<640000xi32, #tpu.memory_space<hbm>> -> memref<10112xi32, #tpu.memory_space<hbm>>
    %dma_start3A_16 = tpu.memref_slice %arg3[%add3A_14] : memref<640000xi32, #tpu.memory_space<hbm>> -> memref<10112xi32, #tpu.memory_space<hbm>>
    tpu.enqueue_dma source(%dma_start3A_16 : memref<10112xi32, #tpu.memory_space<hbm>>) target(%arg5 : memref<10112xi32, #tpu.memory_space<vmem>>) target_semaphore(%arg11 : memref<!tpu.dma_semaphore, #tpu.memory_space<semaphore_mem>>)
    %broadcast_in_dim3A = arith.constant 0.000000e+00 : f32
    %broadcast_in_dim3A_17 = vector.broadcast %broadcast_in_dim3A : f32 to vector<16xf32>
    %scan3A = arith.constant 0 : i32
    %scan3A_18 = arith.constant 0 : i32
    %scan3A_19 = arith.constant 628 : i32
    %scan3A_20 = arith.addi %scan3A_18, %scan3A_19 : i32
    %scan3A_21 = arith.constant 1 : i32
    scf.for %scan3A_573 = %scan3A_18 to %scan3A_20 step %scan3A_21  : i32 {
      %swap3A = arith.index_cast %scan3A_573 : i32 to index
      %swap3A_574 = arith.constant 0 : index
      %swap3A_575 = tpu.vector_load %arg8[%swap3A, %swap3A_574] {strides = array<i32>} : memref<628x16xf32, #tpu.memory_space<vmem>>, vector<1x16xf32>,
      %swap3A_576 = vector.shape_cast %swap3A_575 : vector<1x16xf32> to vector<16xf32>
      %swap3A_577 = vector.shape_cast %broadcast_in_dim3A_17 : vector<16xf32> to vector<1x16xf32>
      tpu.vector_store %arg8[%swap3A, %swap3A_574], %swap3A_577 {strides = array<i32>} : memref<628x16xf32, #tpu.memory_space<vmem>>, vector<1x16xf32>,
    }
    %scan3A_22 = arith.constant 628 : i32
    %mul3A_23 = arith.constant 628 : i32
    %mul3A_24 = arith.muli %arg1, %mul3A_23 : i32
    %dma_wait3A = tpu.memref_slice %arg3[%mul3A_11] : memref<640000xi32, #tpu.memory_space<hbm>> -> memref<10112xi32, #tpu.memory_space<hbm>>
    %dma_wait3A_25 = tpu.memref_slice %arg3[%mul3A_11] : memref<640000xi32, #tpu.memory_space<hbm>> -> memref<10112xi32, #tpu.memory_space<hbm>>
    tpu.wait_dma2 semaphore(%arg11 : memref<!tpu.dma_semaphore, #tpu.memory_space<semaphore_mem>>) src(%dma_wait3A_25 : memref<10112xi32, #tpu.memory_space<hbm>>) dst(%arg5 : memref<10112xi32, #tpu.memory_space<vmem>>)
    %scan3A_26 = arith.constant 0 : i32
    %scan3A_27 = arith.constant 0 : i32
    %scan3A_28 = arith.constant 158 : i32
    %scan3A_29 = arith.addi %scan3A_27, %scan3A_28 : i32
    %scan3A_30 = arith.constant 1 : i32
    scf.for %scan3A_573 = %scan3A_27 to %scan3A_29 step %scan3A_30  : i32 {
      %mul3A_574 = arith.constant 4 : i32
      %mul3A_575 = arith.muli %scan3A_573, %mul3A_574 : i32
      %add3A_576 = arith.constant 0 : i32
      %add3A_577 = arith.addi %mul3A_575, %add3A_576 : i32
      %mul3A_578 = arith.constant 16 : i32
      %mul3A_579 = arith.muli %add3A_577, %mul3A_578 : i32
      %get3A = arith.index_cast %mul3A_579 : i32 to index
      %get3A_580 = tpu.vector_load %arg5[%get3A] {strides = array<i32>} : memref<10112xi32, #tpu.memory_space<vmem>>, vector<16xi32>,
      %get3A_581 = vector.shape_cast %get3A_580 : vector<16xi32> to vector<16xi32>
      %mul3A_582 = arith.constant 8 : i32
      %mul3A_583 = vector.broadcast %mul3A_582 : i32 to vector<16xi32>
      %mul3A_584 = arith.muli %get3A_581, %mul3A_583 : vector<16xi32>
      %swap3A = arith.index_cast %mul3A_579 : i32 to index
      %swap3A_585 = tpu.vector_load %arg5[%swap3A] {strides = array<i32>} : memref<10112xi32, #tpu.memory_space<vmem>>, vector<16xi32>,
      %swap3A_586 = vector.shape_cast %swap3A_585 : vector<16xi32> to vector<16xi32>
      %swap3A_587 = vector.shape_cast %mul3A_584 : vector<16xi32> to vector<16xi32>
      tpu.vector_store %arg5[%swap3A], %swap3A_587 {strides = array<i32>} : memref<10112xi32, #tpu.memory_space<vmem>>, vector<16xi32>,
      %mul3A_588 = arith.constant 4 : i32
      %mul3A_589 = arith.muli %scan3A_573, %mul3A_588 : i32
      %add3A_590 = arith.constant 1 : i32
      %add3A_591 = arith.addi %mul3A_589, %add3A_590 : i32
      %mul3A_592 = arith.constant 16 : i32
      %mul3A_593 = arith.muli %add3A_591, %mul3A_592 : i32
      %get3A_594 = arith.index_cast %mul3A_593 : i32 to index
      %get3A_595 = tpu.vector_load %arg5[%get3A_594] {strides = array<i32>} : memref<10112xi32, #tpu.memory_space<vmem>>, vector<16xi32>,
      %get3A_596 = vector.shape_cast %get3A_595 : vector<16xi32> to vector<16xi32>
      %mul3A_597 = arith.constant 8 : i32
      %mul3A_598 = vector.broadcast %mul3A_597 : i32 to vector<16xi32>
      %mul3A_599 = arith.muli %get3A_596, %mul3A_598 : vector<16xi32>
      %swap3A_600 = arith.index_cast %mul3A_593 : i32 to index
      %swap3A_601 = tpu.vector_load %arg5[%swap3A_600] {strides = array<i32>} : memref<10112xi32, #tpu.memory_space<vmem>>, vector<16xi32>,
      %swap3A_602 = vector.shape_cast %swap3A_601 : vector<16xi32> to vector<16xi32>
      %swap3A_603 = vector.shape_cast %mul3A_599 : vector<16xi32> to vector<16xi32>
      tpu.vector_store %arg5[%swap3A_600], %swap3A_603 {strides = array<i32>} : memref<10112xi32, #tpu.memory_space<vmem>>, vector<16xi32>,
      %mul3A_604 = arith.constant 4 : i32
      %mul3A_605 = arith.muli %scan3A_573, %mul3A_604 : i32
      %add3A_606 = arith.constant 2 : i32
      %add3A_607 = arith.addi %mul3A_605, %add3A_606 : i32
      %mul3A_608 = arith.constant 16 : i32
      %mul3A_609 = arith.muli %add3A_607, %mul3A_608 : i32
      %get3A_610 = arith.index_cast %mul3A_609 : i32 to index
      %get3A_611 = tpu.vector_load %arg5[%get3A_610] {strides = array<i32>} : memref<10112xi32, #tpu.memory_space<vmem>>, vector<16xi32>,
      %get3A_612 = vector.shape_cast %get3A_611 : vector<16xi32> to vector<16xi32>
      %mul3A_613 = arith.constant 8 : i32
      %mul3A_614 = vector.broadcast %mul3A_613 : i32 to vector<16xi32>
      %mul3A_615 = arith.muli %get3A_612, %mul3A_614 : vector<16xi32>
      %swap3A_616 = arith.index_cast %mul3A_609 : i32 to index
      %swap3A_617 = tpu.vector_load %arg5[%swap3A_616] {strides = array<i32>} : memref<10112xi32, #tpu.memory_space<vmem>>, vector<16xi32>,
      %swap3A_618 = vector.shape_cast %swap3A_617 : vector<16xi32> to vector<16xi32>
      %swap3A_619 = vector.shape_cast %mul3A_615 : vector<16xi32> to vector<16xi32>
      tpu.vector_store %arg5[%swap3A_616], %swap3A_619 {strides = array<i32>} : memref<10112xi32, #tpu.memory_space<vmem>>, vector<16xi32>,
      %mul3A_620 = arith.constant 4 : i32
      %mul3A_621 = arith.muli %scan3A_573, %mul3A_620 : i32
      %add3A_622 = arith.constant 3 : i32
      %add3A_623 = arith.addi %mul3A_621, %add3A_622 : i32
      %mul3A_624 = arith.constant 16 : i32
      %mul3A_625 = arith.muli %add3A_623, %mul3A_624 : i32
      %get3A_626 = arith.index_cast %mul3A_625 : i32 to index
      %get3A_627 = tpu.vector_load %arg5[%get3A_626] {strides = array<i32>} : memref<10112xi32, #tpu.memory_space<vmem>>, vector<16xi32>,
      %get3A_628 = vector.shape_cast %get3A_627 : vector<16xi32> to vector<16xi32>
      %mul3A_629 = arith.constant 8 : i32
      %mul3A_630 = vector.broadcast %mul3A_629 : i32 to vector<16xi32>
      %mul3A_631 = arith.muli %get3A_628, %mul3A_630 : vector<16xi32>
      %swap3A_632 = arith.index_cast %mul3A_625 : i32 to index
      %swap3A_633 = tpu.vector_load %arg5[%swap3A_632] {strides = array<i32>} : memref<10112xi32, #tpu.memory_space<vmem>>, vector<16xi32>,
      %swap3A_634 = vector.shape_cast %swap3A_633 : vector<16xi32> to vector<16xi32>
      %swap3A_635 = vector.shape_cast %mul3A_631 : vector<16xi32> to vector<16xi32>
      tpu.vector_store %arg5[%swap3A_632], %swap3A_635 {strides = array<i32>} : memref<10112xi32, #tpu.memory_space<vmem>>, vector<16xi32>,
    }
    %scan3A_31 = arith.constant 158 : i32
    %dma_wait3A_32 = tpu.memref_slice %arg3[%mul3A_11] : memref<640000xi32, #tpu.memory_space<hbm>> -> memref<10112xi32, #tpu.memory_space<hbm>>
    %dma_wait3A_33 = tpu.memref_slice %arg3[%mul3A_11] : memref<640000xi32, #tpu.memory_space<hbm>> -> memref<10112xi32, #tpu.memory_space<hbm>>
    tpu.wait_dma2 semaphore(%arg10 : memref<!tpu.dma_semaphore, #tpu.memory_space<semaphore_mem>>) src(%dma_wait3A_33 : memref<10112xi32, #tpu.memory_space<hbm>>) dst(%arg6 : memref<10112xi32, #tpu.memory_space<vmem>>)
    "tpu.region"() ({
      %run_scoped3A = tpu.sem_alloc : memref<!tpu.dma_semaphore, #tpu.memory_space<semaphore_mem>>
      %dma_start3A_573 = arith.constant 0 : i32
      %dma_start3A_574 = tpu.memref_slice %arg9[%mul3A_24, %dma_start3A_573] : memref<10048x16xf32, #tpu.memory_space<vmem_shared>> -> memref<628x16xf32, #tpu.memory_space<vmem_shared>>
      %dma_start3A_575 = arith.constant 0 : i32
      %dma_start3A_576 = tpu.memref_slice %arg9[%mul3A_24, %dma_start3A_575] : memref<10048x16xf32, #tpu.memory_space<vmem_shared>> -> memref<628x16xf32, #tpu.memory_space<vmem_shared>>
      tpu.enqueue_dma source(%arg8 : memref<628x16xf32, #tpu.memory_space<vmem>>) target(%dma_start3A_576 : memref<628x16xf32, #tpu.memory_space<vmem_shared>>) target_semaphore(%run_scoped3A : memref<!tpu.dma_semaphore, #tpu.memory_space<semaphore_mem>>)
      %dma_wait3A_577 = arith.constant 0 : i32
      %dma_wait3A_578 = tpu.memref_slice %arg9[%mul3A_24, %dma_wait3A_577] : memref<10048x16xf32, #tpu.memory_space<vmem_shared>> -> memref<628x16xf32, #tpu.memory_space<vmem_shared>>
      %dma_wait3A_579 = arith.constant 0 : i32
      %dma_wait3A_580 = tpu.memref_slice %arg9[%mul3A_24, %dma_wait3A_579] : memref<10048x16xf32, #tpu.memory_space<vmem_shared>> -> memref<628x16xf32, #tpu.memory_space<vmem_shared>>
      tpu.wait_dma2 semaphore(%run_scoped3A : memref<!tpu.dma_semaphore, #tpu.memory_space<semaphore_mem>>) src(%arg8 : memref<628x16xf32, #tpu.memory_space<vmem>>) dst(%dma_wait3A_580 : memref<628x16xf32, #tpu.memory_space<vmem_shared>>)
      tpu.yield
    }) : () -> ()
    %barrier3A = arith.constant 0 : index
    tpu.barrier barrier_id(%barrier3A)
    %dma_start3A_34 = arith.constant 0 : i32
    %dma_start3A_35 = arith.constant 0 : i32
    %dma_start3A_36 = arith.constant 0 : i32
    %dma_start3A_37 = tpu.memref_slice %arg7[%dma_start3A_34, %dma_start3A_35, %dma_start3A_36] : memref<16x128x16xf32, #tpu.memory_space<vmem>> -> memref<1x128x16xf32, #tpu.memory_space<vmem>>
    %dma_start3A_38 = tpu.memref_squeeze %dma_start3A_37 : memref<1x128x16xf32, #tpu.memory_space<vmem>> -> memref<128x16xf32, #tpu.memory_space<vmem>>
    %dma_start3A_39 = arith.constant 0 : i32
    %dma_start3A_40 = tpu.memref_slice %arg5[%dma_start3A_39] : memref<10112xi32, #tpu.memory_space<vmem>> -> memref<128xi32, #tpu.memory_space<vmem>>
    %dma_start3A_41 = arith.constant 0 : i32
    %dma_start3A_42 = arith.constant 0 : i32
    %dma_start3A_43 = tpu.memref_slice %arg2[%dma_start3A_41, %dma_start3A_42] : memref<80000x16xf32, #tpu.memory_space<hbm>> -> memref<80000x16xf32, #tpu.memory_space<hbm>>
    tpu.enqueue_indirect_dma source(%dma_start3A_43 : memref<80000x16xf32, #tpu.memory_space<hbm>>) target(%dma_start3A_38 : memref<128x16xf32, #tpu.memory_space<vmem>>) offsets(%dma_start3A_40 : memref<128xi32, #tpu.memory_space<vmem>>) semaphore(%arg10 : memref<!tpu.dma_semaphore, #tpu.memory_space<semaphore_mem>>)
    %dma_start3A_44 = arith.constant 1 : i32
    %dma_start3A_45 = arith.constant 0 : i32
    %dma_start3A_46 = arith.constant 0 : i32
    %dma_start3A_47 = tpu.memref_slice %arg7[%dma_start3A_44, %dma_start3A_45, %dma_start3A_46] : memref<16x128x16xf32, #tpu.memory_space<vmem>> -> memref<1x128x16xf32, #tpu.memory_space<vmem>>
    %dma_start3A_48 = tpu.memref_squeeze %dma_start3A_47 : memref<1x128x16xf32, #tpu.memory_space<vmem>> -> memref<128x16xf32, #tpu.memory_space<vmem>>
    %dma_start3A_49 = arith.constant 128 : i32
    %dma_start3A_50 = tpu.memref_slice %arg5[%dma_start3A_49] : memref<10112xi32, #tpu.memory_space<vmem>> -> memref<128xi32, #tpu.memory_space<vmem>>
    %dma_start3A_51 = arith.constant 0 : i32
    %dma_start3A_52 = arith.constant 0 : i32
    %dma_start3A_53 = tpu.memref_slice %arg2[%dma_start3A_51, %dma_start3A_52] : memref<80000x16xf32, #tpu.memory_space<hbm>> -> memref<80000x16xf32, #tpu.memory_space<hbm>>
    tpu.enqueue_indirect_dma source(%dma_start3A_53 : memref<80000x16xf32, #tpu.memory_space<hbm>>) target(%dma_start3A_48 : memref<128x16xf32, #tpu.memory_space<vmem>>) offsets(%dma_start3A_50 : memref<128xi32, #tpu.memory_space<vmem>>) semaphore(%arg10 : memref<!tpu.dma_semaphore, #tpu.memory_space<semaphore_mem>>)
    %dma_start3A_54 = arith.constant 2 : i32
    %dma_start3A_55 = arith.constant 0 : i32
    %dma_start3A_56 = arith.constant 0 : i32
    %dma_start3A_57 = tpu.memref_slice %arg7[%dma_start3A_54, %dma_start3A_55, %dma_start3A_56] : memref<16x128x16xf32, #tpu.memory_space<vmem>> -> memref<1x128x16xf32, #tpu.memory_space<vmem>>
    %dma_start3A_58 = tpu.memref_squeeze %dma_start3A_57 : memref<1x128x16xf32, #tpu.memory_space<vmem>> -> memref<128x16xf32, #tpu.memory_space<vmem>>
    %dma_start3A_59 = arith.constant 256 : i32
    %dma_start3A_60 = tpu.memref_slice %arg5[%dma_start3A_59] : memref<10112xi32, #tpu.memory_space<vmem>> -> memref<128xi32, #tpu.memory_space<vmem>>
    %dma_start3A_61 = arith.constant 0 : i32
    %dma_start3A_62 = arith.constant 0 : i32
    %dma_start3A_63 = tpu.memref_slice %arg2[%dma_start3A_61, %dma_start3A_62] : memref<80000x16xf32, #tpu.memory_space<hbm>> -> memref<80000x16xf32, #tpu.memory_space<hbm>>
    tpu.enqueue_indirect_dma source(%dma_start3A_63 : memref<80000x16xf32, #tpu.memory_space<hbm>>) target(%dma_start3A_58 : memref<128x16xf32, #tpu.memory_space<vmem>>) offsets(%dma_start3A_60 : memref<128xi32, #tpu.memory_space<vmem>>) semaphore(%arg10 : memref<!tpu.dma_semaphore, #tpu.memory_space<semaphore_mem>>)
    %dma_start3A_64 = arith.constant 3 : i32
    %dma_start3A_65 = arith.constant 0 : i32
    %dma_start3A_66 = arith.constant 0 : i32
    %dma_start3A_67 = tpu.memref_slice %arg7[%dma_start3A_64, %dma_start3A_65, %dma_start3A_66] : memref<16x128x16xf32, #tpu.memory_space<vmem>> -> memref<1x128x16xf32, #tpu.memory_space<vmem>>
    %dma_start3A_68 = tpu.memref_squeeze %dma_start3A_67 : memref<1x128x16xf32, #tpu.memory_space<vmem>> -> memref<128x16xf32, #tpu.memory_space<vmem>>
    %dma_start3A_69 = arith.constant 384 : i32
    %dma_start3A_70 = tpu.memref_slice %arg5[%dma_start3A_69] : memref<10112xi32, #tpu.memory_space<vmem>> -> memref<128xi32, #tpu.memory_space<vmem>>
    %dma_start3A_71 = arith.constant 0 : i32
    %dma_start3A_72 = arith.constant 0 : i32
    %dma_start3A_73 = tpu.memref_slice %arg2[%dma_start3A_71, %dma_start3A_72] : memref<80000x16xf32, #tpu.memory_space<hbm>> -> memref<80000x16xf32, #tpu.memory_space<hbm>>
    tpu.enqueue_indirect_dma source(%dma_start3A_73 : memref<80000x16xf32, #tpu.memory_space<hbm>>) target(%dma_start3A_68 : memref<128x16xf32, #tpu.memory_space<vmem>>) offsets(%dma_start3A_70 : memref<128xi32, #tpu.memory_space<vmem>>) semaphore(%arg10 : memref<!tpu.dma_semaphore, #tpu.memory_space<semaphore_mem>>)
    %dma_start3A_74 = arith.constant 4 : i32
    %dma_start3A_75 = arith.constant 0 : i32
    %dma_start3A_76 = arith.constant 0 : i32
    %dma_start3A_77 = tpu.memref_slice %arg7[%dma_start3A_74, %dma_start3A_75, %dma_start3A_76] : memref<16x128x16xf32, #tpu.memory_space<vmem>> -> memref<1x128x16xf32, #tpu.memory_space<vmem>>
    %dma_start3A_78 = tpu.memref_squeeze %dma_start3A_77 : memref<1x128x16xf32, #tpu.memory_space<vmem>> -> memref<128x16xf32, #tpu.memory_space<vmem>>
    %dma_start3A_79 = arith.constant 512 : i32
    %dma_start3A_80 = tpu.memref_slice %arg5[%dma_start3A_79] : memref<10112xi32, #tpu.memory_space<vmem>> -> memref<128xi32, #tpu.memory_space<vmem>>
    %dma_start3A_81 = arith.constant 0 : i32
    %dma_start3A_82 = arith.constant 0 : i32
    %dma_start3A_83 = tpu.memref_slice %arg2[%dma_start3A_81, %dma_start3A_82] : memref<80000x16xf32, #tpu.memory_space<hbm>> -> memref<80000x16xf32, #tpu.memory_space<hbm>>
    tpu.enqueue_indirect_dma source(%dma_start3A_83 : memref<80000x16xf32, #tpu.memory_space<hbm>>) target(%dma_start3A_78 : memref<128x16xf32, #tpu.memory_space<vmem>>) offsets(%dma_start3A_80 : memref<128xi32, #tpu.memory_space<vmem>>) semaphore(%arg10 : memref<!tpu.dma_semaphore, #tpu.memory_space<semaphore_mem>>)
    %dma_start3A_84 = arith.constant 5 : i32
    %dma_start3A_85 = arith.constant 0 : i32
    %dma_start3A_86 = arith.constant 0 : i32
    %dma_start3A_87 = tpu.memref_slice %arg7[%dma_start3A_84, %dma_start3A_85, %dma_start3A_86] : memref<16x128x16xf32, #tpu.memory_space<vmem>> -> memref<1x128x16xf32, #tpu.memory_space<vmem>>
    %dma_start3A_88 = tpu.memref_squeeze %dma_start3A_87 : memref<1x128x16xf32, #tpu.memory_space<vmem>> -> memref<128x16xf32, #tpu.memory_space<vmem>>
    %dma_start3A_89 = arith.constant 640 : i32
    %dma_start3A_90 = tpu.memref_slice %arg5[%dma_start3A_89] : memref<10112xi32, #tpu.memory_space<vmem>> -> memref<128xi32, #tpu.memory_space<vmem>>
    %dma_start3A_91 = arith.constant 0 : i32
    %dma_start3A_92 = arith.constant 0 : i32
    %dma_start3A_93 = tpu.memref_slice %arg2[%dma_start3A_91, %dma_start3A_92] : memref<80000x16xf32, #tpu.memory_space<hbm>> -> memref<80000x16xf32, #tpu.memory_space<hbm>>
    tpu.enqueue_indirect_dma source(%dma_start3A_93 : memref<80000x16xf32, #tpu.memory_space<hbm>>) target(%dma_start3A_88 : memref<128x16xf32, #tpu.memory_space<vmem>>) offsets(%dma_start3A_90 : memref<128xi32, #tpu.memory_space<vmem>>) semaphore(%arg10 : memref<!tpu.dma_semaphore, #tpu.memory_space<semaphore_mem>>)
    %dma_start3A_94 = arith.constant 6 : i32
    %dma_start3A_95 = arith.constant 0 : i32
    %dma_start3A_96 = arith.constant 0 : i32
    %dma_start3A_97 = tpu.memref_slice %arg7[%dma_start3A_94, %dma_start3A_95, %dma_start3A_96] : memref<16x128x16xf32, #tpu.memory_space<vmem>> -> memref<1x128x16xf32, #tpu.memory_space<vmem>>
    %dma_start3A_98 = tpu.memref_squeeze %dma_start3A_97 : memref<1x128x16xf32, #tpu.memory_space<vmem>> -> memref<128x16xf32, #tpu.memory_space<vmem>>
    %dma_start3A_99 = arith.constant 768 : i32
    %dma_start3A_100 = tpu.memref_slice %arg5[%dma_start3A_99] : memref<10112xi32, #tpu.memory_space<vmem>> -> memref<128xi32, #tpu.memory_space<vmem>>
    %dma_start3A_101 = arith.constant 0 : i32
    %dma_start3A_102 = arith.constant 0 : i32
    %dma_start3A_103 = tpu.memref_slice %arg2[%dma_start3A_101, %dma_start3A_102] : memref<80000x16xf32, #tpu.memory_space<hbm>> -> memref<80000x16xf32, #tpu.memory_space<hbm>>
    tpu.enqueue_indirect_dma source(%dma_start3A_103 : memref<80000x16xf32, #tpu.memory_space<hbm>>) target(%dma_start3A_98 : memref<128x16xf32, #tpu.memory_space<vmem>>) offsets(%dma_start3A_100 : memref<128xi32, #tpu.memory_space<vmem>>) semaphore(%arg10 : memref<!tpu.dma_semaphore, #tpu.memory_space<semaphore_mem>>)
    %dma_start3A_104 = arith.constant 7 : i32
    %dma_start3A_105 = arith.constant 0 : i32
    %dma_start3A_106 = arith.constant 0 : i32
    %dma_start3A_107 = tpu.memref_slice %arg7[%dma_start3A_104, %dma_start3A_105, %dma_start3A_106] : memref<16x128x16xf32, #tpu.memory_space<vmem>> -> memref<1x128x16xf32, #tpu.memory_space<vmem>>
    %dma_start3A_108 = tpu.memref_squeeze %dma_start3A_107 : memref<1x128x16xf32, #tpu.memory_space<vmem>> -> memref<128x16xf32, #tpu.memory_space<vmem>>
    %dma_start3A_109 = arith.constant 896 : i32
    %dma_start3A_110 = tpu.memref_slice %arg5[%dma_start3A_109] : memref<10112xi32, #tpu.memory_space<vmem>> -> memref<128xi32, #tpu.memory_space<vmem>>
    %dma_start3A_111 = arith.constant 0 : i32
    %dma_start3A_112 = arith.constant 0 : i32
    %dma_start3A_113 = tpu.memref_slice %arg2[%dma_start3A_111, %dma_start3A_112] : memref<80000x16xf32, #tpu.memory_space<hbm>> -> memref<80000x16xf32, #tpu.memory_space<hbm>>
    tpu.enqueue_indirect_dma source(%dma_start3A_113 : memref<80000x16xf32, #tpu.memory_space<hbm>>) target(%dma_start3A_108 : memref<128x16xf32, #tpu.memory_space<vmem>>) offsets(%dma_start3A_110 : memref<128xi32, #tpu.memory_space<vmem>>) semaphore(%arg10 : memref<!tpu.dma_semaphore, #tpu.memory_space<semaphore_mem>>)
    %scan3A_114 = arith.constant 0 : i32
    %scan3A_115 = arith.constant 0 : i32
    %scan3A_116 = arith.constant 4 : i32
    %scan3A_117 = arith.addi %scan3A_115, %scan3A_116 : i32
    %scan3A_118 = arith.constant 1 : i32
    scf.for %scan3A_573 = %scan3A_115 to %scan3A_117 step %scan3A_118  : i32 {
      %mul3A_574 = arith.constant 16 : i32
      %mul3A_575 = arith.muli %scan3A_573, %mul3A_574 : i32
      %add3A_576 = arith.constant 0 : i32
      %add3A_577 = arith.addi %mul3A_575, %add3A_576 : i32
      %dma_wait3A_578 = arith.constant 0 : i32
      %dma_wait3A_579 = arith.constant 0 : i32
      %dma_wait3A_580 = arith.constant 0 : i32
      %dma_wait3A_581 = tpu.memref_slice %arg7[%dma_wait3A_578, %dma_wait3A_579, %dma_wait3A_580] : memref<16x128x16xf32, #tpu.memory_space<vmem>> -> memref<1x128x16xf32, #tpu.memory_space<vmem>>
      %dma_wait3A_582 = tpu.memref_squeeze %dma_wait3A_581 : memref<1x128x16xf32, #tpu.memory_space<vmem>> -> memref<128x16xf32, #tpu.memory_space<vmem>>
      %dma_wait3A_583 = arith.constant 0 : i32
      %dma_wait3A_584 = tpu.memref_slice %arg5[%dma_wait3A_583] : memref<10112xi32, #tpu.memory_space<vmem>> -> memref<128xi32, #tpu.memory_space<vmem>>
      %dma_wait3A_585 = arith.constant 0 : i32
      %dma_wait3A_586 = arith.constant 0 : i32
      %dma_wait3A_587 = tpu.memref_slice %arg2[%dma_wait3A_585, %dma_wait3A_586] : memref<80000x16xf32, #tpu.memory_space<hbm>> -> memref<80000x16xf32, #tpu.memory_space<hbm>>
      tpu.wait_indirect_dma semaphore(%arg10 : memref<!tpu.dma_semaphore, #tpu.memory_space<semaphore_mem>>) src(%dma_wait3A_587 : memref<80000x16xf32, #tpu.memory_space<hbm>>) dst(%dma_wait3A_582 : memref<128x16xf32, #tpu.memory_space<vmem>>)
      %mul3A_588 = arith.constant 128 : i32
      %mul3A_589 = arith.muli %add3A_577, %mul3A_588 : i32
      %dma_start3A_590 = arith.constant 0 : i32
      %dma_start3A_591 = arith.constant 0 : i32
      %dma_start3A_592 = arith.constant 0 : i32
      %dma_start3A_593 = tpu.memref_slice %arg7[%dma_start3A_590, %dma_start3A_591, %dma_start3A_592] : memref<16x128x16xf32, #tpu.memory_space<vmem>> -> memref<1x128x16xf32, #tpu.memory_space<vmem>>
      %dma_start3A_594 = tpu.memref_squeeze %dma_start3A_593 : memref<1x128x16xf32, #tpu.memory_space<vmem>> -> memref<128x16xf32, #tpu.memory_space<vmem>>
      %dma_start3A_595 = tpu.memref_slice %arg6[%mul3A_589] : memref<10112xi32, #tpu.memory_space<vmem>> -> memref<128xi32, #tpu.memory_space<vmem>>
      %dma_start3A_596 = arith.constant 0 : i32
      %dma_start3A_597 = arith.constant 0 : i32
      %dma_start3A_598 = tpu.memref_slice %arg9[%dma_start3A_596, %dma_start3A_597] : memref<10048x16xf32, #tpu.memory_space<vmem_shared>> -> memref<10048x16xf32, #tpu.memory_space<vmem_shared>>
      tpu.enqueue_indirect_dma source(%dma_start3A_594 : memref<128x16xf32, #tpu.memory_space<vmem>>) target(%dma_start3A_598 : memref<10048x16xf32, #tpu.memory_space<vmem_shared>>) offsets(%dma_start3A_595 : memref<128xi32, #tpu.memory_space<vmem>>) semaphore(%arg11 : memref<!tpu.dma_semaphore, #tpu.memory_space<semaphore_mem>>) {add = true}
      %gt3A_599 = arith.constant 0 : i32
      %gt3A_600 = arith.cmpi sgt, %scan3A_573, %gt3A_599 : i32
      %convert_element_type3A_601 = arith.extui %gt3A_600 : i1 to i32
      %cond3A_602 = arith.constant 0 : i32
      %cond3A_603 = arith.cmpi ne, %convert_element_type3A_601, %cond3A_602 : i32
      scf.if %cond3A_603 {
        %dma_wait3A_1237 = arith.constant 0 : i32
        %dma_wait3A_1238 = arith.constant 0 : i32
        %dma_wait3A_1239 = arith.constant 0 : i32
        %dma_wait3A_1240 = tpu.memref_slice %arg7[%dma_wait3A_1237, %dma_wait3A_1238, %dma_wait3A_1239] : memref<16x128x16xf32, #tpu.memory_space<vmem>> -> memref<1x128x16xf32, #tpu.memory_space<vmem>>
        %dma_wait3A_1241 = tpu.memref_squeeze %dma_wait3A_1240 : memref<1x128x16xf32, #tpu.memory_space<vmem>> -> memref<128x16xf32, #tpu.memory_space<vmem>>
        %dma_wait3A_1242 = arith.constant 0 : i32
        %dma_wait3A_1243 = tpu.memref_slice %arg6[%dma_wait3A_1242] : memref<10112xi32, #tpu.memory_space<vmem>> -> memref<128xi32, #tpu.memory_space<vmem>>
        %dma_wait3A_1244 = arith.constant 0 : i32
        %dma_wait3A_1245 = arith.constant 0 : i32
        %dma_wait3A_1246 = tpu.memref_slice %arg9[%dma_wait3A_1244, %dma_wait3A_1245] : memref<10048x16xf32, #tpu.memory_space<vmem_shared>> -> memref<10048x16xf32, #tpu.memory_space<vmem_shared>>
        tpu.wait_indirect_dma semaphore(%arg11 : memref<!tpu.dma_semaphore, #tpu.memory_space<semaphore_mem>>) src(%dma_wait3A_1241 : memref<128x16xf32, #tpu.memory_space<vmem>>) dst(%dma_wait3A_1246 : memref<10048x16xf32, #tpu.memory_space<vmem_shared>>)
        %add3A_1247 = arith.constant 8 : i32
        %add3A_1248 = arith.addi %add3A_577, %add3A_1247 : i32
        %mul3A_1249 = arith.constant 128 : i32
        %mul3A_1250 = arith.muli %add3A_1248, %mul3A_1249 : i32
        %dma_start3A_1251 = arith.constant 8 : i32
        %dma_start3A_1252 = arith.constant 0 : i32
        %dma_start3A_1253 = arith.constant 0 : i32
        %dma_start3A_1254 = tpu.memref_slice %arg7[%dma_start3A_1251, %dma_start3A_1252, %dma_start3A_1253] : memref<16x128x16xf32, #tpu.memory_space<vmem>> -> memref<1x128x16xf32, #tpu.memory_space<vmem>>
        %dma_start3A_1255 = tpu.memref_squeeze %dma_start3A_1254 : memref<1x128x16xf32, #tpu.memory_space<vmem>> -> memref<128x16xf32, #tpu.memory_space<vmem>>
        %dma_start3A_1256 = tpu.memref_slice %arg5[%mul3A_1250] : memref<10112xi32, #tpu.memory_space<vmem>> -> memref<128xi32, #tpu.memory_space<vmem>>
        %dma_start3A_1257 = arith.constant 0 : i32
        %dma_start3A_1258 = arith.constant 0 : i32
        %dma_start3A_1259 = tpu.memref_slice %arg2[%dma_start3A_1257, %dma_start3A_1258] : memref<80000x16xf32, #tpu.memory_space<hbm>> -> memref<80000x16xf32, #tpu.memory_space<hbm>>
        tpu.enqueue_indirect_dma source(%dma_start3A_1259 : memref<80000x16xf32, #tpu.memory_space<hbm>>) target(%dma_start3A_1255 : memref<128x16xf32, #tpu.memory_space<vmem>>) offsets(%dma_start3A_1256 : memref<128xi32, #tpu.memory_space<vmem>>) semaphore(%arg10 : memref<!tpu.dma_semaphore, #tpu.memory_space<semaphore_mem>>)
      } else {
      }
      %eq3A = arith.constant 0 : i32
      %eq3A_604 = arith.cmpi eq, %scan3A_573, %eq3A : i32
      %convert_element_type3A_605 = arith.extui %eq3A_604 : i1 to i32
      %cond3A_606 = arith.constant 0 : i32
      %cond3A_607 = arith.cmpi ne, %convert_element_type3A_605, %cond3A_606 : i32
      scf.if %cond3A_607 {
        %add3A_1237 = arith.constant 8 : i32
        %add3A_1238 = arith.addi %add3A_577, %add3A_1237 : i32
        %mul3A_1239 = arith.constant 128 : i32
        %mul3A_1240 = arith.muli %add3A_1238, %mul3A_1239 : i32
        %dma_start3A_1241 = arith.constant 8 : i32
        %dma_start3A_1242 = arith.constant 0 : i32
        %dma_start3A_1243 = arith.constant 0 : i32
        %dma_start3A_1244 = tpu.memref_slice %arg7[%dma_start3A_1241, %dma_start3A_1242, %dma_start3A_1243] : memref<16x128x16xf32, #tpu.memory_space<vmem>> -> memref<1x128x16xf32, #tpu.memory_space<vmem>>
        %dma_start3A_1245 = tpu.memref_squeeze %dma_start3A_1244 : memref<1x128x16xf32, #tpu.memory_space<vmem>> -> memref<128x16xf32, #tpu.memory_space<vmem>>
        %dma_start3A_1246 = tpu.memref_slice %arg5[%mul3A_1240] : memref<10112xi32, #tpu.memory_space<vmem>> -> memref<128xi32, #tpu.memory_space<vmem>>
        %dma_start3A_1247 = arith.constant 0 : i32
        %dma_start3A_1248 = arith.constant 0 : i32
        %dma_start3A_1249 = tpu.memref_slice %arg2[%dma_start3A_1247, %dma_start3A_1248] : memref<80000x16xf32, #tpu.memory_space<hbm>> -> memref<80000x16xf32, #tpu.memory_space<hbm>>
        tpu.enqueue_indirect_dma source(%dma_start3A_1249 : memref<80000x16xf32, #tpu.memory_space<hbm>>) target(%dma_start3A_1245 : memref<128x16xf32, #tpu.memory_space<vmem>>) offsets(%dma_start3A_1246 : memref<128xi32, #tpu.memory_space<vmem>>) semaphore(%arg10 : memref<!tpu.dma_semaphore, #tpu.memory_space<semaphore_mem>>)
      } else {
      }
      %mul3A_608 = arith.constant 16 : i32
      %mul3A_609 = arith.muli %scan3A_573, %mul3A_608 : i32
      %add3A_610 = arith.constant 1 : i32
      %add3A_611 = arith.addi %mul3A_609, %add3A_610 : i32
      %dma_wait3A_612 = arith.constant 1 : i32
      %dma_wait3A_613 = arith.constant 0 : i32
      %dma_wait3A_614 = arith.constant 0 : i32
      %dma_wait3A_615 = tpu.memref_slice %arg7[%dma_wait3A_612, %dma_wait3A_613, %dma_wait3A_614] : memref<16x128x16xf32, #tpu.memory_space<vmem>> -> memref<1x128x16xf32, #tpu.memory_space<vmem>>
      %dma_wait3A_616 = tpu.memref_squeeze %dma_wait3A_615 : memref<1x128x16xf32, #tpu.memory_space<vmem>> -> memref<128x16xf32, #tpu.memory_space<vmem>>
      %dma_wait3A_617 = arith.constant 0 : i32
      %dma_wait3A_618 = tpu.memref_slice %arg5[%dma_wait3A_617] : memref<10112xi32, #tpu.memory_space<vmem>> -> memref<128xi32, #tpu.memory_space<vmem>>
      %dma_wait3A_619 = arith.constant 0 : i32
      %dma_wait3A_620 = arith.constant 0 : i32
      %dma_wait3A_621 = tpu.memref_slice %arg2[%dma_wait3A_619, %dma_wait3A_620] : memref<80000x16xf32, #tpu.memory_space<hbm>> -> memref<80000x16xf32, #tpu.memory_space<hbm>>
      tpu.wait_indirect_dma semaphore(%arg10 : memref<!tpu.dma_semaphore, #tpu.memory_space<semaphore_mem>>) src(%dma_wait3A_621 : memref<80000x16xf32, #tpu.memory_space<hbm>>) dst(%dma_wait3A_616 : memref<128x16xf32, #tpu.memory_space<vmem>>)
      %mul3A_622 = arith.constant 128 : i32
      %mul3A_623 = arith.muli %add3A_611, %mul3A_622 : i32
      %dma_start3A_624 = arith.constant 1 : i32
      %dma_start3A_625 = arith.constant 0 : i32
      %dma_start3A_626 = arith.constant 0 : i32
      %dma_start3A_627 = tpu.memref_slice %arg7[%dma_start3A_624, %dma_start3A_625, %dma_start3A_626] : memref<16x128x16xf32, #tpu.memory_space<vmem>> -> memref<1x128x16xf32, #tpu.memory_space<vmem>>
      %dma_start3A_628 = tpu.memref_squeeze %dma_start3A_627 : memref<1x128x16xf32, #tpu.memory_space<vmem>> -> memref<128x16xf32, #tpu.memory_space<vmem>>
      %dma_start3A_629 = tpu.memref_slice %arg6[%mul3A_623] : memref<10112xi32, #tpu.memory_space<vmem>> -> memref<128xi32, #tpu.memory_space<vmem>>
      %dma_start3A_630 = arith.constant 0 : i32
      %dma_start3A_631 = arith.constant 0 : i32
      %dma_start3A_632 = tpu.memref_slice %arg9[%dma_start3A_630, %dma_start3A_631] : memref<10048x16xf32, #tpu.memory_space<vmem_shared>> -> memref<10048x16xf32, #tpu.memory_space<vmem_shared>>
      tpu.enqueue_indirect_dma source(%dma_start3A_628 : memref<128x16xf32, #tpu.memory_space<vmem>>) target(%dma_start3A_632 : memref<10048x16xf32, #tpu.memory_space<vmem_shared>>) offsets(%dma_start3A_629 : memref<128xi32, #tpu.memory_space<vmem>>) semaphore(%arg11 : memref<!tpu.dma_semaphore, #tpu.memory_space<semaphore_mem>>) {add = true}
      %gt3A_633 = arith.constant 0 : i32
      %gt3A_634 = arith.cmpi sgt, %scan3A_573, %gt3A_633 : i32
      %convert_element_type3A_635 = arith.extui %gt3A_634 : i1 to i32
      %cond3A_636 = arith.constant 0 : i32
      %cond3A_637 = arith.cmpi ne, %convert_element_type3A_635, %cond3A_636 : i32
      scf.if %cond3A_637 {
        %dma_wait3A_1237 = arith.constant 0 : i32
        %dma_wait3A_1238 = arith.constant 0 : i32
        %dma_wait3A_1239 = arith.constant 0 : i32
        %dma_wait3A_1240 = tpu.memref_slice %arg7[%dma_wait3A_1237, %dma_wait3A_1238, %dma_wait3A_1239] : memref<16x128x16xf32, #tpu.memory_space<vmem>> -> memref<1x128x16xf32, #tpu.memory_space<vmem>>
        %dma_wait3A_1241 = tpu.memref_squeeze %dma_wait3A_1240 : memref<1x128x16xf32, #tpu.memory_space<vmem>> -> memref<128x16xf32, #tpu.memory_space<vmem>>
        %dma_wait3A_1242 = arith.constant 0 : i32
        %dma_wait3A_1243 = tpu.memref_slice %arg6[%dma_wait3A_1242] : memref<10112xi32, #tpu.memory_space<vmem>> -> memref<128xi32, #tpu.memory_space<vmem>>
        %dma_wait3A_1244 = arith.constant 0 : i32
        %dma_wait3A_1245 = arith.constant 0 : i32
        %dma_wait3A_1246 = tpu.memref_slice %arg9[%dma_wait3A_1244, %dma_wait3A_1245] : memref<10048x16xf32, #tpu.memory_space<vmem_shared>> -> memref<10048x16xf32, #tpu.memory_space<vmem_shared>>
        tpu.wait_indirect_dma semaphore(%arg11 : memref<!tpu.dma_semaphore, #tpu.memory_space<semaphore_mem>>) src(%dma_wait3A_1241 : memref<128x16xf32, #tpu.memory_space<vmem>>) dst(%dma_wait3A_1246 : memref<10048x16xf32, #tpu.memory_space<vmem_shared>>)
        %add3A_1247 = arith.constant 8 : i32
        %add3A_1248 = arith.addi %add3A_611, %add3A_1247 : i32
        %mul3A_1249 = arith.constant 128 : i32
        %mul3A_1250 = arith.muli %add3A_1248, %mul3A_1249 : i32
        %dma_start3A_1251 = arith.constant 9 : i32
        %dma_start3A_1252 = arith.constant 0 : i32
        %dma_start3A_1253 = arith.constant 0 : i32
        %dma_start3A_1254 = tpu.memref_slice %arg7[%dma_start3A_1251, %dma_start3A_1252, %dma_start3A_1253] : memref<16x128x16xf32, #tpu.memory_space<vmem>> -> memref<1x128x16xf32, #tpu.memory_space<vmem>>
        %dma_start3A_1255 = tpu.memref_squeeze %dma_start3A_1254 : memref<1x128x16xf32, #tpu.memory_space<vmem>> -> memref<128x16xf32, #tpu.memory_space<vmem>>
        %dma_start3A_1256 = tpu.memref_slice %arg5[%mul3A_1250] : memref<10112xi32, #tpu.memory_space<vmem>> -> memref<128xi32, #tpu.memory_space<vmem>>
        %dma_start3A_1257 = arith.constant 0 : i32
        %dma_start3A_1258 = arith.constant 0 : i32
        %dma_start3A_1259 = tpu.memref_slice %arg2[%dma_start3A_1257, %dma_start3A_1258] : memref<80000x16xf32, #tpu.memory_space<hbm>> -> memref<80000x16xf32, #tpu.memory_space<hbm>>
        tpu.enqueue_indirect_dma source(%dma_start3A_1259 : memref<80000x16xf32, #tpu.memory_space<hbm>>) target(%dma_start3A_1255 : memref<128x16xf32, #tpu.memory_space<vmem>>) offsets(%dma_start3A_1256 : memref<128xi32, #tpu.memory_space<vmem>>) semaphore(%arg10 : memref<!tpu.dma_semaphore, #tpu.memory_space<semaphore_mem>>)
      } else {
      }
      %eq3A_638 = arith.constant 0 : i32
      %eq3A_639 = arith.cmpi eq, %scan3A_573, %eq3A_638 : i32
      %convert_element_type3A_640 = arith.extui %eq3A_639 : i1 to i32
      %cond3A_641 = arith.constant 0 : i32
      %cond3A_642 = arith.cmpi ne, %convert_element_type3A_640, %cond3A_641 : i32
      scf.if %cond3A_642 {
        %add3A_1237 = arith.constant 8 : i32
        %add3A_1238 = arith.addi %add3A_611, %add3A_1237 : i32
        %mul3A_1239 = arith.constant 128 : i32
        %mul3A_1240 = arith.muli %add3A_1238, %mul3A_1239 : i32
        %dma_start3A_1241 = arith.constant 9 : i32
        %dma_start3A_1242 = arith.constant 0 : i32
        %dma_start3A_1243 = arith.constant 0 : i32
        %dma_start3A_1244 = tpu.memref_slice %arg7[%dma_start3A_1241, %dma_start3A_1242, %dma_start3A_1243] : memref<16x128x16xf32, #tpu.memory_space<vmem>> -> memref<1x128x16xf32, #tpu.memory_space<vmem>>
        %dma_start3A_1245 = tpu.memref_squeeze %dma_start3A_1244 : memref<1x128x16xf32, #tpu.memory_space<vmem>> -> memref<128x16xf32, #tpu.memory_space<vmem>>
        %dma_start3A_1246 = tpu.memref_slice %arg5[%mul3A_1240] : memref<10112xi32, #tpu.memory_space<vmem>> -> memref<128xi32, #tpu.memory_space<vmem>>
        %dma_start3A_1247 = arith.constant 0 : i32
        %dma_start3A_1248 = arith.constant 0 : i32
        %dma_start3A_1249 = tpu.memref_slice %arg2[%dma_start3A_1247, %dma_start3A_1248] : memref<80000x16xf32, #tpu.memory_space<hbm>> -> memref<80000x16xf32, #tpu.memory_space<hbm>>
        tpu.enqueue_indirect_dma source(%dma_start3A_1249 : memref<80000x16xf32, #tpu.memory_space<hbm>>) target(%dma_start3A_1245 : memref<128x16xf32, #tpu.memory_space<vmem>>) offsets(%dma_start3A_1246 : memref<128xi32, #tpu.memory_space<vmem>>) semaphore(%arg10 : memref<!tpu.dma_semaphore, #tpu.memory_space<semaphore_mem>>)
      } else {
      }
      %mul3A_643 = arith.constant 16 : i32
      %mul3A_644 = arith.muli %scan3A_573, %mul3A_643 : i32
      %add3A_645 = arith.constant 2 : i32
      %add3A_646 = arith.addi %mul3A_644, %add3A_645 : i32
      %dma_wait3A_647 = arith.constant 2 : i32
      %dma_wait3A_648 = arith.constant 0 : i32
      %dma_wait3A_649 = arith.constant 0 : i32
      %dma_wait3A_650 = tpu.memref_slice %arg7[%dma_wait3A_647, %dma_wait3A_648, %dma_wait3A_649] : memref<16x128x16xf32, #tpu.memory_space<vmem>> -> memref<1x128x16xf32, #tpu.memory_space<vmem>>
      %dma_wait3A_651 = tpu.memref_squeeze %dma_wait3A_650 : memref<1x128x16xf32, #tpu.memory_space<vmem>> -> memref<128x16xf32, #tpu.memory_space<vmem>>
      %dma_wait3A_652 = arith.constant 0 : i32
      %dma_wait3A_653 = tpu.memref_slice %arg5[%dma_wait3A_652] : memref<10112xi32, #tpu.memory_space<vmem>> -> memref<128xi32, #tpu.memory_space<vmem>>
      %dma_wait3A_654 = arith.constant 0 : i32
      %dma_wait3A_655 = arith.constant 0 : i32
      %dma_wait3A_656 = tpu.memref_slice %arg2[%dma_wait3A_654, %dma_wait3A_655] : memref<80000x16xf32, #tpu.memory_space<hbm>> -> memref<80000x16xf32, #tpu.memory_space<hbm>>
      tpu.wait_indirect_dma semaphore(%arg10 : memref<!tpu.dma_semaphore, #tpu.memory_space<semaphore_mem>>) src(%dma_wait3A_656 : memref<80000x16xf32, #tpu.memory_space<hbm>>) dst(%dma_wait3A_651 : memref<128x16xf32, #tpu.memory_space<vmem>>)
      %mul3A_657 = arith.constant 128 : i32
      %mul3A_658 = arith.muli %add3A_646, %mul3A_657 : i32
      %dma_start3A_659 = arith.constant 2 : i32
      %dma_start3A_660 = arith.constant 0 : i32
      %dma_start3A_661 = arith.constant 0 : i32
      %dma_start3A_662 = tpu.memref_slice %arg7[%dma_start3A_659, %dma_start3A_660, %dma_start3A_661] : memref<16x128x16xf32, #tpu.memory_space<vmem>> -> memref<1x128x16xf32, #tpu.memory_space<vmem>>
      %dma_start3A_663 = tpu.memref_squeeze %dma_start3A_662 : memref<1x128x16xf32, #tpu.memory_space<vmem>> -> memref<128x16xf32, #tpu.memory_space<vmem>>
      %dma_start3A_664 = tpu.memref_slice %arg6[%mul3A_658] : memref<10112xi32, #tpu.memory_space<vmem>> -> memref<128xi32, #tpu.memory_space<vmem>>
      %dma_start3A_665 = arith.constant 0 : i32
      %dma_start3A_666 = arith.constant 0 : i32
      %dma_start3A_667 = tpu.memref_slice %arg9[%dma_start3A_665, %dma_start3A_666] : memref<10048x16xf32, #tpu.memory_space<vmem_shared>> -> memref<10048x16xf32, #tpu.memory_space<vmem_shared>>
      tpu.enqueue_indirect_dma source(%dma_start3A_663 : memref<128x16xf32, #tpu.memory_space<vmem>>) target(%dma_start3A_667 : memref<10048x16xf32, #tpu.memory_space<vmem_shared>>) offsets(%dma_start3A_664 : memref<128xi32, #tpu.memory_space<vmem>>) semaphore(%arg11 : memref<!tpu.dma_semaphore, #tpu.memory_space<semaphore_mem>>) {add = true}
      %gt3A_668 = arith.constant 0 : i32
      %gt3A_669 = arith.cmpi sgt, %scan3A_573, %gt3A_668 : i32
      %convert_element_type3A_670 = arith.extui %gt3A_669 : i1 to i32
      %cond3A_671 = arith.constant 0 : i32
      %cond3A_672 = arith.cmpi ne, %convert_element_type3A_670, %cond3A_671 : i32
      scf.if %cond3A_672 {
        %dma_wait3A_1237 = arith.constant 0 : i32
        %dma_wait3A_1238 = arith.constant 0 : i32
        %dma_wait3A_1239 = arith.constant 0 : i32
        %dma_wait3A_1240 = tpu.memref_slice %arg7[%dma_wait3A_1237, %dma_wait3A_1238, %dma_wait3A_1239] : memref<16x128x16xf32, #tpu.memory_space<vmem>> -> memref<1x128x16xf32, #tpu.memory_space<vmem>>
        %dma_wait3A_1241 = tpu.memref_squeeze %dma_wait3A_1240 : memref<1x128x16xf32, #tpu.memory_space<vmem>> -> memref<128x16xf32, #tpu.memory_space<vmem>>
        %dma_wait3A_1242 = arith.constant 0 : i32
        %dma_wait3A_1243 = tpu.memref_slice %arg6[%dma_wait3A_1242] : memref<10112xi32, #tpu.memory_space<vmem>> -> memref<128xi32, #tpu.memory_space<vmem>>
        %dma_wait3A_1244 = arith.constant 0 : i32
        %dma_wait3A_1245 = arith.constant 0 : i32
        %dma_wait3A_1246 = tpu.memref_slice %arg9[%dma_wait3A_1244, %dma_wait3A_1245] : memref<10048x16xf32, #tpu.memory_space<vmem_shared>> -> memref<10048x16xf32, #tpu.memory_space<vmem_shared>>
        tpu.wait_indirect_dma semaphore(%arg11 : memref<!tpu.dma_semaphore, #tpu.memory_space<semaphore_mem>>) src(%dma_wait3A_1241 : memref<128x16xf32, #tpu.memory_space<vmem>>) dst(%dma_wait3A_1246 : memref<10048x16xf32, #tpu.memory_space<vmem_shared>>)
        %add3A_1247 = arith.constant 8 : i32
        %add3A_1248 = arith.addi %add3A_646, %add3A_1247 : i32
        %mul3A_1249 = arith.constant 128 : i32
        %mul3A_1250 = arith.muli %add3A_1248, %mul3A_1249 : i32
        %dma_start3A_1251 = arith.constant 10 : i32
        %dma_start3A_1252 = arith.constant 0 : i32
        %dma_start3A_1253 = arith.constant 0 : i32
        %dma_start3A_1254 = tpu.memref_slice %arg7[%dma_start3A_1251, %dma_start3A_1252, %dma_start3A_1253] : memref<16x128x16xf32, #tpu.memory_space<vmem>> -> memref<1x128x16xf32, #tpu.memory_space<vmem>>
        %dma_start3A_1255 = tpu.memref_squeeze %dma_start3A_1254 : memref<1x128x16xf32, #tpu.memory_space<vmem>> -> memref<128x16xf32, #tpu.memory_space<vmem>>
        %dma_start3A_1256 = tpu.memref_slice %arg5[%mul3A_1250] : memref<10112xi32, #tpu.memory_space<vmem>> -> memref<128xi32, #tpu.memory_space<vmem>>
        %dma_start3A_1257 = arith.constant 0 : i32
        %dma_start3A_1258 = arith.constant 0 : i32
        %dma_start3A_1259 = tpu.memref_slice %arg2[%dma_start3A_1257, %dma_start3A_1258] : memref<80000x16xf32, #tpu.memory_space<hbm>> -> memref<80000x16xf32, #tpu.memory_space<hbm>>
        tpu.enqueue_indirect_dma source(%dma_start3A_1259 : memref<80000x16xf32, #tpu.memory_space<hbm>>) target(%dma_start3A_1255 : memref<128x16xf32, #tpu.memory_space<vmem>>) offsets(%dma_start3A_1256 : memref<128xi32, #tpu.memory_space<vmem>>) semaphore(%arg10 : memref<!tpu.dma_semaphore, #tpu.memory_space<semaphore_mem>>)
      } else {
      }
      %eq3A_673 = arith.constant 0 : i32
      %eq3A_674 = arith.cmpi eq, %scan3A_573, %eq3A_673 : i32
      %convert_element_type3A_675 = arith.extui %eq3A_674 : i1 to i32
      %cond3A_676 = arith.constant 0 : i32
      %cond3A_677 = arith.cmpi ne, %convert_element_type3A_675, %cond3A_676 : i32
      scf.if %cond3A_677 {
        %add3A_1237 = arith.constant 8 : i32
        %add3A_1238 = arith.addi %add3A_646, %add3A_1237 : i32
        %mul3A_1239 = arith.constant 128 : i32
        %mul3A_1240 = arith.muli %add3A_1238, %mul3A_1239 : i32
        %dma_start3A_1241 = arith.constant 10 : i32
        %dma_start3A_1242 = arith.constant 0 : i32
        %dma_start3A_1243 = arith.constant 0 : i32
        %dma_start3A_1244 = tpu.memref_slice %arg7[%dma_start3A_1241, %dma_start3A_1242, %dma_start3A_1243] : memref<16x128x16xf32, #tpu.memory_space<vmem>> -> memref<1x128x16xf32, #tpu.memory_space<vmem>>
        %dma_start3A_1245 = tpu.memref_squeeze %dma_start3A_1244 : memref<1x128x16xf32, #tpu.memory_space<vmem>> -> memref<128x16xf32, #tpu.memory_space<vmem>>
        %dma_start3A_1246 = tpu.memref_slice %arg5[%mul3A_1240] : memref<10112xi32, #tpu.memory_space<vmem>> -> memref<128xi32, #tpu.memory_space<vmem>>
        %dma_start3A_1247 = arith.constant 0 : i32
        %dma_start3A_1248 = arith.constant 0 : i32
        %dma_start3A_1249 = tpu.memref_slice %arg2[%dma_start3A_1247, %dma_start3A_1248] : memref<80000x16xf32, #tpu.memory_space<hbm>> -> memref<80000x16xf32, #tpu.memory_space<hbm>>
        tpu.enqueue_indirect_dma source(%dma_start3A_1249 : memref<80000x16xf32, #tpu.memory_space<hbm>>) target(%dma_start3A_1245 : memref<128x16xf32, #tpu.memory_space<vmem>>) offsets(%dma_start3A_1246 : memref<128xi32, #tpu.memory_space<vmem>>) semaphore(%arg10 : memref<!tpu.dma_semaphore, #tpu.memory_space<semaphore_mem>>)
      } else {
      }
      %mul3A_678 = arith.constant 16 : i32
      %mul3A_679 = arith.muli %scan3A_573, %mul3A_678 : i32
      %add3A_680 = arith.constant 3 : i32
      %add3A_681 = arith.addi %mul3A_679, %add3A_680 : i32
      %dma_wait3A_682 = arith.constant 3 : i32
      %dma_wait3A_683 = arith.constant 0 : i32
      %dma_wait3A_684 = arith.constant 0 : i32
      %dma_wait3A_685 = tpu.memref_slice %arg7[%dma_wait3A_682, %dma_wait3A_683, %dma_wait3A_684] : memref<16x128x16xf32, #tpu.memory_space<vmem>> -> memref<1x128x16xf32, #tpu.memory_space<vmem>>
      %dma_wait3A_686 = tpu.memref_squeeze %dma_wait3A_685 : memref<1x128x16xf32, #tpu.memory_space<vmem>> -> memref<128x16xf32, #tpu.memory_space<vmem>>
      %dma_wait3A_687 = arith.constant 0 : i32
      %dma_wait3A_688 = tpu.memref_slice %arg5[%dma_wait3A_687] : memref<10112xi32, #tpu.memory_space<vmem>> -> memref<128xi32, #tpu.memory_space<vmem>>
      %dma_wait3A_689 = arith.constant 0 : i32
      %dma_wait3A_690 = arith.constant 0 : i32
      %dma_wait3A_691 = tpu.memref_slice %arg2[%dma_wait3A_689, %dma_wait3A_690] : memref<80000x16xf32, #tpu.memory_space<hbm>> -> memref<80000x16xf32, #tpu.memory_space<hbm>>
      tpu.wait_indirect_dma semaphore(%arg10 : memref<!tpu.dma_semaphore, #tpu.memory_space<semaphore_mem>>) src(%dma_wait3A_691 : memref<80000x16xf32, #tpu.memory_space<hbm>>) dst(%dma_wait3A_686 : memref<128x16xf32, #tpu.memory_space<vmem>>)
      %mul3A_692 = arith.constant 128 : i32
      %mul3A_693 = arith.muli %add3A_681, %mul3A_692 : i32
      %dma_start3A_694 = arith.constant 3 : i32
      %dma_start3A_695 = arith.constant 0 : i32
      %dma_start3A_696 = arith.constant 0 : i32
      %dma_start3A_697 = tpu.memref_slice %arg7[%dma_start3A_694, %dma_start3A_695, %dma_start3A_696] : memref<16x128x16xf32, #tpu.memory_space<vmem>> -> memref<1x128x16xf32, #tpu.memory_space<vmem>>
      %dma_start3A_698 = tpu.memref_squeeze %dma_start3A_697 : memref<1x128x16xf32, #tpu.memory_space<vmem>> -> memref<128x16xf32, #tpu.memory_space<vmem>>
      %dma_start3A_699 = tpu.memref_slice %arg6[%mul3A_693] : memref<10112xi32, #tpu.memory_space<vmem>> -> memref<128xi32, #tpu.memory_space<vmem>>
      %dma_start3A_700 = arith.constant 0 : i32
      %dma_start3A_701 = arith.constant 0 : i32
      %dma_start3A_702 = tpu.memref_slice %arg9[%dma_start3A_700, %dma_start3A_701] : memref<10048x16xf32, #tpu.memory_space<vmem_shared>> -> memref<10048x16xf32, #tpu.memory_space<vmem_shared>>
      tpu.enqueue_indirect_dma source(%dma_start3A_698 : memref<128x16xf32, #tpu.memory_space<vmem>>) target(%dma_start3A_702 : memref<10048x16xf32, #tpu.memory_space<vmem_shared>>) offsets(%dma_start3A_699 : memref<128xi32, #tpu.memory_space<vmem>>) semaphore(%arg11 : memref<!tpu.dma_semaphore, #tpu.memory_space<semaphore_mem>>) {add = true}
      %gt3A_703 = arith.constant 0 : i32
      %gt3A_704 = arith.cmpi sgt, %scan3A_573, %gt3A_703 : i32
      %convert_element_type3A_705 = arith.extui %gt3A_704 : i1 to i32
      %cond3A_706 = arith.constant 0 : i32
      %cond3A_707 = arith.cmpi ne, %convert_element_type3A_705, %cond3A_706 : i32
      scf.if %cond3A_707 {
        %dma_wait3A_1237 = arith.constant 0 : i32
        %dma_wait3A_1238 = arith.constant 0 : i32
        %dma_wait3A_1239 = arith.constant 0 : i32
        %dma_wait3A_1240 = tpu.memref_slice %arg7[%dma_wait3A_1237, %dma_wait3A_1238, %dma_wait3A_1239] : memref<16x128x16xf32, #tpu.memory_space<vmem>> -> memref<1x128x16xf32, #tpu.memory_space<vmem>>
        %dma_wait3A_1241 = tpu.memref_squeeze %dma_wait3A_1240 : memref<1x128x16xf32, #tpu.memory_space<vmem>> -> memref<128x16xf32, #tpu.memory_space<vmem>>
        %dma_wait3A_1242 = arith.constant 0 : i32
        %dma_wait3A_1243 = tpu.memref_slice %arg6[%dma_wait3A_1242] : memref<10112xi32, #tpu.memory_space<vmem>> -> memref<128xi32, #tpu.memory_space<vmem>>
        %dma_wait3A_1244 = arith.constant 0 : i32
        %dma_wait3A_1245 = arith.constant 0 : i32
        %dma_wait3A_1246 = tpu.memref_slice %arg9[%dma_wait3A_1244, %dma_wait3A_1245] : memref<10048x16xf32, #tpu.memory_space<vmem_shared>> -> memref<10048x16xf32, #tpu.memory_space<vmem_shared>>
        tpu.wait_indirect_dma semaphore(%arg11 : memref<!tpu.dma_semaphore, #tpu.memory_space<semaphore_mem>>) src(%dma_wait3A_1241 : memref<128x16xf32, #tpu.memory_space<vmem>>) dst(%dma_wait3A_1246 : memref<10048x16xf32, #tpu.memory_space<vmem_shared>>)
        %add3A_1247 = arith.constant 8 : i32
        %add3A_1248 = arith.addi %add3A_681, %add3A_1247 : i32
        %mul3A_1249 = arith.constant 128 : i32
        %mul3A_1250 = arith.muli %add3A_1248, %mul3A_1249 : i32
        %dma_start3A_1251 = arith.constant 11 : i32
        %dma_start3A_1252 = arith.constant 0 : i32
        %dma_start3A_1253 = arith.constant 0 : i32
        %dma_start3A_1254 = tpu.memref_slice %arg7[%dma_start3A_1251, %dma_start3A_1252, %dma_start3A_1253] : memref<16x128x16xf32, #tpu.memory_space<vmem>> -> memref<1x128x16xf32, #tpu.memory_space<vmem>>
        %dma_start3A_1255 = tpu.memref_squeeze %dma_start3A_1254 : memref<1x128x16xf32, #tpu.memory_space<vmem>> -> memref<128x16xf32, #tpu.memory_space<vmem>>
        %dma_start3A_1256 = tpu.memref_slice %arg5[%mul3A_1250] : memref<10112xi32, #tpu.memory_space<vmem>> -> memref<128xi32, #tpu.memory_space<vmem>>
        %dma_start3A_1257 = arith.constant 0 : i32
        %dma_start3A_1258 = arith.constant 0 : i32
        %dma_start3A_1259 = tpu.memref_slice %arg2[%dma_start3A_1257, %dma_start3A_1258] : memref<80000x16xf32, #tpu.memory_space<hbm>> -> memref<80000x16xf32, #tpu.memory_space<hbm>>
        tpu.enqueue_indirect_dma source(%dma_start3A_1259 : memref<80000x16xf32, #tpu.memory_space<hbm>>) target(%dma_start3A_1255 : memref<128x16xf32, #tpu.memory_space<vmem>>) offsets(%dma_start3A_1256 : memref<128xi32, #tpu.memory_space<vmem>>) semaphore(%arg10 : memref<!tpu.dma_semaphore, #tpu.memory_space<semaphore_mem>>)
      } else {
      }
      %eq3A_708 = arith.constant 0 : i32
      %eq3A_709 = arith.cmpi eq, %scan3A_573, %eq3A_708 : i32
      %convert_element_type3A_710 = arith.extui %eq3A_709 : i1 to i32
      %cond3A_711 = arith.constant 0 : i32
      %cond3A_712 = arith.cmpi ne, %convert_element_type3A_710, %cond3A_711 : i32
      scf.if %cond3A_712 {
        %add3A_1237 = arith.constant 8 : i32
        %add3A_1238 = arith.addi %add3A_681, %add3A_1237 : i32
        %mul3A_1239 = arith.constant 128 : i32
        %mul3A_1240 = arith.muli %add3A_1238, %mul3A_1239 : i32
        %dma_start3A_1241 = arith.constant 11 : i32
        %dma_start3A_1242 = arith.constant 0 : i32
        %dma_start3A_1243 = arith.constant 0 : i32
        %dma_start3A_1244 = tpu.memref_slice %arg7[%dma_start3A_1241, %dma_start3A_1242, %dma_start3A_1243] : memref<16x128x16xf32, #tpu.memory_space<vmem>> -> memref<1x128x16xf32, #tpu.memory_space<vmem>>
        %dma_start3A_1245 = tpu.memref_squeeze %dma_start3A_1244 : memref<1x128x16xf32, #tpu.memory_space<vmem>> -> memref<128x16xf32, #tpu.memory_space<vmem>>
        %dma_start3A_1246 = tpu.memref_slice %arg5[%mul3A_1240] : memref<10112xi32, #tpu.memory_space<vmem>> -> memref<128xi32, #tpu.memory_space<vmem>>
        %dma_start3A_1247 = arith.constant 0 : i32
        %dma_start3A_1248 = arith.constant 0 : i32
        %dma_start3A_1249 = tpu.memref_slice %arg2[%dma_start3A_1247, %dma_start3A_1248] : memref<80000x16xf32, #tpu.memory_space<hbm>> -> memref<80000x16xf32, #tpu.memory_space<hbm>>
        tpu.enqueue_indirect_dma source(%dma_start3A_1249 : memref<80000x16xf32, #tpu.memory_space<hbm>>) target(%dma_start3A_1245 : memref<128x16xf32, #tpu.memory_space<vmem>>) offsets(%dma_start3A_1246 : memref<128xi32, #tpu.memory_space<vmem>>) semaphore(%arg10 : memref<!tpu.dma_semaphore, #tpu.memory_space<semaphore_mem>>)
      } else {
      }
      %mul3A_713 = arith.constant 16 : i32
      %mul3A_714 = arith.muli %scan3A_573, %mul3A_713 : i32
      %add3A_715 = arith.constant 4 : i32
      %add3A_716 = arith.addi %mul3A_714, %add3A_715 : i32
      %dma_wait3A_717 = arith.constant 4 : i32
      %dma_wait3A_718 = arith.constant 0 : i32
      %dma_wait3A_719 = arith.constant 0 : i32
      %dma_wait3A_720 = tpu.memref_slice %arg7[%dma_wait3A_717, %dma_wait3A_718, %dma_wait3A_719] : memref<16x128x16xf32, #tpu.memory_space<vmem>> -> memref<1x128x16xf32, #tpu.memory_space<vmem>>
      %dma_wait3A_721 = tpu.memref_squeeze %dma_wait3A_720 : memref<1x128x16xf32, #tpu.memory_space<vmem>> -> memref<128x16xf32, #tpu.memory_space<vmem>>
      %dma_wait3A_722 = arith.constant 0 : i32
      %dma_wait3A_723 = tpu.memref_slice %arg5[%dma_wait3A_722] : memref<10112xi32, #tpu.memory_space<vmem>> -> memref<128xi32, #tpu.memory_space<vmem>>
      %dma_wait3A_724 = arith.constant 0 : i32
      %dma_wait3A_725 = arith.constant 0 : i32
      %dma_wait3A_726 = tpu.memref_slice %arg2[%dma_wait3A_724, %dma_wait3A_725] : memref<80000x16xf32, #tpu.memory_space<hbm>> -> memref<80000x16xf32, #tpu.memory_space<hbm>>
      tpu.wait_indirect_dma semaphore(%arg10 : memref<!tpu.dma_semaphore, #tpu.memory_space<semaphore_mem>>) src(%dma_wait3A_726 : memref<80000x16xf32, #tpu.memory_space<hbm>>) dst(%dma_wait3A_721 : memref<128x16xf32, #tpu.memory_space<vmem>>)
      %mul3A_727 = arith.constant 128 : i32
      %mul3A_728 = arith.muli %add3A_716, %mul3A_727 : i32
      %dma_start3A_729 = arith.constant 4 : i32
      %dma_start3A_730 = arith.constant 0 : i32
      %dma_start3A_731 = arith.constant 0 : i32
      %dma_start3A_732 = tpu.memref_slice %arg7[%dma_start3A_729, %dma_start3A_730, %dma_start3A_731] : memref<16x128x16xf32, #tpu.memory_space<vmem>> -> memref<1x128x16xf32, #tpu.memory_space<vmem>>
      %dma_start3A_733 = tpu.memref_squeeze %dma_start3A_732 : memref<1x128x16xf32, #tpu.memory_space<vmem>> -> memref<128x16xf32, #tpu.memory_space<vmem>>
      %dma_start3A_734 = tpu.memref_slice %arg6[%mul3A_728] : memref<10112xi32, #tpu.memory_space<vmem>> -> memref<128xi32, #tpu.memory_space<vmem>>
      %dma_start3A_735 = arith.constant 0 : i32
      %dma_start3A_736 = arith.constant 0 : i32
      %dma_start3A_737 = tpu.memref_slice %arg9[%dma_start3A_735, %dma_start3A_736] : memref<10048x16xf32, #tpu.memory_space<vmem_shared>> -> memref<10048x16xf32, #tpu.memory_space<vmem_shared>>
      tpu.enqueue_indirect_dma source(%dma_start3A_733 : memref<128x16xf32, #tpu.memory_space<vmem>>) target(%dma_start3A_737 : memref<10048x16xf32, #tpu.memory_space<vmem_shared>>) offsets(%dma_start3A_734 : memref<128xi32, #tpu.memory_space<vmem>>) semaphore(%arg11 : memref<!tpu.dma_semaphore, #tpu.memory_space<semaphore_mem>>) {add = true}
      %gt3A_738 = arith.constant 0 : i32
      %gt3A_739 = arith.cmpi sgt, %scan3A_573, %gt3A_738 : i32
      %convert_element_type3A_740 = arith.extui %gt3A_739 : i1 to i32
      %cond3A_741 = arith.constant 0 : i32
      %cond3A_742 = arith.cmpi ne, %convert_element_type3A_740, %cond3A_741 : i32
      scf.if %cond3A_742 {
        %dma_wait3A_1237 = arith.constant 0 : i32
        %dma_wait3A_1238 = arith.constant 0 : i32
        %dma_wait3A_1239 = arith.constant 0 : i32
        %dma_wait3A_1240 = tpu.memref_slice %arg7[%dma_wait3A_1237, %dma_wait3A_1238, %dma_wait3A_1239] : memref<16x128x16xf32, #tpu.memory_space<vmem>> -> memref<1x128x16xf32, #tpu.memory_space<vmem>>
        %dma_wait3A_1241 = tpu.memref_squeeze %dma_wait3A_1240 : memref<1x128x16xf32, #tpu.memory_space<vmem>> -> memref<128x16xf32, #tpu.memory_space<vmem>>
        %dma_wait3A_1242 = arith.constant 0 : i32
        %dma_wait3A_1243 = tpu.memref_slice %arg6[%dma_wait3A_1242] : memref<10112xi32, #tpu.memory_space<vmem>> -> memref<128xi32, #tpu.memory_space<vmem>>
        %dma_wait3A_1244 = arith.constant 0 : i32
        %dma_wait3A_1245 = arith.constant 0 : i32
        %dma_wait3A_1246 = tpu.memref_slice %arg9[%dma_wait3A_1244, %dma_wait3A_1245] : memref<10048x16xf32, #tpu.memory_space<vmem_shared>> -> memref<10048x16xf32, #tpu.memory_space<vmem_shared>>
        tpu.wait_indirect_dma semaphore(%arg11 : memref<!tpu.dma_semaphore, #tpu.memory_space<semaphore_mem>>) src(%dma_wait3A_1241 : memref<128x16xf32, #tpu.memory_space<vmem>>) dst(%dma_wait3A_1246 : memref<10048x16xf32, #tpu.memory_space<vmem_shared>>)
        %add3A_1247 = arith.constant 8 : i32
        %add3A_1248 = arith.addi %add3A_716, %add3A_1247 : i32
        %mul3A_1249 = arith.constant 128 : i32
        %mul3A_1250 = arith.muli %add3A_1248, %mul3A_1249 : i32
        %dma_start3A_1251 = arith.constant 12 : i32
        %dma_start3A_1252 = arith.constant 0 : i32
        %dma_start3A_1253 = arith.constant 0 : i32
        %dma_start3A_1254 = tpu.memref_slice %arg7[%dma_start3A_1251, %dma_start3A_1252, %dma_start3A_1253] : memref<16x128x16xf32, #tpu.memory_space<vmem>> -> memref<1x128x16xf32, #tpu.memory_space<vmem>>
        %dma_start3A_1255 = tpu.memref_squeeze %dma_start3A_1254 : memref<1x128x16xf32, #tpu.memory_space<vmem>> -> memref<128x16xf32, #tpu.memory_space<vmem>>
        %dma_start3A_1256 = tpu.memref_slice %arg5[%mul3A_1250] : memref<10112xi32, #tpu.memory_space<vmem>> -> memref<128xi32, #tpu.memory_space<vmem>>
        %dma_start3A_1257 = arith.constant 0 : i32
        %dma_start3A_1258 = arith.constant 0 : i32
        %dma_start3A_1259 = tpu.memref_slice %arg2[%dma_start3A_1257, %dma_start3A_1258] : memref<80000x16xf32, #tpu.memory_space<hbm>> -> memref<80000x16xf32, #tpu.memory_space<hbm>>
        tpu.enqueue_indirect_dma source(%dma_start3A_1259 : memref<80000x16xf32, #tpu.memory_space<hbm>>) target(%dma_start3A_1255 : memref<128x16xf32, #tpu.memory_space<vmem>>) offsets(%dma_start3A_1256 : memref<128xi32, #tpu.memory_space<vmem>>) semaphore(%arg10 : memref<!tpu.dma_semaphore, #tpu.memory_space<semaphore_mem>>)
      } else {
      }
      %eq3A_743 = arith.constant 0 : i32
      %eq3A_744 = arith.cmpi eq, %scan3A_573, %eq3A_743 : i32
      %convert_element_type3A_745 = arith.extui %eq3A_744 : i1 to i32
      %cond3A_746 = arith.constant 0 : i32
      %cond3A_747 = arith.cmpi ne, %convert_element_type3A_745, %cond3A_746 : i32
      scf.if %cond3A_747 {
        %add3A_1237 = arith.constant 8 : i32
        %add3A_1238 = arith.addi %add3A_716, %add3A_1237 : i32
        %mul3A_1239 = arith.constant 128 : i32
        %mul3A_1240 = arith.muli %add3A_1238, %mul3A_1239 : i32
        %dma_start3A_1241 = arith.constant 12 : i32
        %dma_start3A_1242 = arith.constant 0 : i32
        %dma_start3A_1243 = arith.constant 0 : i32
        %dma_start3A_1244 = tpu.memref_slice %arg7[%dma_start3A_1241, %dma_start3A_1242, %dma_start3A_1243] : memref<16x128x16xf32, #tpu.memory_space<vmem>> -> memref<1x128x16xf32, #tpu.memory_space<vmem>>
        %dma_start3A_1245 = tpu.memref_squeeze %dma_start3A_1244 : memref<1x128x16xf32, #tpu.memory_space<vmem>> -> memref<128x16xf32, #tpu.memory_space<vmem>>
        %dma_start3A_1246 = tpu.memref_slice %arg5[%mul3A_1240] : memref<10112xi32, #tpu.memory_space<vmem>> -> memref<128xi32, #tpu.memory_space<vmem>>
        %dma_start3A_1247 = arith.constant 0 : i32
        %dma_start3A_1248 = arith.constant 0 : i32
        %dma_start3A_1249 = tpu.memref_slice %arg2[%dma_start3A_1247, %dma_start3A_1248] : memref<80000x16xf32, #tpu.memory_space<hbm>> -> memref<80000x16xf32, #tpu.memory_space<hbm>>
        tpu.enqueue_indirect_dma source(%dma_start3A_1249 : memref<80000x16xf32, #tpu.memory_space<hbm>>) target(%dma_start3A_1245 : memref<128x16xf32, #tpu.memory_space<vmem>>) offsets(%dma_start3A_1246 : memref<128xi32, #tpu.memory_space<vmem>>) semaphore(%arg10 : memref<!tpu.dma_semaphore, #tpu.memory_space<semaphore_mem>>)
      } else {
      }
      %mul3A_748 = arith.constant 16 : i32
      %mul3A_749 = arith.muli %scan3A_573, %mul3A_748 : i32
      %add3A_750 = arith.constant 5 : i32
      %add3A_751 = arith.addi %mul3A_749, %add3A_750 : i32
      %dma_wait3A_752 = arith.constant 5 : i32
      %dma_wait3A_753 = arith.constant 0 : i32
      %dma_wait3A_754 = arith.constant 0 : i32
      %dma_wait3A_755 = tpu.memref_slice %arg7[%dma_wait3A_752, %dma_wait3A_753, %dma_wait3A_754] : memref<16x128x16xf32, #tpu.memory_space<vmem>> -> memref<1x128x16xf32, #tpu.memory_space<vmem>>
      %dma_wait3A_756 = tpu.memref_squeeze %dma_wait3A_755 : memref<1x128x16xf32, #tpu.memory_space<vmem>> -> memref<128x16xf32, #tpu.memory_space<vmem>>
      %dma_wait3A_757 = arith.constant 0 : i32
      %dma_wait3A_758 = tpu.memref_slice %arg5[%dma_wait3A_757] : memref<10112xi32, #tpu.memory_space<vmem>> -> memref<128xi32, #tpu.memory_space<vmem>>
      %dma_wait3A_759 = arith.constant 0 : i32
      %dma_wait3A_760 = arith.constant 0 : i32
      %dma_wait3A_761 = tpu.memref_slice %arg2[%dma_wait3A_759, %dma_wait3A_760] : memref<80000x16xf32, #tpu.memory_space<hbm>> -> memref<80000x16xf32, #tpu.memory_space<hbm>>
      tpu.wait_indirect_dma semaphore(%arg10 : memref<!tpu.dma_semaphore, #tpu.memory_space<semaphore_mem>>) src(%dma_wait3A_761 : memref<80000x16xf32, #tpu.memory_space<hbm>>) dst(%dma_wait3A_756 : memref<128x16xf32, #tpu.memory_space<vmem>>)
      %mul3A_762 = arith.constant 128 : i32
      %mul3A_763 = arith.muli %add3A_751, %mul3A_762 : i32
      %dma_start3A_764 = arith.constant 5 : i32
      %dma_start3A_765 = arith.constant 0 : i32
      %dma_start3A_766 = arith.constant 0 : i32
      %dma_start3A_767 = tpu.memref_slice %arg7[%dma_start3A_764, %dma_start3A_765, %dma_start3A_766] : memref<16x128x16xf32, #tpu.memory_space<vmem>> -> memref<1x128x16xf32, #tpu.memory_space<vmem>>
      %dma_start3A_768 = tpu.memref_squeeze %dma_start3A_767 : memref<1x128x16xf32, #tpu.memory_space<vmem>> -> memref<128x16xf32, #tpu.memory_space<vmem>>
      %dma_start3A_769 = tpu.memref_slice %arg6[%mul3A_763] : memref<10112xi32, #tpu.memory_space<vmem>> -> memref<128xi32, #tpu.memory_space<vmem>>
      %dma_start3A_770 = arith.constant 0 : i32
      %dma_start3A_771 = arith.constant 0 : i32
      %dma_start3A_772 = tpu.memref_slice %arg9[%dma_start3A_770, %dma_start3A_771] : memref<10048x16xf32, #tpu.memory_space<vmem_shared>> -> memref<10048x16xf32, #tpu.memory_space<vmem_shared>>
      tpu.enqueue_indirect_dma source(%dma_start3A_768 : memref<128x16xf32, #tpu.memory_space<vmem>>) target(%dma_start3A_772 : memref<10048x16xf32, #tpu.memory_space<vmem_shared>>) offsets(%dma_start3A_769 : memref<128xi32, #tpu.memory_space<vmem>>) semaphore(%arg11 : memref<!tpu.dma_semaphore, #tpu.memory_space<semaphore_mem>>) {add = true}
      %gt3A_773 = arith.constant 0 : i32
      %gt3A_774 = arith.cmpi sgt, %scan3A_573, %gt3A_773 : i32
      %convert_element_type3A_775 = arith.extui %gt3A_774 : i1 to i32
      %cond3A_776 = arith.constant 0 : i32
      %cond3A_777 = arith.cmpi ne, %convert_element_type3A_775, %cond3A_776 : i32
      scf.if %cond3A_777 {
        %dma_wait3A_1237 = arith.constant 0 : i32
        %dma_wait3A_1238 = arith.constant 0 : i32
        %dma_wait3A_1239 = arith.constant 0 : i32
        %dma_wait3A_1240 = tpu.memref_slice %arg7[%dma_wait3A_1237, %dma_wait3A_1238, %dma_wait3A_1239] : memref<16x128x16xf32, #tpu.memory_space<vmem>> -> memref<1x128x16xf32, #tpu.memory_space<vmem>>
        %dma_wait3A_1241 = tpu.memref_squeeze %dma_wait3A_1240 : memref<1x128x16xf32, #tpu.memory_space<vmem>> -> memref<128x16xf32, #tpu.memory_space<vmem>>
        %dma_wait3A_1242 = arith.constant 0 : i32
        %dma_wait3A_1243 = tpu.memref_slice %arg6[%dma_wait3A_1242] : memref<10112xi32, #tpu.memory_space<vmem>> -> memref<128xi32, #tpu.memory_space<vmem>>
        %dma_wait3A_1244 = arith.constant 0 : i32
        %dma_wait3A_1245 = arith.constant 0 : i32
        %dma_wait3A_1246 = tpu.memref_slice %arg9[%dma_wait3A_1244, %dma_wait3A_1245] : memref<10048x16xf32, #tpu.memory_space<vmem_shared>> -> memref<10048x16xf32, #tpu.memory_space<vmem_shared>>
        tpu.wait_indirect_dma semaphore(%arg11 : memref<!tpu.dma_semaphore, #tpu.memory_space<semaphore_mem>>) src(%dma_wait3A_1241 : memref<128x16xf32, #tpu.memory_space<vmem>>) dst(%dma_wait3A_1246 : memref<10048x16xf32, #tpu.memory_space<vmem_shared>>)
        %add3A_1247 = arith.constant 8 : i32
        %add3A_1248 = arith.addi %add3A_751, %add3A_1247 : i32
        %mul3A_1249 = arith.constant 128 : i32
        %mul3A_1250 = arith.muli %add3A_1248, %mul3A_1249 : i32
        %dma_start3A_1251 = arith.constant 13 : i32
        %dma_start3A_1252 = arith.constant 0 : i32
        %dma_start3A_1253 = arith.constant 0 : i32
        %dma_start3A_1254 = tpu.memref_slice %arg7[%dma_start3A_1251, %dma_start3A_1252, %dma_start3A_1253] : memref<16x128x16xf32, #tpu.memory_space<vmem>> -> memref<1x128x16xf32, #tpu.memory_space<vmem>>
        %dma_start3A_1255 = tpu.memref_squeeze %dma_start3A_1254 : memref<1x128x16xf32, #tpu.memory_space<vmem>> -> memref<128x16xf32, #tpu.memory_space<vmem>>
        %dma_start3A_1256 = tpu.memref_slice %arg5[%mul3A_1250] : memref<10112xi32, #tpu.memory_space<vmem>> -> memref<128xi32, #tpu.memory_space<vmem>>
        %dma_start3A_1257 = arith.constant 0 : i32
        %dma_start3A_1258 = arith.constant 0 : i32
        %dma_start3A_1259 = tpu.memref_slice %arg2[%dma_start3A_1257, %dma_start3A_1258] : memref<80000x16xf32, #tpu.memory_space<hbm>> -> memref<80000x16xf32, #tpu.memory_space<hbm>>
        tpu.enqueue_indirect_dma source(%dma_start3A_1259 : memref<80000x16xf32, #tpu.memory_space<hbm>>) target(%dma_start3A_1255 : memref<128x16xf32, #tpu.memory_space<vmem>>) offsets(%dma_start3A_1256 : memref<128xi32, #tpu.memory_space<vmem>>) semaphore(%arg10 : memref<!tpu.dma_semaphore, #tpu.memory_space<semaphore_mem>>)
      } else {
      }
      %eq3A_778 = arith.constant 0 : i32
      %eq3A_779 = arith.cmpi eq, %scan3A_573, %eq3A_778 : i32
      %convert_element_type3A_780 = arith.extui %eq3A_779 : i1 to i32
      %cond3A_781 = arith.constant 0 : i32
      %cond3A_782 = arith.cmpi ne, %convert_element_type3A_780, %cond3A_781 : i32
      scf.if %cond3A_782 {
        %add3A_1237 = arith.constant 8 : i32
        %add3A_1238 = arith.addi %add3A_751, %add3A_1237 : i32
        %mul3A_1239 = arith.constant 128 : i32
        %mul3A_1240 = arith.muli %add3A_1238, %mul3A_1239 : i32
        %dma_start3A_1241 = arith.constant 13 : i32
        %dma_start3A_1242 = arith.constant 0 : i32
        %dma_start3A_1243 = arith.constant 0 : i32
        %dma_start3A_1244 = tpu.memref_slice %arg7[%dma_start3A_1241, %dma_start3A_1242, %dma_start3A_1243] : memref<16x128x16xf32, #tpu.memory_space<vmem>> -> memref<1x128x16xf32, #tpu.memory_space<vmem>>
        %dma_start3A_1245 = tpu.memref_squeeze %dma_start3A_1244 : memref<1x128x16xf32, #tpu.memory_space<vmem>> -> memref<128x16xf32, #tpu.memory_space<vmem>>
        %dma_start3A_1246 = tpu.memref_slice %arg5[%mul3A_1240] : memref<10112xi32, #tpu.memory_space<vmem>> -> memref<128xi32, #tpu.memory_space<vmem>>
        %dma_start3A_1247 = arith.constant 0 : i32
        %dma_start3A_1248 = arith.constant 0 : i32
        %dma_start3A_1249 = tpu.memref_slice %arg2[%dma_start3A_1247, %dma_start3A_1248] : memref<80000x16xf32, #tpu.memory_space<hbm>> -> memref<80000x16xf32, #tpu.memory_space<hbm>>
        tpu.enqueue_indirect_dma source(%dma_start3A_1249 : memref<80000x16xf32, #tpu.memory_space<hbm>>) target(%dma_start3A_1245 : memref<128x16xf32, #tpu.memory_space<vmem>>) offsets(%dma_start3A_1246 : memref<128xi32, #tpu.memory_space<vmem>>) semaphore(%arg10 : memref<!tpu.dma_semaphore, #tpu.memory_space<semaphore_mem>>)
      } else {
      }
      %mul3A_783 = arith.constant 16 : i32
      %mul3A_784 = arith.muli %scan3A_573, %mul3A_783 : i32
      %add3A_785 = arith.constant 6 : i32
      %add3A_786 = arith.addi %mul3A_784, %add3A_785 : i32
      %dma_wait3A_787 = arith.constant 6 : i32
      %dma_wait3A_788 = arith.constant 0 : i32
      %dma_wait3A_789 = arith.constant 0 : i32
      %dma_wait3A_790 = tpu.memref_slice %arg7[%dma_wait3A_787, %dma_wait3A_788, %dma_wait3A_789] : memref<16x128x16xf32, #tpu.memory_space<vmem>> -> memref<1x128x16xf32, #tpu.memory_space<vmem>>
      %dma_wait3A_791 = tpu.memref_squeeze %dma_wait3A_790 : memref<1x128x16xf32, #tpu.memory_space<vmem>> -> memref<128x16xf32, #tpu.memory_space<vmem>>
      %dma_wait3A_792 = arith.constant 0 : i32
      %dma_wait3A_793 = tpu.memref_slice %arg5[%dma_wait3A_792] : memref<10112xi32, #tpu.memory_space<vmem>> -> memref<128xi32, #tpu.memory_space<vmem>>
      %dma_wait3A_794 = arith.constant 0 : i32
      %dma_wait3A_795 = arith.constant 0 : i32
      %dma_wait3A_796 = tpu.memref_slice %arg2[%dma_wait3A_794, %dma_wait3A_795] : memref<80000x16xf32, #tpu.memory_space<hbm>> -> memref<80000x16xf32, #tpu.memory_space<hbm>>
      tpu.wait_indirect_dma semaphore(%arg10 : memref<!tpu.dma_semaphore, #tpu.memory_space<semaphore_mem>>) src(%dma_wait3A_796 : memref<80000x16xf32, #tpu.memory_space<hbm>>) dst(%dma_wait3A_791 : memref<128x16xf32, #tpu.memory_space<vmem>>)
      %mul3A_797 = arith.constant 128 : i32
      %mul3A_798 = arith.muli %add3A_786, %mul3A_797 : i32
      %dma_start3A_799 = arith.constant 6 : i32
      %dma_start3A_800 = arith.constant 0 : i32
      %dma_start3A_801 = arith.constant 0 : i32
      %dma_start3A_802 = tpu.memref_slice %arg7[%dma_start3A_799, %dma_start3A_800, %dma_start3A_801] : memref<16x128x16xf32, #tpu.memory_space<vmem>> -> memref<1x128x16xf32, #tpu.memory_space<vmem>>
      %dma_start3A_803 = tpu.memref_squeeze %dma_start3A_802 : memref<1x128x16xf32, #tpu.memory_space<vmem>> -> memref<128x16xf32, #tpu.memory_space<vmem>>
      %dma_start3A_804 = tpu.memref_slice %arg6[%mul3A_798] : memref<10112xi32, #tpu.memory_space<vmem>> -> memref<128xi32, #tpu.memory_space<vmem>>
      %dma_start3A_805 = arith.constant 0 : i32
      %dma_start3A_806 = arith.constant 0 : i32
      %dma_start3A_807 = tpu.memref_slice %arg9[%dma_start3A_805, %dma_start3A_806] : memref<10048x16xf32, #tpu.memory_space<vmem_shared>> -> memref<10048x16xf32, #tpu.memory_space<vmem_shared>>
      tpu.enqueue_indirect_dma source(%dma_start3A_803 : memref<128x16xf32, #tpu.memory_space<vmem>>) target(%dma_start3A_807 : memref<10048x16xf32, #tpu.memory_space<vmem_shared>>) offsets(%dma_start3A_804 : memref<128xi32, #tpu.memory_space<vmem>>) semaphore(%arg11 : memref<!tpu.dma_semaphore, #tpu.memory_space<semaphore_mem>>) {add = true}
      %gt3A_808 = arith.constant 0 : i32
      %gt3A_809 = arith.cmpi sgt, %scan3A_573, %gt3A_808 : i32
      %convert_element_type3A_810 = arith.extui %gt3A_809 : i1 to i32
      %cond3A_811 = arith.constant 0 : i32
      %cond3A_812 = arith.cmpi ne, %convert_element_type3A_810, %cond3A_811 : i32
      scf.if %cond3A_812 {
        %dma_wait3A_1237 = arith.constant 0 : i32
        %dma_wait3A_1238 = arith.constant 0 : i32
        %dma_wait3A_1239 = arith.constant 0 : i32
        %dma_wait3A_1240 = tpu.memref_slice %arg7[%dma_wait3A_1237, %dma_wait3A_1238, %dma_wait3A_1239] : memref<16x128x16xf32, #tpu.memory_space<vmem>> -> memref<1x128x16xf32, #tpu.memory_space<vmem>>
        %dma_wait3A_1241 = tpu.memref_squeeze %dma_wait3A_1240 : memref<1x128x16xf32, #tpu.memory_space<vmem>> -> memref<128x16xf32, #tpu.memory_space<vmem>>
        %dma_wait3A_1242 = arith.constant 0 : i32
        %dma_wait3A_1243 = tpu.memref_slice %arg6[%dma_wait3A_1242] : memref<10112xi32, #tpu.memory_space<vmem>> -> memref<128xi32, #tpu.memory_space<vmem>>
        %dma_wait3A_1244 = arith.constant 0 : i32
        %dma_wait3A_1245 = arith.constant 0 : i32
        %dma_wait3A_1246 = tpu.memref_slice %arg9[%dma_wait3A_1244, %dma_wait3A_1245] : memref<10048x16xf32, #tpu.memory_space<vmem_shared>> -> memref<10048x16xf32, #tpu.memory_space<vmem_shared>>
        tpu.wait_indirect_dma semaphore(%arg11 : memref<!tpu.dma_semaphore, #tpu.memory_space<semaphore_mem>>) src(%dma_wait3A_1241 : memref<128x16xf32, #tpu.memory_space<vmem>>) dst(%dma_wait3A_1246 : memref<10048x16xf32, #tpu.memory_space<vmem_shared>>)
        %add3A_1247 = arith.constant 8 : i32
        %add3A_1248 = arith.addi %add3A_786, %add3A_1247 : i32
        %mul3A_1249 = arith.constant 128 : i32
        %mul3A_1250 = arith.muli %add3A_1248, %mul3A_1249 : i32
        %dma_start3A_1251 = arith.constant 14 : i32
        %dma_start3A_1252 = arith.constant 0 : i32
        %dma_start3A_1253 = arith.constant 0 : i32
        %dma_start3A_1254 = tpu.memref_slice %arg7[%dma_start3A_1251, %dma_start3A_1252, %dma_start3A_1253] : memref<16x128x16xf32, #tpu.memory_space<vmem>> -> memref<1x128x16xf32, #tpu.memory_space<vmem>>
        %dma_start3A_1255 = tpu.memref_squeeze %dma_start3A_1254 : memref<1x128x16xf32, #tpu.memory_space<vmem>> -> memref<128x16xf32, #tpu.memory_space<vmem>>
        %dma_start3A_1256 = tpu.memref_slice %arg5[%mul3A_1250] : memref<10112xi32, #tpu.memory_space<vmem>> -> memref<128xi32, #tpu.memory_space<vmem>>
        %dma_start3A_1257 = arith.constant 0 : i32
        %dma_start3A_1258 = arith.constant 0 : i32
        %dma_start3A_1259 = tpu.memref_slice %arg2[%dma_start3A_1257, %dma_start3A_1258] : memref<80000x16xf32, #tpu.memory_space<hbm>> -> memref<80000x16xf32, #tpu.memory_space<hbm>>
        tpu.enqueue_indirect_dma source(%dma_start3A_1259 : memref<80000x16xf32, #tpu.memory_space<hbm>>) target(%dma_start3A_1255 : memref<128x16xf32, #tpu.memory_space<vmem>>) offsets(%dma_start3A_1256 : memref<128xi32, #tpu.memory_space<vmem>>) semaphore(%arg10 : memref<!tpu.dma_semaphore, #tpu.memory_space<semaphore_mem>>)
      } else {
      }
      %eq3A_813 = arith.constant 0 : i32
      %eq3A_814 = arith.cmpi eq, %scan3A_573, %eq3A_813 : i32
      %convert_element_type3A_815 = arith.extui %eq3A_814 : i1 to i32
      %cond3A_816 = arith.constant 0 : i32
      %cond3A_817 = arith.cmpi ne, %convert_element_type3A_815, %cond3A_816 : i32
      scf.if %cond3A_817 {
        %add3A_1237 = arith.constant 8 : i32
        %add3A_1238 = arith.addi %add3A_786, %add3A_1237 : i32
        %mul3A_1239 = arith.constant 128 : i32
        %mul3A_1240 = arith.muli %add3A_1238, %mul3A_1239 : i32
        %dma_start3A_1241 = arith.constant 14 : i32
        %dma_start3A_1242 = arith.constant 0 : i32
        %dma_start3A_1243 = arith.constant 0 : i32
        %dma_start3A_1244 = tpu.memref_slice %arg7[%dma_start3A_1241, %dma_start3A_1242, %dma_start3A_1243] : memref<16x128x16xf32, #tpu.memory_space<vmem>> -> memref<1x128x16xf32, #tpu.memory_space<vmem>>
        %dma_start3A_1245 = tpu.memref_squeeze %dma_start3A_1244 : memref<1x128x16xf32, #tpu.memory_space<vmem>> -> memref<128x16xf32, #tpu.memory_space<vmem>>
        %dma_start3A_1246 = tpu.memref_slice %arg5[%mul3A_1240] : memref<10112xi32, #tpu.memory_space<vmem>> -> memref<128xi32, #tpu.memory_space<vmem>>
        %dma_start3A_1247 = arith.constant 0 : i32
        %dma_start3A_1248 = arith.constant 0 : i32
        %dma_start3A_1249 = tpu.memref_slice %arg2[%dma_start3A_1247, %dma_start3A_1248] : memref<80000x16xf32, #tpu.memory_space<hbm>> -> memref<80000x16xf32, #tpu.memory_space<hbm>>
        tpu.enqueue_indirect_dma source(%dma_start3A_1249 : memref<80000x16xf32, #tpu.memory_space<hbm>>) target(%dma_start3A_1245 : memref<128x16xf32, #tpu.memory_space<vmem>>) offsets(%dma_start3A_1246 : memref<128xi32, #tpu.memory_space<vmem>>) semaphore(%arg10 : memref<!tpu.dma_semaphore, #tpu.memory_space<semaphore_mem>>)
      } else {
      }
      %mul3A_818 = arith.constant 16 : i32
      %mul3A_819 = arith.muli %scan3A_573, %mul3A_818 : i32
      %add3A_820 = arith.constant 7 : i32
      %add3A_821 = arith.addi %mul3A_819, %add3A_820 : i32
      %dma_wait3A_822 = arith.constant 7 : i32
      %dma_wait3A_823 = arith.constant 0 : i32
      %dma_wait3A_824 = arith.constant 0 : i32
      %dma_wait3A_825 = tpu.memref_slice %arg7[%dma_wait3A_822, %dma_wait3A_823, %dma_wait3A_824] : memref<16x128x16xf32, #tpu.memory_space<vmem>> -> memref<1x128x16xf32, #tpu.memory_space<vmem>>
      %dma_wait3A_826 = tpu.memref_squeeze %dma_wait3A_825 : memref<1x128x16xf32, #tpu.memory_space<vmem>> -> memref<128x16xf32, #tpu.memory_space<vmem>>
      %dma_wait3A_827 = arith.constant 0 : i32
      %dma_wait3A_828 = tpu.memref_slice %arg5[%dma_wait3A_827] : memref<10112xi32, #tpu.memory_space<vmem>> -> memref<128xi32, #tpu.memory_space<vmem>>
      %dma_wait3A_829 = arith.constant 0 : i32
      %dma_wait3A_830 = arith.constant 0 : i32
      %dma_wait3A_831 = tpu.memref_slice %arg2[%dma_wait3A_829, %dma_wait3A_830] : memref<80000x16xf32, #tpu.memory_space<hbm>> -> memref<80000x16xf32, #tpu.memory_space<hbm>>
      tpu.wait_indirect_dma semaphore(%arg10 : memref<!tpu.dma_semaphore, #tpu.memory_space<semaphore_mem>>) src(%dma_wait3A_831 : memref<80000x16xf32, #tpu.memory_space<hbm>>) dst(%dma_wait3A_826 : memref<128x16xf32, #tpu.memory_space<vmem>>)
      %mul3A_832 = arith.constant 128 : i32
      %mul3A_833 = arith.muli %add3A_821, %mul3A_832 : i32
      %dma_start3A_834 = arith.constant 7 : i32
      %dma_start3A_835 = arith.constant 0 : i32
      %dma_start3A_836 = arith.constant 0 : i32
      %dma_start3A_837 = tpu.memref_slice %arg7[%dma_start3A_834, %dma_start3A_835, %dma_start3A_836] : memref<16x128x16xf32, #tpu.memory_space<vmem>> -> memref<1x128x16xf32, #tpu.memory_space<vmem>>
      %dma_start3A_838 = tpu.memref_squeeze %dma_start3A_837 : memref<1x128x16xf32, #tpu.memory_space<vmem>> -> memref<128x16xf32, #tpu.memory_space<vmem>>
      %dma_start3A_839 = tpu.memref_slice %arg6[%mul3A_833] : memref<10112xi32, #tpu.memory_space<vmem>> -> memref<128xi32, #tpu.memory_space<vmem>>
      %dma_start3A_840 = arith.constant 0 : i32
      %dma_start3A_841 = arith.constant 0 : i32
      %dma_start3A_842 = tpu.memref_slice %arg9[%dma_start3A_840, %dma_start3A_841] : memref<10048x16xf32, #tpu.memory_space<vmem_shared>> -> memref<10048x16xf32, #tpu.memory_space<vmem_shared>>
      tpu.enqueue_indirect_dma source(%dma_start3A_838 : memref<128x16xf32, #tpu.memory_space<vmem>>) target(%dma_start3A_842 : memref<10048x16xf32, #tpu.memory_space<vmem_shared>>) offsets(%dma_start3A_839 : memref<128xi32, #tpu.memory_space<vmem>>) semaphore(%arg11 : memref<!tpu.dma_semaphore, #tpu.memory_space<semaphore_mem>>) {add = true}
      %gt3A_843 = arith.constant 0 : i32
      %gt3A_844 = arith.cmpi sgt, %scan3A_573, %gt3A_843 : i32
      %convert_element_type3A_845 = arith.extui %gt3A_844 : i1 to i32
      %cond3A_846 = arith.constant 0 : i32
      %cond3A_847 = arith.cmpi ne, %convert_element_type3A_845, %cond3A_846 : i32
      scf.if %cond3A_847 {
        %dma_wait3A_1237 = arith.constant 0 : i32
        %dma_wait3A_1238 = arith.constant 0 : i32
        %dma_wait3A_1239 = arith.constant 0 : i32
        %dma_wait3A_1240 = tpu.memref_slice %arg7[%dma_wait3A_1237, %dma_wait3A_1238, %dma_wait3A_1239] : memref<16x128x16xf32, #tpu.memory_space<vmem>> -> memref<1x128x16xf32, #tpu.memory_space<vmem>>
        %dma_wait3A_1241 = tpu.memref_squeeze %dma_wait3A_1240 : memref<1x128x16xf32, #tpu.memory_space<vmem>> -> memref<128x16xf32, #tpu.memory_space<vmem>>
        %dma_wait3A_1242 = arith.constant 0 : i32
        %dma_wait3A_1243 = tpu.memref_slice %arg6[%dma_wait3A_1242] : memref<10112xi32, #tpu.memory_space<vmem>> -> memref<128xi32, #tpu.memory_space<vmem>>
        %dma_wait3A_1244 = arith.constant 0 : i32
        %dma_wait3A_1245 = arith.constant 0 : i32
        %dma_wait3A_1246 = tpu.memref_slice %arg9[%dma_wait3A_1244, %dma_wait3A_1245] : memref<10048x16xf32, #tpu.memory_space<vmem_shared>> -> memref<10048x16xf32, #tpu.memory_space<vmem_shared>>
        tpu.wait_indirect_dma semaphore(%arg11 : memref<!tpu.dma_semaphore, #tpu.memory_space<semaphore_mem>>) src(%dma_wait3A_1241 : memref<128x16xf32, #tpu.memory_space<vmem>>) dst(%dma_wait3A_1246 : memref<10048x16xf32, #tpu.memory_space<vmem_shared>>)
        %add3A_1247 = arith.constant 8 : i32
        %add3A_1248 = arith.addi %add3A_821, %add3A_1247 : i32
        %mul3A_1249 = arith.constant 128 : i32
        %mul3A_1250 = arith.muli %add3A_1248, %mul3A_1249 : i32
        %dma_start3A_1251 = arith.constant 15 : i32
        %dma_start3A_1252 = arith.constant 0 : i32
        %dma_start3A_1253 = arith.constant 0 : i32
        %dma_start3A_1254 = tpu.memref_slice %arg7[%dma_start3A_1251, %dma_start3A_1252, %dma_start3A_1253] : memref<16x128x16xf32, #tpu.memory_space<vmem>> -> memref<1x128x16xf32, #tpu.memory_space<vmem>>
        %dma_start3A_1255 = tpu.memref_squeeze %dma_start3A_1254 : memref<1x128x16xf32, #tpu.memory_space<vmem>> -> memref<128x16xf32, #tpu.memory_space<vmem>>
        %dma_start3A_1256 = tpu.memref_slice %arg5[%mul3A_1250] : memref<10112xi32, #tpu.memory_space<vmem>> -> memref<128xi32, #tpu.memory_space<vmem>>
        %dma_start3A_1257 = arith.constant 0 : i32
        %dma_start3A_1258 = arith.constant 0 : i32
        %dma_start3A_1259 = tpu.memref_slice %arg2[%dma_start3A_1257, %dma_start3A_1258] : memref<80000x16xf32, #tpu.memory_space<hbm>> -> memref<80000x16xf32, #tpu.memory_space<hbm>>
        tpu.enqueue_indirect_dma source(%dma_start3A_1259 : memref<80000x16xf32, #tpu.memory_space<hbm>>) target(%dma_start3A_1255 : memref<128x16xf32, #tpu.memory_space<vmem>>) offsets(%dma_start3A_1256 : memref<128xi32, #tpu.memory_space<vmem>>) semaphore(%arg10 : memref<!tpu.dma_semaphore, #tpu.memory_space<semaphore_mem>>)
      } else {
      }
      %eq3A_848 = arith.constant 0 : i32
      %eq3A_849 = arith.cmpi eq, %scan3A_573, %eq3A_848 : i32
      %convert_element_type3A_850 = arith.extui %eq3A_849 : i1 to i32
      %cond3A_851 = arith.constant 0 : i32
      %cond3A_852 = arith.cmpi ne, %convert_element_type3A_850, %cond3A_851 : i32
      scf.if %cond3A_852 {
        %add3A_1237 = arith.constant 8 : i32
        %add3A_1238 = arith.addi %add3A_821, %add3A_1237 : i32
        %mul3A_1239 = arith.constant 128 : i32
        %mul3A_1240 = arith.muli %add3A_1238, %mul3A_1239 : i32
        %dma_start3A_1241 = arith.constant 15 : i32
        %dma_start3A_1242 = arith.constant 0 : i32
        %dma_start3A_1243 = arith.constant 0 : i32
        %dma_start3A_1244 = tpu.memref_slice %arg7[%dma_start3A_1241, %dma_start3A_1242, %dma_start3A_1243] : memref<16x128x16xf32, #tpu.memory_space<vmem>> -> memref<1x128x16xf32, #tpu.memory_space<vmem>>
        %dma_start3A_1245 = tpu.memref_squeeze %dma_start3A_1244 : memref<1x128x16xf32, #tpu.memory_space<vmem>> -> memref<128x16xf32, #tpu.memory_space<vmem>>
        %dma_start3A_1246 = tpu.memref_slice %arg5[%mul3A_1240] : memref<10112xi32, #tpu.memory_space<vmem>> -> memref<128xi32, #tpu.memory_space<vmem>>
        %dma_start3A_1247 = arith.constant 0 : i32
        %dma_start3A_1248 = arith.constant 0 : i32
        %dma_start3A_1249 = tpu.memref_slice %arg2[%dma_start3A_1247, %dma_start3A_1248] : memref<80000x16xf32, #tpu.memory_space<hbm>> -> memref<80000x16xf32, #tpu.memory_space<hbm>>
        tpu.enqueue_indirect_dma source(%dma_start3A_1249 : memref<80000x16xf32, #tpu.memory_space<hbm>>) target(%dma_start3A_1245 : memref<128x16xf32, #tpu.memory_space<vmem>>) offsets(%dma_start3A_1246 : memref<128xi32, #tpu.memory_space<vmem>>) semaphore(%arg10 : memref<!tpu.dma_semaphore, #tpu.memory_space<semaphore_mem>>)
      } else {
      }
      %mul3A_853 = arith.constant 16 : i32
      %mul3A_854 = arith.muli %scan3A_573, %mul3A_853 : i32
      %add3A_855 = arith.constant 8 : i32
      %add3A_856 = arith.addi %mul3A_854, %add3A_855 : i32
      %dma_wait3A_857 = arith.constant 8 : i32
      %dma_wait3A_858 = arith.constant 0 : i32
      %dma_wait3A_859 = arith.constant 0 : i32
      %dma_wait3A_860 = tpu.memref_slice %arg7[%dma_wait3A_857, %dma_wait3A_858, %dma_wait3A_859] : memref<16x128x16xf32, #tpu.memory_space<vmem>> -> memref<1x128x16xf32, #tpu.memory_space<vmem>>
      %dma_wait3A_861 = tpu.memref_squeeze %dma_wait3A_860 : memref<1x128x16xf32, #tpu.memory_space<vmem>> -> memref<128x16xf32, #tpu.memory_space<vmem>>
      %dma_wait3A_862 = arith.constant 0 : i32
      %dma_wait3A_863 = tpu.memref_slice %arg5[%dma_wait3A_862] : memref<10112xi32, #tpu.memory_space<vmem>> -> memref<128xi32, #tpu.memory_space<vmem>>
      %dma_wait3A_864 = arith.constant 0 : i32
      %dma_wait3A_865 = arith.constant 0 : i32
      %dma_wait3A_866 = tpu.memref_slice %arg2[%dma_wait3A_864, %dma_wait3A_865] : memref<80000x16xf32, #tpu.memory_space<hbm>> -> memref<80000x16xf32, #tpu.memory_space<hbm>>
      tpu.wait_indirect_dma semaphore(%arg10 : memref<!tpu.dma_semaphore, #tpu.memory_space<semaphore_mem>>) src(%dma_wait3A_866 : memref<80000x16xf32, #tpu.memory_space<hbm>>) dst(%dma_wait3A_861 : memref<128x16xf32, #tpu.memory_space<vmem>>)
      %mul3A_867 = arith.constant 128 : i32
      %mul3A_868 = arith.muli %add3A_856, %mul3A_867 : i32
      %dma_start3A_869 = arith.constant 8 : i32
      %dma_start3A_870 = arith.constant 0 : i32
      %dma_start3A_871 = arith.constant 0 : i32
      %dma_start3A_872 = tpu.memref_slice %arg7[%dma_start3A_869, %dma_start3A_870, %dma_start3A_871] : memref<16x128x16xf32, #tpu.memory_space<vmem>> -> memref<1x128x16xf32, #tpu.memory_space<vmem>>
      %dma_start3A_873 = tpu.memref_squeeze %dma_start3A_872 : memref<1x128x16xf32, #tpu.memory_space<vmem>> -> memref<128x16xf32, #tpu.memory_space<vmem>>
      %dma_start3A_874 = tpu.memref_slice %arg6[%mul3A_868] : memref<10112xi32, #tpu.memory_space<vmem>> -> memref<128xi32, #tpu.memory_space<vmem>>
      %dma_start3A_875 = arith.constant 0 : i32
      %dma_start3A_876 = arith.constant 0 : i32
      %dma_start3A_877 = tpu.memref_slice %arg9[%dma_start3A_875, %dma_start3A_876] : memref<10048x16xf32, #tpu.memory_space<vmem_shared>> -> memref<10048x16xf32, #tpu.memory_space<vmem_shared>>
      tpu.enqueue_indirect_dma source(%dma_start3A_873 : memref<128x16xf32, #tpu.memory_space<vmem>>) target(%dma_start3A_877 : memref<10048x16xf32, #tpu.memory_space<vmem_shared>>) offsets(%dma_start3A_874 : memref<128xi32, #tpu.memory_space<vmem>>) semaphore(%arg11 : memref<!tpu.dma_semaphore, #tpu.memory_space<semaphore_mem>>) {add = true}
      %dma_wait3A_878 = arith.constant 0 : i32
      %dma_wait3A_879 = arith.constant 0 : i32
      %dma_wait3A_880 = arith.constant 0 : i32
      %dma_wait3A_881 = tpu.memref_slice %arg7[%dma_wait3A_878, %dma_wait3A_879, %dma_wait3A_880] : memref<16x128x16xf32, #tpu.memory_space<vmem>> -> memref<1x128x16xf32, #tpu.memory_space<vmem>>
      %dma_wait3A_882 = tpu.memref_squeeze %dma_wait3A_881 : memref<1x128x16xf32, #tpu.memory_space<vmem>> -> memref<128x16xf32, #tpu.memory_space<vmem>>
      %dma_wait3A_883 = arith.constant 0 : i32
      %dma_wait3A_884 = tpu.memref_slice %arg6[%dma_wait3A_883] : memref<10112xi32, #tpu.memory_space<vmem>> -> memref<128xi32, #tpu.memory_space<vmem>>
      %dma_wait3A_885 = arith.constant 0 : i32
      %dma_wait3A_886 = arith.constant 0 : i32
      %dma_wait3A_887 = tpu.memref_slice %arg9[%dma_wait3A_885, %dma_wait3A_886] : memref<10048x16xf32, #tpu.memory_space<vmem_shared>> -> memref<10048x16xf32, #tpu.memory_space<vmem_shared>>
      tpu.wait_indirect_dma semaphore(%arg11 : memref<!tpu.dma_semaphore, #tpu.memory_space<semaphore_mem>>) src(%dma_wait3A_882 : memref<128x16xf32, #tpu.memory_space<vmem>>) dst(%dma_wait3A_887 : memref<10048x16xf32, #tpu.memory_space<vmem_shared>>)
      %add3A_888 = arith.constant 8 : i32
      %add3A_889 = arith.addi %add3A_856, %add3A_888 : i32
      %mul3A_890 = arith.constant 128 : i32
      %mul3A_891 = arith.muli %add3A_889, %mul3A_890 : i32
      %dma_start3A_892 = arith.constant 0 : i32
      %dma_start3A_893 = arith.constant 0 : i32
      %dma_start3A_894 = arith.constant 0 : i32
      %dma_start3A_895 = tpu.memref_slice %arg7[%dma_start3A_892, %dma_start3A_893, %dma_start3A_894] : memref<16x128x16xf32, #tpu.memory_space<vmem>> -> memref<1x128x16xf32, #tpu.memory_space<vmem>>
      %dma_start3A_896 = tpu.memref_squeeze %dma_start3A_895 : memref<1x128x16xf32, #tpu.memory_space<vmem>> -> memref<128x16xf32, #tpu.memory_space<vmem>>
      %dma_start3A_897 = tpu.memref_slice %arg5[%mul3A_891] : memref<10112xi32, #tpu.memory_space<vmem>> -> memref<128xi32, #tpu.memory_space<vmem>>
      %dma_start3A_898 = arith.constant 0 : i32
      %dma_start3A_899 = arith.constant 0 : i32
      %dma_start3A_900 = tpu.memref_slice %arg2[%dma_start3A_898, %dma_start3A_899] : memref<80000x16xf32, #tpu.memory_space<hbm>> -> memref<80000x16xf32, #tpu.memory_space<hbm>>
      tpu.enqueue_indirect_dma source(%dma_start3A_900 : memref<80000x16xf32, #tpu.memory_space<hbm>>) target(%dma_start3A_896 : memref<128x16xf32, #tpu.memory_space<vmem>>) offsets(%dma_start3A_897 : memref<128xi32, #tpu.memory_space<vmem>>) semaphore(%arg10 : memref<!tpu.dma_semaphore, #tpu.memory_space<semaphore_mem>>)
      %mul3A_901 = arith.constant 16 : i32
      %mul3A_902 = arith.muli %scan3A_573, %mul3A_901 : i32
      %add3A_903 = arith.constant 9 : i32
      %add3A_904 = arith.addi %mul3A_902, %add3A_903 : i32
      %dma_wait3A_905 = arith.constant 9 : i32
      %dma_wait3A_906 = arith.constant 0 : i32
      %dma_wait3A_907 = arith.constant 0 : i32
      %dma_wait3A_908 = tpu.memref_slice %arg7[%dma_wait3A_905, %dma_wait3A_906, %dma_wait3A_907] : memref<16x128x16xf32, #tpu.memory_space<vmem>> -> memref<1x128x16xf32, #tpu.memory_space<vmem>>
      %dma_wait3A_909 = tpu.memref_squeeze %dma_wait3A_908 : memref<1x128x16xf32, #tpu.memory_space<vmem>> -> memref<128x16xf32, #tpu.memory_space<vmem>>
      %dma_wait3A_910 = arith.constant 0 : i32
      %dma_wait3A_911 = tpu.memref_slice %arg5[%dma_wait3A_910] : memref<10112xi32, #tpu.memory_space<vmem>> -> memref<128xi32, #tpu.memory_space<vmem>>
      %dma_wait3A_912 = arith.constant 0 : i32
      %dma_wait3A_913 = arith.constant 0 : i32
      %dma_wait3A_914 = tpu.memref_slice %arg2[%dma_wait3A_912, %dma_wait3A_913] : memref<80000x16xf32, #tpu.memory_space<hbm>> -> memref<80000x16xf32, #tpu.memory_space<hbm>>
      tpu.wait_indirect_dma semaphore(%arg10 : memref<!tpu.dma_semaphore, #tpu.memory_space<semaphore_mem>>) src(%dma_wait3A_914 : memref<80000x16xf32, #tpu.memory_space<hbm>>) dst(%dma_wait3A_909 : memref<128x16xf32, #tpu.memory_space<vmem>>)
      %mul3A_915 = arith.constant 128 : i32
      %mul3A_916 = arith.muli %add3A_904, %mul3A_915 : i32
      %dma_start3A_917 = arith.constant 9 : i32
      %dma_start3A_918 = arith.constant 0 : i32
      %dma_start3A_919 = arith.constant 0 : i32
      %dma_start3A_920 = tpu.memref_slice %arg7[%dma_start3A_917, %dma_start3A_918, %dma_start3A_919] : memref<16x128x16xf32, #tpu.memory_space<vmem>> -> memref<1x128x16xf32, #tpu.memory_space<vmem>>
      %dma_start3A_921 = tpu.memref_squeeze %dma_start3A_920 : memref<1x128x16xf32, #tpu.memory_space<vmem>> -> memref<128x16xf32, #tpu.memory_space<vmem>>
      %dma_start3A_922 = tpu.memref_slice %arg6[%mul3A_916] : memref<10112xi32, #tpu.memory_space<vmem>> -> memref<128xi32, #tpu.memory_space<vmem>>
      %dma_start3A_923 = arith.constant 0 : i32
      %dma_start3A_924 = arith.constant 0 : i32
      %dma_start3A_925 = tpu.memref_slice %arg9[%dma_start3A_923, %dma_start3A_924] : memref<10048x16xf32, #tpu.memory_space<vmem_shared>> -> memref<10048x16xf32, #tpu.memory_space<vmem_shared>>
      tpu.enqueue_indirect_dma source(%dma_start3A_921 : memref<128x16xf32, #tpu.memory_space<vmem>>) target(%dma_start3A_925 : memref<10048x16xf32, #tpu.memory_space<vmem_shared>>) offsets(%dma_start3A_922 : memref<128xi32, #tpu.memory_space<vmem>>) semaphore(%arg11 : memref<!tpu.dma_semaphore, #tpu.memory_space<semaphore_mem>>) {add = true}
      %dma_wait3A_926 = arith.constant 0 : i32
      %dma_wait3A_927 = arith.constant 0 : i32
      %dma_wait3A_928 = arith.constant 0 : i32
      %dma_wait3A_929 = tpu.memref_slice %arg7[%dma_wait3A_926, %dma_wait3A_927, %dma_wait3A_928] : memref<16x128x16xf32, #tpu.memory_space<vmem>> -> memref<1x128x16xf32, #tpu.memory_space<vmem>>
      %dma_wait3A_930 = tpu.memref_squeeze %dma_wait3A_929 : memref<1x128x16xf32, #tpu.memory_space<vmem>> -> memref<128x16xf32, #tpu.memory_space<vmem>>
      %dma_wait3A_931 = arith.constant 0 : i32
      %dma_wait3A_932 = tpu.memref_slice %arg6[%dma_wait3A_931] : memref<10112xi32, #tpu.memory_space<vmem>> -> memref<128xi32, #tpu.memory_space<vmem>>
      %dma_wait3A_933 = arith.constant 0 : i32
      %dma_wait3A_934 = arith.constant 0 : i32
      %dma_wait3A_935 = tpu.memref_slice %arg9[%dma_wait3A_933, %dma_wait3A_934] : memref<10048x16xf32, #tpu.memory_space<vmem_shared>> -> memref<10048x16xf32, #tpu.memory_space<vmem_shared>>
      tpu.wait_indirect_dma semaphore(%arg11 : memref<!tpu.dma_semaphore, #tpu.memory_space<semaphore_mem>>) src(%dma_wait3A_930 : memref<128x16xf32, #tpu.memory_space<vmem>>) dst(%dma_wait3A_935 : memref<10048x16xf32, #tpu.memory_space<vmem_shared>>)
      %add3A_936 = arith.constant 8 : i32
      %add3A_937 = arith.addi %add3A_904, %add3A_936 : i32
      %mul3A_938 = arith.constant 128 : i32
      %mul3A_939 = arith.muli %add3A_937, %mul3A_938 : i32
      %dma_start3A_940 = arith.constant 1 : i32
      %dma_start3A_941 = arith.constant 0 : i32
      %dma_start3A_942 = arith.constant 0 : i32
      %dma_start3A_943 = tpu.memref_slice %arg7[%dma_start3A_940, %dma_start3A_941, %dma_start3A_942] : memref<16x128x16xf32, #tpu.memory_space<vmem>> -> memref<1x128x16xf32, #tpu.memory_space<vmem>>
      %dma_start3A_944 = tpu.memref_squeeze %dma_start3A_943 : memref<1x128x16xf32, #tpu.memory_space<vmem>> -> memref<128x16xf32, #tpu.memory_space<vmem>>
      %dma_start3A_945 = tpu.memref_slice %arg5[%mul3A_939] : memref<10112xi32, #tpu.memory_space<vmem>> -> memref<128xi32, #tpu.memory_space<vmem>>
      %dma_start3A_946 = arith.constant 0 : i32
      %dma_start3A_947 = arith.constant 0 : i32
      %dma_start3A_948 = tpu.memref_slice %arg2[%dma_start3A_946, %dma_start3A_947] : memref<80000x16xf32, #tpu.memory_space<hbm>> -> memref<80000x16xf32, #tpu.memory_space<hbm>>
      tpu.enqueue_indirect_dma source(%dma_start3A_948 : memref<80000x16xf32, #tpu.memory_space<hbm>>) target(%dma_start3A_944 : memref<128x16xf32, #tpu.memory_space<vmem>>) offsets(%dma_start3A_945 : memref<128xi32, #tpu.memory_space<vmem>>) semaphore(%arg10 : memref<!tpu.dma_semaphore, #tpu.memory_space<semaphore_mem>>)
      %mul3A_949 = arith.constant 16 : i32
      %mul3A_950 = arith.muli %scan3A_573, %mul3A_949 : i32
      %add3A_951 = arith.constant 10 : i32
      %add3A_952 = arith.addi %mul3A_950, %add3A_951 : i32
      %dma_wait3A_953 = arith.constant 10 : i32
      %dma_wait3A_954 = arith.constant 0 : i32
      %dma_wait3A_955 = arith.constant 0 : i32
      %dma_wait3A_956 = tpu.memref_slice %arg7[%dma_wait3A_953, %dma_wait3A_954, %dma_wait3A_955] : memref<16x128x16xf32, #tpu.memory_space<vmem>> -> memref<1x128x16xf32, #tpu.memory_space<vmem>>
      %dma_wait3A_957 = tpu.memref_squeeze %dma_wait3A_956 : memref<1x128x16xf32, #tpu.memory_space<vmem>> -> memref<128x16xf32, #tpu.memory_space<vmem>>
      %dma_wait3A_958 = arith.constant 0 : i32
      %dma_wait3A_959 = tpu.memref_slice %arg5[%dma_wait3A_958] : memref<10112xi32, #tpu.memory_space<vmem>> -> memref<128xi32, #tpu.memory_space<vmem>>
      %dma_wait3A_960 = arith.constant 0 : i32
      %dma_wait3A_961 = arith.constant 0 : i32
      %dma_wait3A_962 = tpu.memref_slice %arg2[%dma_wait3A_960, %dma_wait3A_961] : memref<80000x16xf32, #tpu.memory_space<hbm>> -> memref<80000x16xf32, #tpu.memory_space<hbm>>
      tpu.wait_indirect_dma semaphore(%arg10 : memref<!tpu.dma_semaphore, #tpu.memory_space<semaphore_mem>>) src(%dma_wait3A_962 : memref<80000x16xf32, #tpu.memory_space<hbm>>) dst(%dma_wait3A_957 : memref<128x16xf32, #tpu.memory_space<vmem>>)
      %mul3A_963 = arith.constant 128 : i32
      %mul3A_964 = arith.muli %add3A_952, %mul3A_963 : i32
      %dma_start3A_965 = arith.constant 10 : i32
      %dma_start3A_966 = arith.constant 0 : i32
      %dma_start3A_967 = arith.constant 0 : i32
      %dma_start3A_968 = tpu.memref_slice %arg7[%dma_start3A_965, %dma_start3A_966, %dma_start3A_967] : memref<16x128x16xf32, #tpu.memory_space<vmem>> -> memref<1x128x16xf32, #tpu.memory_space<vmem>>
      %dma_start3A_969 = tpu.memref_squeeze %dma_start3A_968 : memref<1x128x16xf32, #tpu.memory_space<vmem>> -> memref<128x16xf32, #tpu.memory_space<vmem>>
      %dma_start3A_970 = tpu.memref_slice %arg6[%mul3A_964] : memref<10112xi32, #tpu.memory_space<vmem>> -> memref<128xi32, #tpu.memory_space<vmem>>
      %dma_start3A_971 = arith.constant 0 : i32
      %dma_start3A_972 = arith.constant 0 : i32
      %dma_start3A_973 = tpu.memref_slice %arg9[%dma_start3A_971, %dma_start3A_972] : memref<10048x16xf32, #tpu.memory_space<vmem_shared>> -> memref<10048x16xf32, #tpu.memory_space<vmem_shared>>
      tpu.enqueue_indirect_dma source(%dma_start3A_969 : memref<128x16xf32, #tpu.memory_space<vmem>>) target(%dma_start3A_973 : memref<10048x16xf32, #tpu.memory_space<vmem_shared>>) offsets(%dma_start3A_970 : memref<128xi32, #tpu.memory_space<vmem>>) semaphore(%arg11 : memref<!tpu.dma_semaphore, #tpu.memory_space<semaphore_mem>>) {add = true}
      %dma_wait3A_974 = arith.constant 0 : i32
      %dma_wait3A_975 = arith.constant 0 : i32
      %dma_wait3A_976 = arith.constant 0 : i32
      %dma_wait3A_977 = tpu.memref_slice %arg7[%dma_wait3A_974, %dma_wait3A_975, %dma_wait3A_976] : memref<16x128x16xf32, #tpu.memory_space<vmem>> -> memref<1x128x16xf32, #tpu.memory_space<vmem>>
      %dma_wait3A_978 = tpu.memref_squeeze %dma_wait3A_977 : memref<1x128x16xf32, #tpu.memory_space<vmem>> -> memref<128x16xf32, #tpu.memory_space<vmem>>
      %dma_wait3A_979 = arith.constant 0 : i32
      %dma_wait3A_980 = tpu.memref_slice %arg6[%dma_wait3A_979] : memref<10112xi32, #tpu.memory_space<vmem>> -> memref<128xi32, #tpu.memory_space<vmem>>
      %dma_wait3A_981 = arith.constant 0 : i32
      %dma_wait3A_982 = arith.constant 0 : i32
      %dma_wait3A_983 = tpu.memref_slice %arg9[%dma_wait3A_981, %dma_wait3A_982] : memref<10048x16xf32, #tpu.memory_space<vmem_shared>> -> memref<10048x16xf32, #tpu.memory_space<vmem_shared>>
      tpu.wait_indirect_dma semaphore(%arg11 : memref<!tpu.dma_semaphore, #tpu.memory_space<semaphore_mem>>) src(%dma_wait3A_978 : memref<128x16xf32, #tpu.memory_space<vmem>>) dst(%dma_wait3A_983 : memref<10048x16xf32, #tpu.memory_space<vmem_shared>>)
      %add3A_984 = arith.constant 8 : i32
      %add3A_985 = arith.addi %add3A_952, %add3A_984 : i32
      %mul3A_986 = arith.constant 128 : i32
      %mul3A_987 = arith.muli %add3A_985, %mul3A_986 : i32
      %dma_start3A_988 = arith.constant 2 : i32
      %dma_start3A_989 = arith.constant 0 : i32
      %dma_start3A_990 = arith.constant 0 : i32
      %dma_start3A_991 = tpu.memref_slice %arg7[%dma_start3A_988, %dma_start3A_989, %dma_start3A_990] : memref<16x128x16xf32, #tpu.memory_space<vmem>> -> memref<1x128x16xf32, #tpu.memory_space<vmem>>
      %dma_start3A_992 = tpu.memref_squeeze %dma_start3A_991 : memref<1x128x16xf32, #tpu.memory_space<vmem>> -> memref<128x16xf32, #tpu.memory_space<vmem>>
      %dma_start3A_993 = tpu.memref_slice %arg5[%mul3A_987] : memref<10112xi32, #tpu.memory_space<vmem>> -> memref<128xi32, #tpu.memory_space<vmem>>
      %dma_start3A_994 = arith.constant 0 : i32
      %dma_start3A_995 = arith.constant 0 : i32
      %dma_start3A_996 = tpu.memref_slice %arg2[%dma_start3A_994, %dma_start3A_995] : memref<80000x16xf32, #tpu.memory_space<hbm>> -> memref<80000x16xf32, #tpu.memory_space<hbm>>
      tpu.enqueue_indirect_dma source(%dma_start3A_996 : memref<80000x16xf32, #tpu.memory_space<hbm>>) target(%dma_start3A_992 : memref<128x16xf32, #tpu.memory_space<vmem>>) offsets(%dma_start3A_993 : memref<128xi32, #tpu.memory_space<vmem>>) semaphore(%arg10 : memref<!tpu.dma_semaphore, #tpu.memory_space<semaphore_mem>>)
      %mul3A_997 = arith.constant 16 : i32
      %mul3A_998 = arith.muli %scan3A_573, %mul3A_997 : i32
      %add3A_999 = arith.constant 11 : i32
      %add3A_1000 = arith.addi %mul3A_998, %add3A_999 : i32
      %dma_wait3A_1001 = arith.constant 11 : i32
      %dma_wait3A_1002 = arith.constant 0 : i32
      %dma_wait3A_1003 = arith.constant 0 : i32
      %dma_wait3A_1004 = tpu.memref_slice %arg7[%dma_wait3A_1001, %dma_wait3A_1002, %dma_wait3A_1003] : memref<16x128x16xf32, #tpu.memory_space<vmem>> -> memref<1x128x16xf32, #tpu.memory_space<vmem>>
      %dma_wait3A_1005 = tpu.memref_squeeze %dma_wait3A_1004 : memref<1x128x16xf32, #tpu.memory_space<vmem>> -> memref<128x16xf32, #tpu.memory_space<vmem>>
      %dma_wait3A_1006 = arith.constant 0 : i32
      %dma_wait3A_1007 = tpu.memref_slice %arg5[%dma_wait3A_1006] : memref<10112xi32, #tpu.memory_space<vmem>> -> memref<128xi32, #tpu.memory_space<vmem>>
      %dma_wait3A_1008 = arith.constant 0 : i32
      %dma_wait3A_1009 = arith.constant 0 : i32
      %dma_wait3A_1010 = tpu.memref_slice %arg2[%dma_wait3A_1008, %dma_wait3A_1009] : memref<80000x16xf32, #tpu.memory_space<hbm>> -> memref<80000x16xf32, #tpu.memory_space<hbm>>
      tpu.wait_indirect_dma semaphore(%arg10 : memref<!tpu.dma_semaphore, #tpu.memory_space<semaphore_mem>>) src(%dma_wait3A_1010 : memref<80000x16xf32, #tpu.memory_space<hbm>>) dst(%dma_wait3A_1005 : memref<128x16xf32, #tpu.memory_space<vmem>>)
      %mul3A_1011 = arith.constant 128 : i32
      %mul3A_1012 = arith.muli %add3A_1000, %mul3A_1011 : i32
      %dma_start3A_1013 = arith.constant 11 : i32
      %dma_start3A_1014 = arith.constant 0 : i32
      %dma_start3A_1015 = arith.constant 0 : i32
      %dma_start3A_1016 = tpu.memref_slice %arg7[%dma_start3A_1013, %dma_start3A_1014, %dma_start3A_1015] : memref<16x128x16xf32, #tpu.memory_space<vmem>> -> memref<1x128x16xf32, #tpu.memory_space<vmem>>
      %dma_start3A_1017 = tpu.memref_squeeze %dma_start3A_1016 : memref<1x128x16xf32, #tpu.memory_space<vmem>> -> memref<128x16xf32, #tpu.memory_space<vmem>>
      %dma_start3A_1018 = tpu.memref_slice %arg6[%mul3A_1012] : memref<10112xi32, #tpu.memory_space<vmem>> -> memref<128xi32, #tpu.memory_space<vmem>>
      %dma_start3A_1019 = arith.constant 0 : i32
      %dma_start3A_1020 = arith.constant 0 : i32
      %dma_start3A_1021 = tpu.memref_slice %arg9[%dma_start3A_1019, %dma_start3A_1020] : memref<10048x16xf32, #tpu.memory_space<vmem_shared>> -> memref<10048x16xf32, #tpu.memory_space<vmem_shared>>
      tpu.enqueue_indirect_dma source(%dma_start3A_1017 : memref<128x16xf32, #tpu.memory_space<vmem>>) target(%dma_start3A_1021 : memref<10048x16xf32, #tpu.memory_space<vmem_shared>>) offsets(%dma_start3A_1018 : memref<128xi32, #tpu.memory_space<vmem>>) semaphore(%arg11 : memref<!tpu.dma_semaphore, #tpu.memory_space<semaphore_mem>>) {add = true}
      %dma_wait3A_1022 = arith.constant 0 : i32
      %dma_wait3A_1023 = arith.constant 0 : i32
      %dma_wait3A_1024 = arith.constant 0 : i32
      %dma_wait3A_1025 = tpu.memref_slice %arg7[%dma_wait3A_1022, %dma_wait3A_1023, %dma_wait3A_1024] : memref<16x128x16xf32, #tpu.memory_space<vmem>> -> memref<1x128x16xf32, #tpu.memory_space<vmem>>
      %dma_wait3A_1026 = tpu.memref_squeeze %dma_wait3A_1025 : memref<1x128x16xf32, #tpu.memory_space<vmem>> -> memref<128x16xf32, #tpu.memory_space<vmem>>
      %dma_wait3A_1027 = arith.constant 0 : i32
      %dma_wait3A_1028 = tpu.memref_slice %arg6[%dma_wait3A_1027] : memref<10112xi32, #tpu.memory_space<vmem>> -> memref<128xi32, #tpu.memory_space<vmem>>
      %dma_wait3A_1029 = arith.constant 0 : i32
      %dma_wait3A_1030 = arith.constant 0 : i32
      %dma_wait3A_1031 = tpu.memref_slice %arg9[%dma_wait3A_1029, %dma_wait3A_1030] : memref<10048x16xf32, #tpu.memory_space<vmem_shared>> -> memref<10048x16xf32, #tpu.memory_space<vmem_shared>>
      tpu.wait_indirect_dma semaphore(%arg11 : memref<!tpu.dma_semaphore, #tpu.memory_space<semaphore_mem>>) src(%dma_wait3A_1026 : memref<128x16xf32, #tpu.memory_space<vmem>>) dst(%dma_wait3A_1031 : memref<10048x16xf32, #tpu.memory_space<vmem_shared>>)
      %add3A_1032 = arith.constant 8 : i32
      %add3A_1033 = arith.addi %add3A_1000, %add3A_1032 : i32
      %mul3A_1034 = arith.constant 128 : i32
      %mul3A_1035 = arith.muli %add3A_1033, %mul3A_1034 : i32
      %dma_start3A_1036 = arith.constant 3 : i32
      %dma_start3A_1037 = arith.constant 0 : i32
      %dma_start3A_1038 = arith.constant 0 : i32
      %dma_start3A_1039 = tpu.memref_slice %arg7[%dma_start3A_1036, %dma_start3A_1037, %dma_start3A_1038] : memref<16x128x16xf32, #tpu.memory_space<vmem>> -> memref<1x128x16xf32, #tpu.memory_space<vmem>>
      %dma_start3A_1040 = tpu.memref_squeeze %dma_start3A_1039 : memref<1x128x16xf32, #tpu.memory_space<vmem>> -> memref<128x16xf32, #tpu.memory_space<vmem>>
      %dma_start3A_1041 = tpu.memref_slice %arg5[%mul3A_1035] : memref<10112xi32, #tpu.memory_space<vmem>> -> memref<128xi32, #tpu.memory_space<vmem>>
      %dma_start3A_1042 = arith.constant 0 : i32
      %dma_start3A_1043 = arith.constant 0 : i32
      %dma_start3A_1044 = tpu.memref_slice %arg2[%dma_start3A_1042, %dma_start3A_1043] : memref<80000x16xf32, #tpu.memory_space<hbm>> -> memref<80000x16xf32, #tpu.memory_space<hbm>>
      tpu.enqueue_indirect_dma source(%dma_start3A_1044 : memref<80000x16xf32, #tpu.memory_space<hbm>>) target(%dma_start3A_1040 : memref<128x16xf32, #tpu.memory_space<vmem>>) offsets(%dma_start3A_1041 : memref<128xi32, #tpu.memory_space<vmem>>) semaphore(%arg10 : memref<!tpu.dma_semaphore, #tpu.memory_space<semaphore_mem>>)
      %mul3A_1045 = arith.constant 16 : i32
      %mul3A_1046 = arith.muli %scan3A_573, %mul3A_1045 : i32
      %add3A_1047 = arith.constant 12 : i32
      %add3A_1048 = arith.addi %mul3A_1046, %add3A_1047 : i32
      %dma_wait3A_1049 = arith.constant 12 : i32
      %dma_wait3A_1050 = arith.constant 0 : i32
      %dma_wait3A_1051 = arith.constant 0 : i32
      %dma_wait3A_1052 = tpu.memref_slice %arg7[%dma_wait3A_1049, %dma_wait3A_1050, %dma_wait3A_1051] : memref<16x128x16xf32, #tpu.memory_space<vmem>> -> memref<1x128x16xf32, #tpu.memory_space<vmem>>
      %dma_wait3A_1053 = tpu.memref_squeeze %dma_wait3A_1052 : memref<1x128x16xf32, #tpu.memory_space<vmem>> -> memref<128x16xf32, #tpu.memory_space<vmem>>
      %dma_wait3A_1054 = arith.constant 0 : i32
      %dma_wait3A_1055 = tpu.memref_slice %arg5[%dma_wait3A_1054] : memref<10112xi32, #tpu.memory_space<vmem>> -> memref<128xi32, #tpu.memory_space<vmem>>
      %dma_wait3A_1056 = arith.constant 0 : i32
      %dma_wait3A_1057 = arith.constant 0 : i32
      %dma_wait3A_1058 = tpu.memref_slice %arg2[%dma_wait3A_1056, %dma_wait3A_1057] : memref<80000x16xf32, #tpu.memory_space<hbm>> -> memref<80000x16xf32, #tpu.memory_space<hbm>>
      tpu.wait_indirect_dma semaphore(%arg10 : memref<!tpu.dma_semaphore, #tpu.memory_space<semaphore_mem>>) src(%dma_wait3A_1058 : memref<80000x16xf32, #tpu.memory_space<hbm>>) dst(%dma_wait3A_1053 : memref<128x16xf32, #tpu.memory_space<vmem>>)
      %mul3A_1059 = arith.constant 128 : i32
      %mul3A_1060 = arith.muli %add3A_1048, %mul3A_1059 : i32
      %dma_start3A_1061 = arith.constant 12 : i32
      %dma_start3A_1062 = arith.constant 0 : i32
      %dma_start3A_1063 = arith.constant 0 : i32
      %dma_start3A_1064 = tpu.memref_slice %arg7[%dma_start3A_1061, %dma_start3A_1062, %dma_start3A_1063] : memref<16x128x16xf32, #tpu.memory_space<vmem>> -> memref<1x128x16xf32, #tpu.memory_space<vmem>>
      %dma_start3A_1065 = tpu.memref_squeeze %dma_start3A_1064 : memref<1x128x16xf32, #tpu.memory_space<vmem>> -> memref<128x16xf32, #tpu.memory_space<vmem>>
      %dma_start3A_1066 = tpu.memref_slice %arg6[%mul3A_1060] : memref<10112xi32, #tpu.memory_space<vmem>> -> memref<128xi32, #tpu.memory_space<vmem>>
      %dma_start3A_1067 = arith.constant 0 : i32
      %dma_start3A_1068 = arith.constant 0 : i32
      %dma_start3A_1069 = tpu.memref_slice %arg9[%dma_start3A_1067, %dma_start3A_1068] : memref<10048x16xf32, #tpu.memory_space<vmem_shared>> -> memref<10048x16xf32, #tpu.memory_space<vmem_shared>>
      tpu.enqueue_indirect_dma source(%dma_start3A_1065 : memref<128x16xf32, #tpu.memory_space<vmem>>) target(%dma_start3A_1069 : memref<10048x16xf32, #tpu.memory_space<vmem_shared>>) offsets(%dma_start3A_1066 : memref<128xi32, #tpu.memory_space<vmem>>) semaphore(%arg11 : memref<!tpu.dma_semaphore, #tpu.memory_space<semaphore_mem>>) {add = true}
      %dma_wait3A_1070 = arith.constant 0 : i32
      %dma_wait3A_1071 = arith.constant 0 : i32
      %dma_wait3A_1072 = arith.constant 0 : i32
      %dma_wait3A_1073 = tpu.memref_slice %arg7[%dma_wait3A_1070, %dma_wait3A_1071, %dma_wait3A_1072] : memref<16x128x16xf32, #tpu.memory_space<vmem>> -> memref<1x128x16xf32, #tpu.memory_space<vmem>>
      %dma_wait3A_1074 = tpu.memref_squeeze %dma_wait3A_1073 : memref<1x128x16xf32, #tpu.memory_space<vmem>> -> memref<128x16xf32, #tpu.memory_space<vmem>>
      %dma_wait3A_1075 = arith.constant 0 : i32
      %dma_wait3A_1076 = tpu.memref_slice %arg6[%dma_wait3A_1075] : memref<10112xi32, #tpu.memory_space<vmem>> -> memref<128xi32, #tpu.memory_space<vmem>>
      %dma_wait3A_1077 = arith.constant 0 : i32
      %dma_wait3A_1078 = arith.constant 0 : i32
      %dma_wait3A_1079 = tpu.memref_slice %arg9[%dma_wait3A_1077, %dma_wait3A_1078] : memref<10048x16xf32, #tpu.memory_space<vmem_shared>> -> memref<10048x16xf32, #tpu.memory_space<vmem_shared>>
      tpu.wait_indirect_dma semaphore(%arg11 : memref<!tpu.dma_semaphore, #tpu.memory_space<semaphore_mem>>) src(%dma_wait3A_1074 : memref<128x16xf32, #tpu.memory_space<vmem>>) dst(%dma_wait3A_1079 : memref<10048x16xf32, #tpu.memory_space<vmem_shared>>)
      %add3A_1080 = arith.constant 8 : i32
      %add3A_1081 = arith.addi %add3A_1048, %add3A_1080 : i32
      %mul3A_1082 = arith.constant 128 : i32
      %mul3A_1083 = arith.muli %add3A_1081, %mul3A_1082 : i32
      %dma_start3A_1084 = arith.constant 4 : i32
      %dma_start3A_1085 = arith.constant 0 : i32
      %dma_start3A_1086 = arith.constant 0 : i32
      %dma_start3A_1087 = tpu.memref_slice %arg7[%dma_start3A_1084, %dma_start3A_1085, %dma_start3A_1086] : memref<16x128x16xf32, #tpu.memory_space<vmem>> -> memref<1x128x16xf32, #tpu.memory_space<vmem>>
      %dma_start3A_1088 = tpu.memref_squeeze %dma_start3A_1087 : memref<1x128x16xf32, #tpu.memory_space<vmem>> -> memref<128x16xf32, #tpu.memory_space<vmem>>
      %dma_start3A_1089 = tpu.memref_slice %arg5[%mul3A_1083] : memref<10112xi32, #tpu.memory_space<vmem>> -> memref<128xi32, #tpu.memory_space<vmem>>
      %dma_start3A_1090 = arith.constant 0 : i32
      %dma_start3A_1091 = arith.constant 0 : i32
      %dma_start3A_1092 = tpu.memref_slice %arg2[%dma_start3A_1090, %dma_start3A_1091] : memref<80000x16xf32, #tpu.memory_space<hbm>> -> memref<80000x16xf32, #tpu.memory_space<hbm>>
      tpu.enqueue_indirect_dma source(%dma_start3A_1092 : memref<80000x16xf32, #tpu.memory_space<hbm>>) target(%dma_start3A_1088 : memref<128x16xf32, #tpu.memory_space<vmem>>) offsets(%dma_start3A_1089 : memref<128xi32, #tpu.memory_space<vmem>>) semaphore(%arg10 : memref<!tpu.dma_semaphore, #tpu.memory_space<semaphore_mem>>)
      %mul3A_1093 = arith.constant 16 : i32
      %mul3A_1094 = arith.muli %scan3A_573, %mul3A_1093 : i32
      %add3A_1095 = arith.constant 13 : i32
      %add3A_1096 = arith.addi %mul3A_1094, %add3A_1095 : i32
      %dma_wait3A_1097 = arith.constant 13 : i32
      %dma_wait3A_1098 = arith.constant 0 : i32
      %dma_wait3A_1099 = arith.constant 0 : i32
      %dma_wait3A_1100 = tpu.memref_slice %arg7[%dma_wait3A_1097, %dma_wait3A_1098, %dma_wait3A_1099] : memref<16x128x16xf32, #tpu.memory_space<vmem>> -> memref<1x128x16xf32, #tpu.memory_space<vmem>>
      %dma_wait3A_1101 = tpu.memref_squeeze %dma_wait3A_1100 : memref<1x128x16xf32, #tpu.memory_space<vmem>> -> memref<128x16xf32, #tpu.memory_space<vmem>>
      %dma_wait3A_1102 = arith.constant 0 : i32
      %dma_wait3A_1103 = tpu.memref_slice %arg5[%dma_wait3A_1102] : memref<10112xi32, #tpu.memory_space<vmem>> -> memref<128xi32, #tpu.memory_space<vmem>>
      %dma_wait3A_1104 = arith.constant 0 : i32
      %dma_wait3A_1105 = arith.constant 0 : i32
      %dma_wait3A_1106 = tpu.memref_slice %arg2[%dma_wait3A_1104, %dma_wait3A_1105] : memref<80000x16xf32, #tpu.memory_space<hbm>> -> memref<80000x16xf32, #tpu.memory_space<hbm>>
      tpu.wait_indirect_dma semaphore(%arg10 : memref<!tpu.dma_semaphore, #tpu.memory_space<semaphore_mem>>) src(%dma_wait3A_1106 : memref<80000x16xf32, #tpu.memory_space<hbm>>) dst(%dma_wait3A_1101 : memref<128x16xf32, #tpu.memory_space<vmem>>)
      %mul3A_1107 = arith.constant 128 : i32
      %mul3A_1108 = arith.muli %add3A_1096, %mul3A_1107 : i32
      %dma_start3A_1109 = arith.constant 13 : i32
      %dma_start3A_1110 = arith.constant 0 : i32
      %dma_start3A_1111 = arith.constant 0 : i32
      %dma_start3A_1112 = tpu.memref_slice %arg7[%dma_start3A_1109, %dma_start3A_1110, %dma_start3A_1111] : memref<16x128x16xf32, #tpu.memory_space<vmem>> -> memref<1x128x16xf32, #tpu.memory_space<vmem>>
      %dma_start3A_1113 = tpu.memref_squeeze %dma_start3A_1112 : memref<1x128x16xf32, #tpu.memory_space<vmem>> -> memref<128x16xf32, #tpu.memory_space<vmem>>
      %dma_start3A_1114 = tpu.memref_slice %arg6[%mul3A_1108] : memref<10112xi32, #tpu.memory_space<vmem>> -> memref<128xi32, #tpu.memory_space<vmem>>
      %dma_start3A_1115 = arith.constant 0 : i32
      %dma_start3A_1116 = arith.constant 0 : i32
      %dma_start3A_1117 = tpu.memref_slice %arg9[%dma_start3A_1115, %dma_start3A_1116] : memref<10048x16xf32, #tpu.memory_space<vmem_shared>> -> memref<10048x16xf32, #tpu.memory_space<vmem_shared>>
      tpu.enqueue_indirect_dma source(%dma_start3A_1113 : memref<128x16xf32, #tpu.memory_space<vmem>>) target(%dma_start3A_1117 : memref<10048x16xf32, #tpu.memory_space<vmem_shared>>) offsets(%dma_start3A_1114 : memref<128xi32, #tpu.memory_space<vmem>>) semaphore(%arg11 : memref<!tpu.dma_semaphore, #tpu.memory_space<semaphore_mem>>) {add = true}
      %dma_wait3A_1118 = arith.constant 0 : i32
      %dma_wait3A_1119 = arith.constant 0 : i32
      %dma_wait3A_1120 = arith.constant 0 : i32
      %dma_wait3A_1121 = tpu.memref_slice %arg7[%dma_wait3A_1118, %dma_wait3A_1119, %dma_wait3A_1120] : memref<16x128x16xf32, #tpu.memory_space<vmem>> -> memref<1x128x16xf32, #tpu.memory_space<vmem>>
      %dma_wait3A_1122 = tpu.memref_squeeze %dma_wait3A_1121 : memref<1x128x16xf32, #tpu.memory_space<vmem>> -> memref<128x16xf32, #tpu.memory_space<vmem>>
      %dma_wait3A_1123 = arith.constant 0 : i32
      %dma_wait3A_1124 = tpu.memref_slice %arg6[%dma_wait3A_1123] : memref<10112xi32, #tpu.memory_space<vmem>> -> memref<128xi32, #tpu.memory_space<vmem>>
      %dma_wait3A_1125 = arith.constant 0 : i32
      %dma_wait3A_1126 = arith.constant 0 : i32
      %dma_wait3A_1127 = tpu.memref_slice %arg9[%dma_wait3A_1125, %dma_wait3A_1126] : memref<10048x16xf32, #tpu.memory_space<vmem_shared>> -> memref<10048x16xf32, #tpu.memory_space<vmem_shared>>
      tpu.wait_indirect_dma semaphore(%arg11 : memref<!tpu.dma_semaphore, #tpu.memory_space<semaphore_mem>>) src(%dma_wait3A_1122 : memref<128x16xf32, #tpu.memory_space<vmem>>) dst(%dma_wait3A_1127 : memref<10048x16xf32, #tpu.memory_space<vmem_shared>>)
      %add3A_1128 = arith.constant 8 : i32
      %add3A_1129 = arith.addi %add3A_1096, %add3A_1128 : i32
      %mul3A_1130 = arith.constant 128 : i32
      %mul3A_1131 = arith.muli %add3A_1129, %mul3A_1130 : i32
      %dma_start3A_1132 = arith.constant 5 : i32
      %dma_start3A_1133 = arith.constant 0 : i32
      %dma_start3A_1134 = arith.constant 0 : i32
      %dma_start3A_1135 = tpu.memref_slice %arg7[%dma_start3A_1132, %dma_start3A_1133, %dma_start3A_1134] : memref<16x128x16xf32, #tpu.memory_space<vmem>> -> memref<1x128x16xf32, #tpu.memory_space<vmem>>
      %dma_start3A_1136 = tpu.memref_squeeze %dma_start3A_1135 : memref<1x128x16xf32, #tpu.memory_space<vmem>> -> memref<128x16xf32, #tpu.memory_space<vmem>>
      %dma_start3A_1137 = tpu.memref_slice %arg5[%mul3A_1131] : memref<10112xi32, #tpu.memory_space<vmem>> -> memref<128xi32, #tpu.memory_space<vmem>>
      %dma_start3A_1138 = arith.constant 0 : i32
      %dma_start3A_1139 = arith.constant 0 : i32
      %dma_start3A_1140 = tpu.memref_slice %arg2[%dma_start3A_1138, %dma_start3A_1139] : memref<80000x16xf32, #tpu.memory_space<hbm>> -> memref<80000x16xf32, #tpu.memory_space<hbm>>
      tpu.enqueue_indirect_dma source(%dma_start3A_1140 : memref<80000x16xf32, #tpu.memory_space<hbm>>) target(%dma_start3A_1136 : memref<128x16xf32, #tpu.memory_space<vmem>>) offsets(%dma_start3A_1137 : memref<128xi32, #tpu.memory_space<vmem>>) semaphore(%arg10 : memref<!tpu.dma_semaphore, #tpu.memory_space<semaphore_mem>>)
      %mul3A_1141 = arith.constant 16 : i32
      %mul3A_1142 = arith.muli %scan3A_573, %mul3A_1141 : i32
      %add3A_1143 = arith.constant 14 : i32
      %add3A_1144 = arith.addi %mul3A_1142, %add3A_1143 : i32
      %dma_wait3A_1145 = arith.constant 14 : i32
      %dma_wait3A_1146 = arith.constant 0 : i32
      %dma_wait3A_1147 = arith.constant 0 : i32
      %dma_wait3A_1148 = tpu.memref_slice %arg7[%dma_wait3A_1145, %dma_wait3A_1146, %dma_wait3A_1147] : memref<16x128x16xf32, #tpu.memory_space<vmem>> -> memref<1x128x16xf32, #tpu.memory_space<vmem>>
      %dma_wait3A_1149 = tpu.memref_squeeze %dma_wait3A_1148 : memref<1x128x16xf32, #tpu.memory_space<vmem>> -> memref<128x16xf32, #tpu.memory_space<vmem>>
      %dma_wait3A_1150 = arith.constant 0 : i32
      %dma_wait3A_1151 = tpu.memref_slice %arg5[%dma_wait3A_1150] : memref<10112xi32, #tpu.memory_space<vmem>> -> memref<128xi32, #tpu.memory_space<vmem>>
      %dma_wait3A_1152 = arith.constant 0 : i32
      %dma_wait3A_1153 = arith.constant 0 : i32
      %dma_wait3A_1154 = tpu.memref_slice %arg2[%dma_wait3A_1152, %dma_wait3A_1153] : memref<80000x16xf32, #tpu.memory_space<hbm>> -> memref<80000x16xf32, #tpu.memory_space<hbm>>
      tpu.wait_indirect_dma semaphore(%arg10 : memref<!tpu.dma_semaphore, #tpu.memory_space<semaphore_mem>>) src(%dma_wait3A_1154 : memref<80000x16xf32, #tpu.memory_space<hbm>>) dst(%dma_wait3A_1149 : memref<128x16xf32, #tpu.memory_space<vmem>>)
      %mul3A_1155 = arith.constant 128 : i32
      %mul3A_1156 = arith.muli %add3A_1144, %mul3A_1155 : i32
      %dma_start3A_1157 = arith.constant 14 : i32
      %dma_start3A_1158 = arith.constant 0 : i32
      %dma_start3A_1159 = arith.constant 0 : i32
      %dma_start3A_1160 = tpu.memref_slice %arg7[%dma_start3A_1157, %dma_start3A_1158, %dma_start3A_1159] : memref<16x128x16xf32, #tpu.memory_space<vmem>> -> memref<1x128x16xf32, #tpu.memory_space<vmem>>
      %dma_start3A_1161 = tpu.memref_squeeze %dma_start3A_1160 : memref<1x128x16xf32, #tpu.memory_space<vmem>> -> memref<128x16xf32, #tpu.memory_space<vmem>>
      %dma_start3A_1162 = tpu.memref_slice %arg6[%mul3A_1156] : memref<10112xi32, #tpu.memory_space<vmem>> -> memref<128xi32, #tpu.memory_space<vmem>>
      %dma_start3A_1163 = arith.constant 0 : i32
      %dma_start3A_1164 = arith.constant 0 : i32
      %dma_start3A_1165 = tpu.memref_slice %arg9[%dma_start3A_1163, %dma_start3A_1164] : memref<10048x16xf32, #tpu.memory_space<vmem_shared>> -> memref<10048x16xf32, #tpu.memory_space<vmem_shared>>
      tpu.enqueue_indirect_dma source(%dma_start3A_1161 : memref<128x16xf32, #tpu.memory_space<vmem>>) target(%dma_start3A_1165 : memref<10048x16xf32, #tpu.memory_space<vmem_shared>>) offsets(%dma_start3A_1162 : memref<128xi32, #tpu.memory_space<vmem>>) semaphore(%arg11 : memref<!tpu.dma_semaphore, #tpu.memory_space<semaphore_mem>>) {add = true}
      %dma_wait3A_1166 = arith.constant 0 : i32
      %dma_wait3A_1167 = arith.constant 0 : i32
      %dma_wait3A_1168 = arith.constant 0 : i32
      %dma_wait3A_1169 = tpu.memref_slice %arg7[%dma_wait3A_1166, %dma_wait3A_1167, %dma_wait3A_1168] : memref<16x128x16xf32, #tpu.memory_space<vmem>> -> memref<1x128x16xf32, #tpu.memory_space<vmem>>
      %dma_wait3A_1170 = tpu.memref_squeeze %dma_wait3A_1169 : memref<1x128x16xf32, #tpu.memory_space<vmem>> -> memref<128x16xf32, #tpu.memory_space<vmem>>
      %dma_wait3A_1171 = arith.constant 0 : i32
      %dma_wait3A_1172 = tpu.memref_slice %arg6[%dma_wait3A_1171] : memref<10112xi32, #tpu.memory_space<vmem>> -> memref<128xi32, #tpu.memory_space<vmem>>
      %dma_wait3A_1173 = arith.constant 0 : i32
      %dma_wait3A_1174 = arith.constant 0 : i32
      %dma_wait3A_1175 = tpu.memref_slice %arg9[%dma_wait3A_1173, %dma_wait3A_1174] : memref<10048x16xf32, #tpu.memory_space<vmem_shared>> -> memref<10048x16xf32, #tpu.memory_space<vmem_shared>>
      tpu.wait_indirect_dma semaphore(%arg11 : memref<!tpu.dma_semaphore, #tpu.memory_space<semaphore_mem>>) src(%dma_wait3A_1170 : memref<128x16xf32, #tpu.memory_space<vmem>>) dst(%dma_wait3A_1175 : memref<10048x16xf32, #tpu.memory_space<vmem_shared>>)
      %add3A_1176 = arith.constant 8 : i32
      %add3A_1177 = arith.addi %add3A_1144, %add3A_1176 : i32
      %mul3A_1178 = arith.constant 128 : i32
      %mul3A_1179 = arith.muli %add3A_1177, %mul3A_1178 : i32
      %dma_start3A_1180 = arith.constant 6 : i32
      %dma_start3A_1181 = arith.constant 0 : i32
      %dma_start3A_1182 = arith.constant 0 : i32
      %dma_start3A_1183 = tpu.memref_slice %arg7[%dma_start3A_1180, %dma_start3A_1181, %dma_start3A_1182] : memref<16x128x16xf32, #tpu.memory_space<vmem>> -> memref<1x128x16xf32, #tpu.memory_space<vmem>>
      %dma_start3A_1184 = tpu.memref_squeeze %dma_start3A_1183 : memref<1x128x16xf32, #tpu.memory_space<vmem>> -> memref<128x16xf32, #tpu.memory_space<vmem>>
      %dma_start3A_1185 = tpu.memref_slice %arg5[%mul3A_1179] : memref<10112xi32, #tpu.memory_space<vmem>> -> memref<128xi32, #tpu.memory_space<vmem>>
      %dma_start3A_1186 = arith.constant 0 : i32
      %dma_start3A_1187 = arith.constant 0 : i32
      %dma_start3A_1188 = tpu.memref_slice %arg2[%dma_start3A_1186, %dma_start3A_1187] : memref<80000x16xf32, #tpu.memory_space<hbm>> -> memref<80000x16xf32, #tpu.memory_space<hbm>>
      tpu.enqueue_indirect_dma source(%dma_start3A_1188 : memref<80000x16xf32, #tpu.memory_space<hbm>>) target(%dma_start3A_1184 : memref<128x16xf32, #tpu.memory_space<vmem>>) offsets(%dma_start3A_1185 : memref<128xi32, #tpu.memory_space<vmem>>) semaphore(%arg10 : memref<!tpu.dma_semaphore, #tpu.memory_space<semaphore_mem>>)
      %mul3A_1189 = arith.constant 16 : i32
      %mul3A_1190 = arith.muli %scan3A_573, %mul3A_1189 : i32
      %add3A_1191 = arith.constant 15 : i32
      %add3A_1192 = arith.addi %mul3A_1190, %add3A_1191 : i32
      %dma_wait3A_1193 = arith.constant 15 : i32
      %dma_wait3A_1194 = arith.constant 0 : i32
      %dma_wait3A_1195 = arith.constant 0 : i32
      %dma_wait3A_1196 = tpu.memref_slice %arg7[%dma_wait3A_1193, %dma_wait3A_1194, %dma_wait3A_1195] : memref<16x128x16xf32, #tpu.memory_space<vmem>> -> memref<1x128x16xf32, #tpu.memory_space<vmem>>
      %dma_wait3A_1197 = tpu.memref_squeeze %dma_wait3A_1196 : memref<1x128x16xf32, #tpu.memory_space<vmem>> -> memref<128x16xf32, #tpu.memory_space<vmem>>
      %dma_wait3A_1198 = arith.constant 0 : i32
      %dma_wait3A_1199 = tpu.memref_slice %arg5[%dma_wait3A_1198] : memref<10112xi32, #tpu.memory_space<vmem>> -> memref<128xi32, #tpu.memory_space<vmem>>
      %dma_wait3A_1200 = arith.constant 0 : i32
      %dma_wait3A_1201 = arith.constant 0 : i32
      %dma_wait3A_1202 = tpu.memref_slice %arg2[%dma_wait3A_1200, %dma_wait3A_1201] : memref<80000x16xf32, #tpu.memory_space<hbm>> -> memref<80000x16xf32, #tpu.memory_space<hbm>>
      tpu.wait_indirect_dma semaphore(%arg10 : memref<!tpu.dma_semaphore, #tpu.memory_space<semaphore_mem>>) src(%dma_wait3A_1202 : memref<80000x16xf32, #tpu.memory_space<hbm>>) dst(%dma_wait3A_1197 : memref<128x16xf32, #tpu.memory_space<vmem>>)
      %mul3A_1203 = arith.constant 128 : i32
      %mul3A_1204 = arith.muli %add3A_1192, %mul3A_1203 : i32
      %dma_start3A_1205 = arith.constant 15 : i32
      %dma_start3A_1206 = arith.constant 0 : i32
      %dma_start3A_1207 = arith.constant 0 : i32
      %dma_start3A_1208 = tpu.memref_slice %arg7[%dma_start3A_1205, %dma_start3A_1206, %dma_start3A_1207] : memref<16x128x16xf32, #tpu.memory_space<vmem>> -> memref<1x128x16xf32, #tpu.memory_space<vmem>>
      %dma_start3A_1209 = tpu.memref_squeeze %dma_start3A_1208 : memref<1x128x16xf32, #tpu.memory_space<vmem>> -> memref<128x16xf32, #tpu.memory_space<vmem>>
      %dma_start3A_1210 = tpu.memref_slice %arg6[%mul3A_1204] : memref<10112xi32, #tpu.memory_space<vmem>> -> memref<128xi32, #tpu.memory_space<vmem>>
      %dma_start3A_1211 = arith.constant 0 : i32
      %dma_start3A_1212 = arith.constant 0 : i32
      %dma_start3A_1213 = tpu.memref_slice %arg9[%dma_start3A_1211, %dma_start3A_1212] : memref<10048x16xf32, #tpu.memory_space<vmem_shared>> -> memref<10048x16xf32, #tpu.memory_space<vmem_shared>>
      tpu.enqueue_indirect_dma source(%dma_start3A_1209 : memref<128x16xf32, #tpu.memory_space<vmem>>) target(%dma_start3A_1213 : memref<10048x16xf32, #tpu.memory_space<vmem_shared>>) offsets(%dma_start3A_1210 : memref<128xi32, #tpu.memory_space<vmem>>) semaphore(%arg11 : memref<!tpu.dma_semaphore, #tpu.memory_space<semaphore_mem>>) {add = true}
      %dma_wait3A_1214 = arith.constant 0 : i32
      %dma_wait3A_1215 = arith.constant 0 : i32
      %dma_wait3A_1216 = arith.constant 0 : i32
      %dma_wait3A_1217 = tpu.memref_slice %arg7[%dma_wait3A_1214, %dma_wait3A_1215, %dma_wait3A_1216] : memref<16x128x16xf32, #tpu.memory_space<vmem>> -> memref<1x128x16xf32, #tpu.memory_space<vmem>>
      %dma_wait3A_1218 = tpu.memref_squeeze %dma_wait3A_1217 : memref<1x128x16xf32, #tpu.memory_space<vmem>> -> memref<128x16xf32, #tpu.memory_space<vmem>>
      %dma_wait3A_1219 = arith.constant 0 : i32
      %dma_wait3A_1220 = tpu.memref_slice %arg6[%dma_wait3A_1219] : memref<10112xi32, #tpu.memory_space<vmem>> -> memref<128xi32, #tpu.memory_space<vmem>>
      %dma_wait3A_1221 = arith.constant 0 : i32
      %dma_wait3A_1222 = arith.constant 0 : i32
      %dma_wait3A_1223 = tpu.memref_slice %arg9[%dma_wait3A_1221, %dma_wait3A_1222] : memref<10048x16xf32, #tpu.memory_space<vmem_shared>> -> memref<10048x16xf32, #tpu.memory_space<vmem_shared>>
      tpu.wait_indirect_dma semaphore(%arg11 : memref<!tpu.dma_semaphore, #tpu.memory_space<semaphore_mem>>) src(%dma_wait3A_1218 : memref<128x16xf32, #tpu.memory_space<vmem>>) dst(%dma_wait3A_1223 : memref<10048x16xf32, #tpu.memory_space<vmem_shared>>)
      %add3A_1224 = arith.constant 8 : i32
      %add3A_1225 = arith.addi %add3A_1192, %add3A_1224 : i32
      %mul3A_1226 = arith.constant 128 : i32
      %mul3A_1227 = arith.muli %add3A_1225, %mul3A_1226 : i32
      %dma_start3A_1228 = arith.constant 7 : i32
      %dma_start3A_1229 = arith.constant 0 : i32
      %dma_start3A_1230 = arith.constant 0 : i32
      %dma_start3A_1231 = tpu.memref_slice %arg7[%dma_start3A_1228, %dma_start3A_1229, %dma_start3A_1230] : memref<16x128x16xf32, #tpu.memory_space<vmem>> -> memref<1x128x16xf32, #tpu.memory_space<vmem>>
      %dma_start3A_1232 = tpu.memref_squeeze %dma_start3A_1231 : memref<1x128x16xf32, #tpu.memory_space<vmem>> -> memref<128x16xf32, #tpu.memory_space<vmem>>
      %dma_start3A_1233 = tpu.memref_slice %arg5[%mul3A_1227] : memref<10112xi32, #tpu.memory_space<vmem>> -> memref<128xi32, #tpu.memory_space<vmem>>
      %dma_start3A_1234 = arith.constant 0 : i32
      %dma_start3A_1235 = arith.constant 0 : i32
      %dma_start3A_1236 = tpu.memref_slice %arg2[%dma_start3A_1234, %dma_start3A_1235] : memref<80000x16xf32, #tpu.memory_space<hbm>> -> memref<80000x16xf32, #tpu.memory_space<hbm>>
      tpu.enqueue_indirect_dma source(%dma_start3A_1236 : memref<80000x16xf32, #tpu.memory_space<hbm>>) target(%dma_start3A_1232 : memref<128x16xf32, #tpu.memory_space<vmem>>) offsets(%dma_start3A_1233 : memref<128xi32, #tpu.memory_space<vmem>>) semaphore(%arg10 : memref<!tpu.dma_semaphore, #tpu.memory_space<semaphore_mem>>)
    }
    %scan3A_119 = arith.constant 4 : i32
    %dma_wait3A_120 = arith.constant 0 : i32
    %dma_wait3A_121 = arith.constant 0 : i32
    %dma_wait3A_122 = arith.constant 0 : i32
    %dma_wait3A_123 = tpu.memref_slice %arg7[%dma_wait3A_120, %dma_wait3A_121, %dma_wait3A_122] : memref<16x128x16xf32, #tpu.memory_space<vmem>> -> memref<1x128x16xf32, #tpu.memory_space<vmem>>
    %dma_wait3A_124 = tpu.memref_squeeze %dma_wait3A_123 : memref<1x128x16xf32, #tpu.memory_space<vmem>> -> memref<128x16xf32, #tpu.memory_space<vmem>>
    %dma_wait3A_125 = arith.constant 0 : i32
    %dma_wait3A_126 = tpu.memref_slice %arg5[%dma_wait3A_125] : memref<10112xi32, #tpu.memory_space<vmem>> -> memref<128xi32, #tpu.memory_space<vmem>>
    %dma_wait3A_127 = arith.constant 0 : i32
    %dma_wait3A_128 = arith.constant 0 : i32
    %dma_wait3A_129 = tpu.memref_slice %arg2[%dma_wait3A_127, %dma_wait3A_128] : memref<80000x16xf32, #tpu.memory_space<hbm>> -> memref<80000x16xf32, #tpu.memory_space<hbm>>
    tpu.wait_indirect_dma semaphore(%arg10 : memref<!tpu.dma_semaphore, #tpu.memory_space<semaphore_mem>>) src(%dma_wait3A_129 : memref<80000x16xf32, #tpu.memory_space<hbm>>) dst(%dma_wait3A_124 : memref<128x16xf32, #tpu.memory_space<vmem>>)
    %dma_start3A_130 = arith.constant 0 : i32
    %dma_start3A_131 = arith.constant 0 : i32
    %dma_start3A_132 = arith.constant 0 : i32
    %dma_start3A_133 = tpu.memref_slice %arg7[%dma_start3A_130, %dma_start3A_131, %dma_start3A_132] : memref<16x128x16xf32, #tpu.memory_space<vmem>> -> memref<1x128x16xf32, #tpu.memory_space<vmem>>
    %dma_start3A_134 = tpu.memref_squeeze %dma_start3A_133 : memref<1x128x16xf32, #tpu.memory_space<vmem>> -> memref<128x16xf32, #tpu.memory_space<vmem>>
    %dma_start3A_135 = arith.constant 8192 : i32
    %dma_start3A_136 = tpu.memref_slice %arg6[%dma_start3A_135] : memref<10112xi32, #tpu.memory_space<vmem>> -> memref<128xi32, #tpu.memory_space<vmem>>
    %dma_start3A_137 = arith.constant 0 : i32
    %dma_start3A_138 = arith.constant 0 : i32
    %dma_start3A_139 = tpu.memref_slice %arg9[%dma_start3A_137, %dma_start3A_138] : memref<10048x16xf32, #tpu.memory_space<vmem_shared>> -> memref<10048x16xf32, #tpu.memory_space<vmem_shared>>
    tpu.enqueue_indirect_dma source(%dma_start3A_134 : memref<128x16xf32, #tpu.memory_space<vmem>>) target(%dma_start3A_139 : memref<10048x16xf32, #tpu.memory_space<vmem_shared>>) offsets(%dma_start3A_136 : memref<128xi32, #tpu.memory_space<vmem>>) semaphore(%arg11 : memref<!tpu.dma_semaphore, #tpu.memory_space<semaphore_mem>>) {add = true}
    %dma_wait3A_140 = arith.constant 0 : i32
    %dma_wait3A_141 = arith.constant 0 : i32
    %dma_wait3A_142 = arith.constant 0 : i32
    %dma_wait3A_143 = tpu.memref_slice %arg7[%dma_wait3A_140, %dma_wait3A_141, %dma_wait3A_142] : memref<16x128x16xf32, #tpu.memory_space<vmem>> -> memref<1x128x16xf32, #tpu.memory_space<vmem>>
    %dma_wait3A_144 = tpu.memref_squeeze %dma_wait3A_143 : memref<1x128x16xf32, #tpu.memory_space<vmem>> -> memref<128x16xf32, #tpu.memory_space<vmem>>
    %dma_wait3A_145 = arith.constant 0 : i32
    %dma_wait3A_146 = tpu.memref_slice %arg6[%dma_wait3A_145] : memref<10112xi32, #tpu.memory_space<vmem>> -> memref<128xi32, #tpu.memory_space<vmem>>
    %dma_wait3A_147 = arith.constant 0 : i32
    %dma_wait3A_148 = arith.constant 0 : i32
    %dma_wait3A_149 = tpu.memref_slice %arg9[%dma_wait3A_147, %dma_wait3A_148] : memref<10048x16xf32, #tpu.memory_space<vmem_shared>> -> memref<10048x16xf32, #tpu.memory_space<vmem_shared>>
    tpu.wait_indirect_dma semaphore(%arg11 : memref<!tpu.dma_semaphore, #tpu.memory_space<semaphore_mem>>) src(%dma_wait3A_144 : memref<128x16xf32, #tpu.memory_space<vmem>>) dst(%dma_wait3A_149 : memref<10048x16xf32, #tpu.memory_space<vmem_shared>>)
    %dma_start3A_150 = arith.constant 8 : i32
    %dma_start3A_151 = arith.constant 0 : i32
    %dma_start3A_152 = arith.constant 0 : i32
    %dma_start3A_153 = tpu.memref_slice %arg7[%dma_start3A_150, %dma_start3A_151, %dma_start3A_152] : memref<16x128x16xf32, #tpu.memory_space<vmem>> -> memref<1x128x16xf32, #tpu.memory_space<vmem>>
    %dma_start3A_154 = tpu.memref_squeeze %dma_start3A_153 : memref<1x128x16xf32, #tpu.memory_space<vmem>> -> memref<128x16xf32, #tpu.memory_space<vmem>>
    %dma_start3A_155 = arith.constant 9216 : i32
    %dma_start3A_156 = tpu.memref_slice %arg5[%dma_start3A_155] : memref<10112xi32, #tpu.memory_space<vmem>> -> memref<128xi32, #tpu.memory_space<vmem>>
    %dma_start3A_157 = arith.constant 0 : i32
    %dma_start3A_158 = arith.constant 0 : i32
    %dma_start3A_159 = tpu.memref_slice %arg2[%dma_start3A_157, %dma_start3A_158] : memref<80000x16xf32, #tpu.memory_space<hbm>> -> memref<80000x16xf32, #tpu.memory_space<hbm>>
    tpu.enqueue_indirect_dma source(%dma_start3A_159 : memref<80000x16xf32, #tpu.memory_space<hbm>>) target(%dma_start3A_154 : memref<128x16xf32, #tpu.memory_space<vmem>>) offsets(%dma_start3A_156 : memref<128xi32, #tpu.memory_space<vmem>>) semaphore(%arg10 : memref<!tpu.dma_semaphore, #tpu.memory_space<semaphore_mem>>)
    %dma_wait3A_160 = arith.constant 1 : i32
    %dma_wait3A_161 = arith.constant 0 : i32
    %dma_wait3A_162 = arith.constant 0 : i32
    %dma_wait3A_163 = tpu.memref_slice %arg7[%dma_wait3A_160, %dma_wait3A_161, %dma_wait3A_162] : memref<16x128x16xf32, #tpu.memory_space<vmem>> -> memref<1x128x16xf32, #tpu.memory_space<vmem>>
    %dma_wait3A_164 = tpu.memref_squeeze %dma_wait3A_163 : memref<1x128x16xf32, #tpu.memory_space<vmem>> -> memref<128x16xf32, #tpu.memory_space<vmem>>
    %dma_wait3A_165 = arith.constant 0 : i32
    %dma_wait3A_166 = tpu.memref_slice %arg5[%dma_wait3A_165] : memref<10112xi32, #tpu.memory_space<vmem>> -> memref<128xi32, #tpu.memory_space<vmem>>
    %dma_wait3A_167 = arith.constant 0 : i32
    %dma_wait3A_168 = arith.constant 0 : i32
    %dma_wait3A_169 = tpu.memref_slice %arg2[%dma_wait3A_167, %dma_wait3A_168] : memref<80000x16xf32, #tpu.memory_space<hbm>> -> memref<80000x16xf32, #tpu.memory_space<hbm>>
    tpu.wait_indirect_dma semaphore(%arg10 : memref<!tpu.dma_semaphore, #tpu.memory_space<semaphore_mem>>) src(%dma_wait3A_169 : memref<80000x16xf32, #tpu.memory_space<hbm>>) dst(%dma_wait3A_164 : memref<128x16xf32, #tpu.memory_space<vmem>>)
    %dma_start3A_170 = arith.constant 1 : i32
    %dma_start3A_171 = arith.constant 0 : i32
    %dma_start3A_172 = arith.constant 0 : i32
    %dma_start3A_173 = tpu.memref_slice %arg7[%dma_start3A_170, %dma_start3A_171, %dma_start3A_172] : memref<16x128x16xf32, #tpu.memory_space<vmem>> -> memref<1x128x16xf32, #tpu.memory_space<vmem>>
    %dma_start3A_174 = tpu.memref_squeeze %dma_start3A_173 : memref<1x128x16xf32, #tpu.memory_space<vmem>> -> memref<128x16xf32, #tpu.memory_space<vmem>>
    %dma_start3A_175 = arith.constant 8320 : i32
    %dma_start3A_176 = tpu.memref_slice %arg6[%dma_start3A_175] : memref<10112xi32, #tpu.memory_space<vmem>> -> memref<128xi32, #tpu.memory_space<vmem>>
    %dma_start3A_177 = arith.constant 0 : i32
    %dma_start3A_178 = arith.constant 0 : i32
    %dma_start3A_179 = tpu.memref_slice %arg9[%dma_start3A_177, %dma_start3A_178] : memref<10048x16xf32, #tpu.memory_space<vmem_shared>> -> memref<10048x16xf32, #tpu.memory_space<vmem_shared>>
    tpu.enqueue_indirect_dma source(%dma_start3A_174 : memref<128x16xf32, #tpu.memory_space<vmem>>) target(%dma_start3A_179 : memref<10048x16xf32, #tpu.memory_space<vmem_shared>>) offsets(%dma_start3A_176 : memref<128xi32, #tpu.memory_space<vmem>>) semaphore(%arg11 : memref<!tpu.dma_semaphore, #tpu.memory_space<semaphore_mem>>) {add = true}
    %dma_wait3A_180 = arith.constant 0 : i32
    %dma_wait3A_181 = arith.constant 0 : i32
    %dma_wait3A_182 = arith.constant 0 : i32
    %dma_wait3A_183 = tpu.memref_slice %arg7[%dma_wait3A_180, %dma_wait3A_181, %dma_wait3A_182] : memref<16x128x16xf32, #tpu.memory_space<vmem>> -> memref<1x128x16xf32, #tpu.memory_space<vmem>>
    %dma_wait3A_184 = tpu.memref_squeeze %dma_wait3A_183 : memref<1x128x16xf32, #tpu.memory_space<vmem>> -> memref<128x16xf32, #tpu.memory_space<vmem>>
    %dma_wait3A_185 = arith.constant 0 : i32
    %dma_wait3A_186 = tpu.memref_slice %arg6[%dma_wait3A_185] : memref<10112xi32, #tpu.memory_space<vmem>> -> memref<128xi32, #tpu.memory_space<vmem>>
    %dma_wait3A_187 = arith.constant 0 : i32
    %dma_wait3A_188 = arith.constant 0 : i32
    %dma_wait3A_189 = tpu.memref_slice %arg9[%dma_wait3A_187, %dma_wait3A_188] : memref<10048x16xf32, #tpu.memory_space<vmem_shared>> -> memref<10048x16xf32, #tpu.memory_space<vmem_shared>>
    tpu.wait_indirect_dma semaphore(%arg11 : memref<!tpu.dma_semaphore, #tpu.memory_space<semaphore_mem>>) src(%dma_wait3A_184 : memref<128x16xf32, #tpu.memory_space<vmem>>) dst(%dma_wait3A_189 : memref<10048x16xf32, #tpu.memory_space<vmem_shared>>)
    %dma_start3A_190 = arith.constant 9 : i32
    %dma_start3A_191 = arith.constant 0 : i32
    %dma_start3A_192 = arith.constant 0 : i32
    %dma_start3A_193 = tpu.memref_slice %arg7[%dma_start3A_190, %dma_start3A_191, %dma_start3A_192] : memref<16x128x16xf32, #tpu.memory_space<vmem>> -> memref<1x128x16xf32, #tpu.memory_space<vmem>>
    %dma_start3A_194 = tpu.memref_squeeze %dma_start3A_193 : memref<1x128x16xf32, #tpu.memory_space<vmem>> -> memref<128x16xf32, #tpu.memory_space<vmem>>
    %dma_start3A_195 = arith.constant 9344 : i32
    %dma_start3A_196 = tpu.memref_slice %arg5[%dma_start3A_195] : memref<10112xi32, #tpu.memory_space<vmem>> -> memref<128xi32, #tpu.memory_space<vmem>>
    %dma_start3A_197 = arith.constant 0 : i32
    %dma_start3A_198 = arith.constant 0 : i32
    %dma_start3A_199 = tpu.memref_slice %arg2[%dma_start3A_197, %dma_start3A_198] : memref<80000x16xf32, #tpu.memory_space<hbm>> -> memref<80000x16xf32, #tpu.memory_space<hbm>>
    tpu.enqueue_indirect_dma source(%dma_start3A_199 : memref<80000x16xf32, #tpu.memory_space<hbm>>) target(%dma_start3A_194 : memref<128x16xf32, #tpu.memory_space<vmem>>) offsets(%dma_start3A_196 : memref<128xi32, #tpu.memory_space<vmem>>) semaphore(%arg10 : memref<!tpu.dma_semaphore, #tpu.memory_space<semaphore_mem>>)
    %dma_wait3A_200 = arith.constant 2 : i32
    %dma_wait3A_201 = arith.constant 0 : i32
    %dma_wait3A_202 = arith.constant 0 : i32
    %dma_wait3A_203 = tpu.memref_slice %arg7[%dma_wait3A_200, %dma_wait3A_201, %dma_wait3A_202] : memref<16x128x16xf32, #tpu.memory_space<vmem>> -> memref<1x128x16xf32, #tpu.memory_space<vmem>>
    %dma_wait3A_204 = tpu.memref_squeeze %dma_wait3A_203 : memref<1x128x16xf32, #tpu.memory_space<vmem>> -> memref<128x16xf32, #tpu.memory_space<vmem>>
    %dma_wait3A_205 = arith.constant 0 : i32
    %dma_wait3A_206 = tpu.memref_slice %arg5[%dma_wait3A_205] : memref<10112xi32, #tpu.memory_space<vmem>> -> memref<128xi32, #tpu.memory_space<vmem>>
    %dma_wait3A_207 = arith.constant 0 : i32
    %dma_wait3A_208 = arith.constant 0 : i32
    %dma_wait3A_209 = tpu.memref_slice %arg2[%dma_wait3A_207, %dma_wait3A_208] : memref<80000x16xf32, #tpu.memory_space<hbm>> -> memref<80000x16xf32, #tpu.memory_space<hbm>>
    tpu.wait_indirect_dma semaphore(%arg10 : memref<!tpu.dma_semaphore, #tpu.memory_space<semaphore_mem>>) src(%dma_wait3A_209 : memref<80000x16xf32, #tpu.memory_space<hbm>>) dst(%dma_wait3A_204 : memref<128x16xf32, #tpu.memory_space<vmem>>)
    %dma_start3A_210 = arith.constant 2 : i32
    %dma_start3A_211 = arith.constant 0 : i32
    %dma_start3A_212 = arith.constant 0 : i32
    %dma_start3A_213 = tpu.memref_slice %arg7[%dma_start3A_210, %dma_start3A_211, %dma_start3A_212] : memref<16x128x16xf32, #tpu.memory_space<vmem>> -> memref<1x128x16xf32, #tpu.memory_space<vmem>>
    %dma_start3A_214 = tpu.memref_squeeze %dma_start3A_213 : memref<1x128x16xf32, #tpu.memory_space<vmem>> -> memref<128x16xf32, #tpu.memory_space<vmem>>
    %dma_start3A_215 = arith.constant 8448 : i32
    %dma_start3A_216 = tpu.memref_slice %arg6[%dma_start3A_215] : memref<10112xi32, #tpu.memory_space<vmem>> -> memref<128xi32, #tpu.memory_space<vmem>>
    %dma_start3A_217 = arith.constant 0 : i32
    %dma_start3A_218 = arith.constant 0 : i32
    %dma_start3A_219 = tpu.memref_slice %arg9[%dma_start3A_217, %dma_start3A_218] : memref<10048x16xf32, #tpu.memory_space<vmem_shared>> -> memref<10048x16xf32, #tpu.memory_space<vmem_shared>>
    tpu.enqueue_indirect_dma source(%dma_start3A_214 : memref<128x16xf32, #tpu.memory_space<vmem>>) target(%dma_start3A_219 : memref<10048x16xf32, #tpu.memory_space<vmem_shared>>) offsets(%dma_start3A_216 : memref<128xi32, #tpu.memory_space<vmem>>) semaphore(%arg11 : memref<!tpu.dma_semaphore, #tpu.memory_space<semaphore_mem>>) {add = true}
    %dma_wait3A_220 = arith.constant 0 : i32
    %dma_wait3A_221 = arith.constant 0 : i32
    %dma_wait3A_222 = arith.constant 0 : i32
    %dma_wait3A_223 = tpu.memref_slice %arg7[%dma_wait3A_220, %dma_wait3A_221, %dma_wait3A_222] : memref<16x128x16xf32, #tpu.memory_space<vmem>> -> memref<1x128x16xf32, #tpu.memory_space<vmem>>
    %dma_wait3A_224 = tpu.memref_squeeze %dma_wait3A_223 : memref<1x128x16xf32, #tpu.memory_space<vmem>> -> memref<128x16xf32, #tpu.memory_space<vmem>>
    %dma_wait3A_225 = arith.constant 0 : i32
    %dma_wait3A_226 = tpu.memref_slice %arg6[%dma_wait3A_225] : memref<10112xi32, #tpu.memory_space<vmem>> -> memref<128xi32, #tpu.memory_space<vmem>>
    %dma_wait3A_227 = arith.constant 0 : i32
    %dma_wait3A_228 = arith.constant 0 : i32
    %dma_wait3A_229 = tpu.memref_slice %arg9[%dma_wait3A_227, %dma_wait3A_228] : memref<10048x16xf32, #tpu.memory_space<vmem_shared>> -> memref<10048x16xf32, #tpu.memory_space<vmem_shared>>
    tpu.wait_indirect_dma semaphore(%arg11 : memref<!tpu.dma_semaphore, #tpu.memory_space<semaphore_mem>>) src(%dma_wait3A_224 : memref<128x16xf32, #tpu.memory_space<vmem>>) dst(%dma_wait3A_229 : memref<10048x16xf32, #tpu.memory_space<vmem_shared>>)
    %dma_start3A_230 = arith.constant 10 : i32
    %dma_start3A_231 = arith.constant 0 : i32
    %dma_start3A_232 = arith.constant 0 : i32
    %dma_start3A_233 = tpu.memref_slice %arg7[%dma_start3A_230, %dma_start3A_231, %dma_start3A_232] : memref<16x128x16xf32, #tpu.memory_space<vmem>> -> memref<1x128x16xf32, #tpu.memory_space<vmem>>
    %dma_start3A_234 = tpu.memref_squeeze %dma_start3A_233 : memref<1x128x16xf32, #tpu.memory_space<vmem>> -> memref<128x16xf32, #tpu.memory_space<vmem>>
    %dma_start3A_235 = arith.constant 9472 : i32
    %dma_start3A_236 = tpu.memref_slice %arg5[%dma_start3A_235] : memref<10112xi32, #tpu.memory_space<vmem>> -> memref<128xi32, #tpu.memory_space<vmem>>
    %dma_start3A_237 = arith.constant 0 : i32
    %dma_start3A_238 = arith.constant 0 : i32
    %dma_start3A_239 = tpu.memref_slice %arg2[%dma_start3A_237, %dma_start3A_238] : memref<80000x16xf32, #tpu.memory_space<hbm>> -> memref<80000x16xf32, #tpu.memory_space<hbm>>
    tpu.enqueue_indirect_dma source(%dma_start3A_239 : memref<80000x16xf32, #tpu.memory_space<hbm>>) target(%dma_start3A_234 : memref<128x16xf32, #tpu.memory_space<vmem>>) offsets(%dma_start3A_236 : memref<128xi32, #tpu.memory_space<vmem>>) semaphore(%arg10 : memref<!tpu.dma_semaphore, #tpu.memory_space<semaphore_mem>>)
    %dma_wait3A_240 = arith.constant 3 : i32
    %dma_wait3A_241 = arith.constant 0 : i32
    %dma_wait3A_242 = arith.constant 0 : i32
    %dma_wait3A_243 = tpu.memref_slice %arg7[%dma_wait3A_240, %dma_wait3A_241, %dma_wait3A_242] : memref<16x128x16xf32, #tpu.memory_space<vmem>> -> memref<1x128x16xf32, #tpu.memory_space<vmem>>
    %dma_wait3A_244 = tpu.memref_squeeze %dma_wait3A_243 : memref<1x128x16xf32, #tpu.memory_space<vmem>> -> memref<128x16xf32, #tpu.memory_space<vmem>>
    %dma_wait3A_245 = arith.constant 0 : i32
    %dma_wait3A_246 = tpu.memref_slice %arg5[%dma_wait3A_245] : memref<10112xi32, #tpu.memory_space<vmem>> -> memref<128xi32, #tpu.memory_space<vmem>>
    %dma_wait3A_247 = arith.constant 0 : i32
    %dma_wait3A_248 = arith.constant 0 : i32
    %dma_wait3A_249 = tpu.memref_slice %arg2[%dma_wait3A_247, %dma_wait3A_248] : memref<80000x16xf32, #tpu.memory_space<hbm>> -> memref<80000x16xf32, #tpu.memory_space<hbm>>
    tpu.wait_indirect_dma semaphore(%arg10 : memref<!tpu.dma_semaphore, #tpu.memory_space<semaphore_mem>>) src(%dma_wait3A_249 : memref<80000x16xf32, #tpu.memory_space<hbm>>) dst(%dma_wait3A_244 : memref<128x16xf32, #tpu.memory_space<vmem>>)
    %dma_start3A_250 = arith.constant 3 : i32
    %dma_start3A_251 = arith.constant 0 : i32
    %dma_start3A_252 = arith.constant 0 : i32
    %dma_start3A_253 = tpu.memref_slice %arg7[%dma_start3A_250, %dma_start3A_251, %dma_start3A_252] : memref<16x128x16xf32, #tpu.memory_space<vmem>> -> memref<1x128x16xf32, #tpu.memory_space<vmem>>
    %dma_start3A_254 = tpu.memref_squeeze %dma_start3A_253 : memref<1x128x16xf32, #tpu.memory_space<vmem>> -> memref<128x16xf32, #tpu.memory_space<vmem>>
    %dma_start3A_255 = arith.constant 8576 : i32
    %dma_start3A_256 = tpu.memref_slice %arg6[%dma_start3A_255] : memref<10112xi32, #tpu.memory_space<vmem>> -> memref<128xi32, #tpu.memory_space<vmem>>
    %dma_start3A_257 = arith.constant 0 : i32
    %dma_start3A_258 = arith.constant 0 : i32
    %dma_start3A_259 = tpu.memref_slice %arg9[%dma_start3A_257, %dma_start3A_258] : memref<10048x16xf32, #tpu.memory_space<vmem_shared>> -> memref<10048x16xf32, #tpu.memory_space<vmem_shared>>
    tpu.enqueue_indirect_dma source(%dma_start3A_254 : memref<128x16xf32, #tpu.memory_space<vmem>>) target(%dma_start3A_259 : memref<10048x16xf32, #tpu.memory_space<vmem_shared>>) offsets(%dma_start3A_256 : memref<128xi32, #tpu.memory_space<vmem>>) semaphore(%arg11 : memref<!tpu.dma_semaphore, #tpu.memory_space<semaphore_mem>>) {add = true}
    %dma_wait3A_260 = arith.constant 0 : i32
    %dma_wait3A_261 = arith.constant 0 : i32
    %dma_wait3A_262 = arith.constant 0 : i32
    %dma_wait3A_263 = tpu.memref_slice %arg7[%dma_wait3A_260, %dma_wait3A_261, %dma_wait3A_262] : memref<16x128x16xf32, #tpu.memory_space<vmem>> -> memref<1x128x16xf32, #tpu.memory_space<vmem>>
    %dma_wait3A_264 = tpu.memref_squeeze %dma_wait3A_263 : memref<1x128x16xf32, #tpu.memory_space<vmem>> -> memref<128x16xf32, #tpu.memory_space<vmem>>
    %dma_wait3A_265 = arith.constant 0 : i32
    %dma_wait3A_266 = tpu.memref_slice %arg6[%dma_wait3A_265] : memref<10112xi32, #tpu.memory_space<vmem>> -> memref<128xi32, #tpu.memory_space<vmem>>
    %dma_wait3A_267 = arith.constant 0 : i32
    %dma_wait3A_268 = arith.constant 0 : i32
    %dma_wait3A_269 = tpu.memref_slice %arg9[%dma_wait3A_267, %dma_wait3A_268] : memref<10048x16xf32, #tpu.memory_space<vmem_shared>> -> memref<10048x16xf32, #tpu.memory_space<vmem_shared>>
    tpu.wait_indirect_dma semaphore(%arg11 : memref<!tpu.dma_semaphore, #tpu.memory_space<semaphore_mem>>) src(%dma_wait3A_264 : memref<128x16xf32, #tpu.memory_space<vmem>>) dst(%dma_wait3A_269 : memref<10048x16xf32, #tpu.memory_space<vmem_shared>>)
    %dma_start3A_270 = arith.constant 11 : i32
    %dma_start3A_271 = arith.constant 0 : i32
    %dma_start3A_272 = arith.constant 0 : i32
    %dma_start3A_273 = tpu.memref_slice %arg7[%dma_start3A_270, %dma_start3A_271, %dma_start3A_272] : memref<16x128x16xf32, #tpu.memory_space<vmem>> -> memref<1x128x16xf32, #tpu.memory_space<vmem>>
    %dma_start3A_274 = tpu.memref_squeeze %dma_start3A_273 : memref<1x128x16xf32, #tpu.memory_space<vmem>> -> memref<128x16xf32, #tpu.memory_space<vmem>>
    %dma_start3A_275 = arith.constant 9600 : i32
    %dma_start3A_276 = tpu.memref_slice %arg5[%dma_start3A_275] : memref<10112xi32, #tpu.memory_space<vmem>> -> memref<128xi32, #tpu.memory_space<vmem>>
    %dma_start3A_277 = arith.constant 0 : i32
    %dma_start3A_278 = arith.constant 0 : i32
    %dma_start3A_279 = tpu.memref_slice %arg2[%dma_start3A_277, %dma_start3A_278] : memref<80000x16xf32, #tpu.memory_space<hbm>> -> memref<80000x16xf32, #tpu.memory_space<hbm>>
    tpu.enqueue_indirect_dma source(%dma_start3A_279 : memref<80000x16xf32, #tpu.memory_space<hbm>>) target(%dma_start3A_274 : memref<128x16xf32, #tpu.memory_space<vmem>>) offsets(%dma_start3A_276 : memref<128xi32, #tpu.memory_space<vmem>>) semaphore(%arg10 : memref<!tpu.dma_semaphore, #tpu.memory_space<semaphore_mem>>)
    %dma_wait3A_280 = arith.constant 4 : i32
    %dma_wait3A_281 = arith.constant 0 : i32
    %dma_wait3A_282 = arith.constant 0 : i32
    %dma_wait3A_283 = tpu.memref_slice %arg7[%dma_wait3A_280, %dma_wait3A_281, %dma_wait3A_282] : memref<16x128x16xf32, #tpu.memory_space<vmem>> -> memref<1x128x16xf32, #tpu.memory_space<vmem>>
    %dma_wait3A_284 = tpu.memref_squeeze %dma_wait3A_283 : memref<1x128x16xf32, #tpu.memory_space<vmem>> -> memref<128x16xf32, #tpu.memory_space<vmem>>
    %dma_wait3A_285 = arith.constant 0 : i32
    %dma_wait3A_286 = tpu.memref_slice %arg5[%dma_wait3A_285] : memref<10112xi32, #tpu.memory_space<vmem>> -> memref<128xi32, #tpu.memory_space<vmem>>
    %dma_wait3A_287 = arith.constant 0 : i32
    %dma_wait3A_288 = arith.constant 0 : i32
    %dma_wait3A_289 = tpu.memref_slice %arg2[%dma_wait3A_287, %dma_wait3A_288] : memref<80000x16xf32, #tpu.memory_space<hbm>> -> memref<80000x16xf32, #tpu.memory_space<hbm>>
    tpu.wait_indirect_dma semaphore(%arg10 : memref<!tpu.dma_semaphore, #tpu.memory_space<semaphore_mem>>) src(%dma_wait3A_289 : memref<80000x16xf32, #tpu.memory_space<hbm>>) dst(%dma_wait3A_284 : memref<128x16xf32, #tpu.memory_space<vmem>>)
    %dma_start3A_290 = arith.constant 4 : i32
    %dma_start3A_291 = arith.constant 0 : i32
    %dma_start3A_292 = arith.constant 0 : i32
    %dma_start3A_293 = tpu.memref_slice %arg7[%dma_start3A_290, %dma_start3A_291, %dma_start3A_292] : memref<16x128x16xf32, #tpu.memory_space<vmem>> -> memref<1x128x16xf32, #tpu.memory_space<vmem>>
    %dma_start3A_294 = tpu.memref_squeeze %dma_start3A_293 : memref<1x128x16xf32, #tpu.memory_space<vmem>> -> memref<128x16xf32, #tpu.memory_space<vmem>>
    %dma_start3A_295 = arith.constant 8704 : i32
    %dma_start3A_296 = tpu.memref_slice %arg6[%dma_start3A_295] : memref<10112xi32, #tpu.memory_space<vmem>> -> memref<128xi32, #tpu.memory_space<vmem>>
    %dma_start3A_297 = arith.constant 0 : i32
    %dma_start3A_298 = arith.constant 0 : i32
    %dma_start3A_299 = tpu.memref_slice %arg9[%dma_start3A_297, %dma_start3A_298] : memref<10048x16xf32, #tpu.memory_space<vmem_shared>> -> memref<10048x16xf32, #tpu.memory_space<vmem_shared>>
    tpu.enqueue_indirect_dma source(%dma_start3A_294 : memref<128x16xf32, #tpu.memory_space<vmem>>) target(%dma_start3A_299 : memref<10048x16xf32, #tpu.memory_space<vmem_shared>>) offsets(%dma_start3A_296 : memref<128xi32, #tpu.memory_space<vmem>>) semaphore(%arg11 : memref<!tpu.dma_semaphore, #tpu.memory_space<semaphore_mem>>) {add = true}
    %dma_wait3A_300 = arith.constant 0 : i32
    %dma_wait3A_301 = arith.constant 0 : i32
    %dma_wait3A_302 = arith.constant 0 : i32
    %dma_wait3A_303 = tpu.memref_slice %arg7[%dma_wait3A_300, %dma_wait3A_301, %dma_wait3A_302] : memref<16x128x16xf32, #tpu.memory_space<vmem>> -> memref<1x128x16xf32, #tpu.memory_space<vmem>>
    %dma_wait3A_304 = tpu.memref_squeeze %dma_wait3A_303 : memref<1x128x16xf32, #tpu.memory_space<vmem>> -> memref<128x16xf32, #tpu.memory_space<vmem>>
    %dma_wait3A_305 = arith.constant 0 : i32
    %dma_wait3A_306 = tpu.memref_slice %arg6[%dma_wait3A_305] : memref<10112xi32, #tpu.memory_space<vmem>> -> memref<128xi32, #tpu.memory_space<vmem>>
    %dma_wait3A_307 = arith.constant 0 : i32
    %dma_wait3A_308 = arith.constant 0 : i32
    %dma_wait3A_309 = tpu.memref_slice %arg9[%dma_wait3A_307, %dma_wait3A_308] : memref<10048x16xf32, #tpu.memory_space<vmem_shared>> -> memref<10048x16xf32, #tpu.memory_space<vmem_shared>>
    tpu.wait_indirect_dma semaphore(%arg11 : memref<!tpu.dma_semaphore, #tpu.memory_space<semaphore_mem>>) src(%dma_wait3A_304 : memref<128x16xf32, #tpu.memory_space<vmem>>) dst(%dma_wait3A_309 : memref<10048x16xf32, #tpu.memory_space<vmem_shared>>)
    %dma_start3A_310 = arith.constant 12 : i32
    %dma_start3A_311 = arith.constant 0 : i32
    %dma_start3A_312 = arith.constant 0 : i32
    %dma_start3A_313 = tpu.memref_slice %arg7[%dma_start3A_310, %dma_start3A_311, %dma_start3A_312] : memref<16x128x16xf32, #tpu.memory_space<vmem>> -> memref<1x128x16xf32, #tpu.memory_space<vmem>>
    %dma_start3A_314 = tpu.memref_squeeze %dma_start3A_313 : memref<1x128x16xf32, #tpu.memory_space<vmem>> -> memref<128x16xf32, #tpu.memory_space<vmem>>
    %dma_start3A_315 = arith.constant 9728 : i32
    %dma_start3A_316 = tpu.memref_slice %arg5[%dma_start3A_315] : memref<10112xi32, #tpu.memory_space<vmem>> -> memref<128xi32, #tpu.memory_space<vmem>>
    %dma_start3A_317 = arith.constant 0 : i32
    %dma_start3A_318 = arith.constant 0 : i32
    %dma_start3A_319 = tpu.memref_slice %arg2[%dma_start3A_317, %dma_start3A_318] : memref<80000x16xf32, #tpu.memory_space<hbm>> -> memref<80000x16xf32, #tpu.memory_space<hbm>>
    tpu.enqueue_indirect_dma source(%dma_start3A_319 : memref<80000x16xf32, #tpu.memory_space<hbm>>) target(%dma_start3A_314 : memref<128x16xf32, #tpu.memory_space<vmem>>) offsets(%dma_start3A_316 : memref<128xi32, #tpu.memory_space<vmem>>) semaphore(%arg10 : memref<!tpu.dma_semaphore, #tpu.memory_space<semaphore_mem>>)
    %dma_wait3A_320 = arith.constant 5 : i32
    %dma_wait3A_321 = arith.constant 0 : i32
    %dma_wait3A_322 = arith.constant 0 : i32
    %dma_wait3A_323 = tpu.memref_slice %arg7[%dma_wait3A_320, %dma_wait3A_321, %dma_wait3A_322] : memref<16x128x16xf32, #tpu.memory_space<vmem>> -> memref<1x128x16xf32, #tpu.memory_space<vmem>>
    %dma_wait3A_324 = tpu.memref_squeeze %dma_wait3A_323 : memref<1x128x16xf32, #tpu.memory_space<vmem>> -> memref<128x16xf32, #tpu.memory_space<vmem>>
    %dma_wait3A_325 = arith.constant 0 : i32
    %dma_wait3A_326 = tpu.memref_slice %arg5[%dma_wait3A_325] : memref<10112xi32, #tpu.memory_space<vmem>> -> memref<128xi32, #tpu.memory_space<vmem>>
    %dma_wait3A_327 = arith.constant 0 : i32
    %dma_wait3A_328 = arith.constant 0 : i32
    %dma_wait3A_329 = tpu.memref_slice %arg2[%dma_wait3A_327, %dma_wait3A_328] : memref<80000x16xf32, #tpu.memory_space<hbm>> -> memref<80000x16xf32, #tpu.memory_space<hbm>>
    tpu.wait_indirect_dma semaphore(%arg10 : memref<!tpu.dma_semaphore, #tpu.memory_space<semaphore_mem>>) src(%dma_wait3A_329 : memref<80000x16xf32, #tpu.memory_space<hbm>>) dst(%dma_wait3A_324 : memref<128x16xf32, #tpu.memory_space<vmem>>)
    %dma_start3A_330 = arith.constant 5 : i32
    %dma_start3A_331 = arith.constant 0 : i32
    %dma_start3A_332 = arith.constant 0 : i32
    %dma_start3A_333 = tpu.memref_slice %arg7[%dma_start3A_330, %dma_start3A_331, %dma_start3A_332] : memref<16x128x16xf32, #tpu.memory_space<vmem>> -> memref<1x128x16xf32, #tpu.memory_space<vmem>>
    %dma_start3A_334 = tpu.memref_squeeze %dma_start3A_333 : memref<1x128x16xf32, #tpu.memory_space<vmem>> -> memref<128x16xf32, #tpu.memory_space<vmem>>
    %dma_start3A_335 = arith.constant 8832 : i32
    %dma_start3A_336 = tpu.memref_slice %arg6[%dma_start3A_335] : memref<10112xi32, #tpu.memory_space<vmem>> -> memref<128xi32, #tpu.memory_space<vmem>>
    %dma_start3A_337 = arith.constant 0 : i32
    %dma_start3A_338 = arith.constant 0 : i32
    %dma_start3A_339 = tpu.memref_slice %arg9[%dma_start3A_337, %dma_start3A_338] : memref<10048x16xf32, #tpu.memory_space<vmem_shared>> -> memref<10048x16xf32, #tpu.memory_space<vmem_shared>>
    tpu.enqueue_indirect_dma source(%dma_start3A_334 : memref<128x16xf32, #tpu.memory_space<vmem>>) target(%dma_start3A_339 : memref<10048x16xf32, #tpu.memory_space<vmem_shared>>) offsets(%dma_start3A_336 : memref<128xi32, #tpu.memory_space<vmem>>) semaphore(%arg11 : memref<!tpu.dma_semaphore, #tpu.memory_space<semaphore_mem>>) {add = true}
    %dma_wait3A_340 = arith.constant 0 : i32
    %dma_wait3A_341 = arith.constant 0 : i32
    %dma_wait3A_342 = arith.constant 0 : i32
    %dma_wait3A_343 = tpu.memref_slice %arg7[%dma_wait3A_340, %dma_wait3A_341, %dma_wait3A_342] : memref<16x128x16xf32, #tpu.memory_space<vmem>> -> memref<1x128x16xf32, #tpu.memory_space<vmem>>
    %dma_wait3A_344 = tpu.memref_squeeze %dma_wait3A_343 : memref<1x128x16xf32, #tpu.memory_space<vmem>> -> memref<128x16xf32, #tpu.memory_space<vmem>>
    %dma_wait3A_345 = arith.constant 0 : i32
    %dma_wait3A_346 = tpu.memref_slice %arg6[%dma_wait3A_345] : memref<10112xi32, #tpu.memory_space<vmem>> -> memref<128xi32, #tpu.memory_space<vmem>>
    %dma_wait3A_347 = arith.constant 0 : i32
    %dma_wait3A_348 = arith.constant 0 : i32
    %dma_wait3A_349 = tpu.memref_slice %arg9[%dma_wait3A_347, %dma_wait3A_348] : memref<10048x16xf32, #tpu.memory_space<vmem_shared>> -> memref<10048x16xf32, #tpu.memory_space<vmem_shared>>
    tpu.wait_indirect_dma semaphore(%arg11 : memref<!tpu.dma_semaphore, #tpu.memory_space<semaphore_mem>>) src(%dma_wait3A_344 : memref<128x16xf32, #tpu.memory_space<vmem>>) dst(%dma_wait3A_349 : memref<10048x16xf32, #tpu.memory_space<vmem_shared>>)
    %dma_start3A_350 = arith.constant 13 : i32
    %dma_start3A_351 = arith.constant 0 : i32
    %dma_start3A_352 = arith.constant 0 : i32
    %dma_start3A_353 = tpu.memref_slice %arg7[%dma_start3A_350, %dma_start3A_351, %dma_start3A_352] : memref<16x128x16xf32, #tpu.memory_space<vmem>> -> memref<1x128x16xf32, #tpu.memory_space<vmem>>
    %dma_start3A_354 = tpu.memref_squeeze %dma_start3A_353 : memref<1x128x16xf32, #tpu.memory_space<vmem>> -> memref<128x16xf32, #tpu.memory_space<vmem>>
    %dma_start3A_355 = arith.constant 9856 : i32
    %dma_start3A_356 = tpu.memref_slice %arg5[%dma_start3A_355] : memref<10112xi32, #tpu.memory_space<vmem>> -> memref<128xi32, #tpu.memory_space<vmem>>
    %dma_start3A_357 = arith.constant 0 : i32
    %dma_start3A_358 = arith.constant 0 : i32
    %dma_start3A_359 = tpu.memref_slice %arg2[%dma_start3A_357, %dma_start3A_358] : memref<80000x16xf32, #tpu.memory_space<hbm>> -> memref<80000x16xf32, #tpu.memory_space<hbm>>
    tpu.enqueue_indirect_dma source(%dma_start3A_359 : memref<80000x16xf32, #tpu.memory_space<hbm>>) target(%dma_start3A_354 : memref<128x16xf32, #tpu.memory_space<vmem>>) offsets(%dma_start3A_356 : memref<128xi32, #tpu.memory_space<vmem>>) semaphore(%arg10 : memref<!tpu.dma_semaphore, #tpu.memory_space<semaphore_mem>>)
    %dma_wait3A_360 = arith.constant 6 : i32
    %dma_wait3A_361 = arith.constant 0 : i32
    %dma_wait3A_362 = arith.constant 0 : i32
    %dma_wait3A_363 = tpu.memref_slice %arg7[%dma_wait3A_360, %dma_wait3A_361, %dma_wait3A_362] : memref<16x128x16xf32, #tpu.memory_space<vmem>> -> memref<1x128x16xf32, #tpu.memory_space<vmem>>
    %dma_wait3A_364 = tpu.memref_squeeze %dma_wait3A_363 : memref<1x128x16xf32, #tpu.memory_space<vmem>> -> memref<128x16xf32, #tpu.memory_space<vmem>>
    %dma_wait3A_365 = arith.constant 0 : i32
    %dma_wait3A_366 = tpu.memref_slice %arg5[%dma_wait3A_365] : memref<10112xi32, #tpu.memory_space<vmem>> -> memref<128xi32, #tpu.memory_space<vmem>>
    %dma_wait3A_367 = arith.constant 0 : i32
    %dma_wait3A_368 = arith.constant 0 : i32
    %dma_wait3A_369 = tpu.memref_slice %arg2[%dma_wait3A_367, %dma_wait3A_368] : memref<80000x16xf32, #tpu.memory_space<hbm>> -> memref<80000x16xf32, #tpu.memory_space<hbm>>
    tpu.wait_indirect_dma semaphore(%arg10 : memref<!tpu.dma_semaphore, #tpu.memory_space<semaphore_mem>>) src(%dma_wait3A_369 : memref<80000x16xf32, #tpu.memory_space<hbm>>) dst(%dma_wait3A_364 : memref<128x16xf32, #tpu.memory_space<vmem>>)
    %dma_start3A_370 = arith.constant 6 : i32
    %dma_start3A_371 = arith.constant 0 : i32
    %dma_start3A_372 = arith.constant 0 : i32
    %dma_start3A_373 = tpu.memref_slice %arg7[%dma_start3A_370, %dma_start3A_371, %dma_start3A_372] : memref<16x128x16xf32, #tpu.memory_space<vmem>> -> memref<1x128x16xf32, #tpu.memory_space<vmem>>
    %dma_start3A_374 = tpu.memref_squeeze %dma_start3A_373 : memref<1x128x16xf32, #tpu.memory_space<vmem>> -> memref<128x16xf32, #tpu.memory_space<vmem>>
    %dma_start3A_375 = arith.constant 8960 : i32
    %dma_start3A_376 = tpu.memref_slice %arg6[%dma_start3A_375] : memref<10112xi32, #tpu.memory_space<vmem>> -> memref<128xi32, #tpu.memory_space<vmem>>
    %dma_start3A_377 = arith.constant 0 : i32
    %dma_start3A_378 = arith.constant 0 : i32
    %dma_start3A_379 = tpu.memref_slice %arg9[%dma_start3A_377, %dma_start3A_378] : memref<10048x16xf32, #tpu.memory_space<vmem_shared>> -> memref<10048x16xf32, #tpu.memory_space<vmem_shared>>
    tpu.enqueue_indirect_dma source(%dma_start3A_374 : memref<128x16xf32, #tpu.memory_space<vmem>>) target(%dma_start3A_379 : memref<10048x16xf32, #tpu.memory_space<vmem_shared>>) offsets(%dma_start3A_376 : memref<128xi32, #tpu.memory_space<vmem>>) semaphore(%arg11 : memref<!tpu.dma_semaphore, #tpu.memory_space<semaphore_mem>>) {add = true}
    %dma_wait3A_380 = arith.constant 0 : i32
    %dma_wait3A_381 = arith.constant 0 : i32
    %dma_wait3A_382 = arith.constant 0 : i32
    %dma_wait3A_383 = tpu.memref_slice %arg7[%dma_wait3A_380, %dma_wait3A_381, %dma_wait3A_382] : memref<16x128x16xf32, #tpu.memory_space<vmem>> -> memref<1x128x16xf32, #tpu.memory_space<vmem>>
    %dma_wait3A_384 = tpu.memref_squeeze %dma_wait3A_383 : memref<1x128x16xf32, #tpu.memory_space<vmem>> -> memref<128x16xf32, #tpu.memory_space<vmem>>
    %dma_wait3A_385 = arith.constant 0 : i32
    %dma_wait3A_386 = tpu.memref_slice %arg6[%dma_wait3A_385] : memref<10112xi32, #tpu.memory_space<vmem>> -> memref<128xi32, #tpu.memory_space<vmem>>
    %dma_wait3A_387 = arith.constant 0 : i32
    %dma_wait3A_388 = arith.constant 0 : i32
    %dma_wait3A_389 = tpu.memref_slice %arg9[%dma_wait3A_387, %dma_wait3A_388] : memref<10048x16xf32, #tpu.memory_space<vmem_shared>> -> memref<10048x16xf32, #tpu.memory_space<vmem_shared>>
    tpu.wait_indirect_dma semaphore(%arg11 : memref<!tpu.dma_semaphore, #tpu.memory_space<semaphore_mem>>) src(%dma_wait3A_384 : memref<128x16xf32, #tpu.memory_space<vmem>>) dst(%dma_wait3A_389 : memref<10048x16xf32, #tpu.memory_space<vmem_shared>>)
    %gt3A = arith.constant 78 : i32
    %gt3A_390 = arith.cmpi sgt, %add3A_4, %gt3A : i32
    %convert_element_type3A = arith.extui %gt3A_390 : i1 to i32
    %cond3A = arith.constant 0 : i32
    %cond3A_391 = arith.cmpi ne, %convert_element_type3A, %cond3A : i32
    scf.if %cond3A_391 {
      %dma_start3A_573 = arith.constant 14 : i32
      %dma_start3A_574 = arith.constant 0 : i32
      %dma_start3A_575 = arith.constant 0 : i32
      %dma_start3A_576 = tpu.memref_slice %arg7[%dma_start3A_573, %dma_start3A_574, %dma_start3A_575] : memref<16x128x16xf32, #tpu.memory_space<vmem>> -> memref<1x128x16xf32, #tpu.memory_space<vmem>>
      %dma_start3A_577 = tpu.memref_squeeze %dma_start3A_576 : memref<1x128x16xf32, #tpu.memory_space<vmem>> -> memref<128x16xf32, #tpu.memory_space<vmem>>
      %dma_start3A_578 = arith.constant 9984 : i32
      %dma_start3A_579 = tpu.memref_slice %arg5[%dma_start3A_578] : memref<10112xi32, #tpu.memory_space<vmem>> -> memref<128xi32, #tpu.memory_space<vmem>>
      %dma_start3A_580 = arith.constant 0 : i32
      %dma_start3A_581 = arith.constant 0 : i32
      %dma_start3A_582 = tpu.memref_slice %arg2[%dma_start3A_580, %dma_start3A_581] : memref<80000x16xf32, #tpu.memory_space<hbm>> -> memref<80000x16xf32, #tpu.memory_space<hbm>>
      tpu.enqueue_indirect_dma source(%dma_start3A_582 : memref<80000x16xf32, #tpu.memory_space<hbm>>) target(%dma_start3A_577 : memref<128x16xf32, #tpu.memory_space<vmem>>) offsets(%dma_start3A_579 : memref<128xi32, #tpu.memory_space<vmem>>) semaphore(%arg10 : memref<!tpu.dma_semaphore, #tpu.memory_space<semaphore_mem>>)
    } else {
    }
    %dma_wait3A_392 = arith.constant 7 : i32
    %dma_wait3A_393 = arith.constant 0 : i32
    %dma_wait3A_394 = arith.constant 0 : i32
    %dma_wait3A_395 = tpu.memref_slice %arg7[%dma_wait3A_392, %dma_wait3A_393, %dma_wait3A_394] : memref<16x128x16xf32, #tpu.memory_space<vmem>> -> memref<1x128x16xf32, #tpu.memory_space<vmem>>
    %dma_wait3A_396 = tpu.memref_squeeze %dma_wait3A_395 : memref<1x128x16xf32, #tpu.memory_space<vmem>> -> memref<128x16xf32, #tpu.memory_space<vmem>>
    %dma_wait3A_397 = arith.constant 0 : i32
    %dma_wait3A_398 = tpu.memref_slice %arg5[%dma_wait3A_397] : memref<10112xi32, #tpu.memory_space<vmem>> -> memref<128xi32, #tpu.memory_space<vmem>>
    %dma_wait3A_399 = arith.constant 0 : i32
    %dma_wait3A_400 = arith.constant 0 : i32
    %dma_wait3A_401 = tpu.memref_slice %arg2[%dma_wait3A_399, %dma_wait3A_400] : memref<80000x16xf32, #tpu.memory_space<hbm>> -> memref<80000x16xf32, #tpu.memory_space<hbm>>
    tpu.wait_indirect_dma semaphore(%arg10 : memref<!tpu.dma_semaphore, #tpu.memory_space<semaphore_mem>>) src(%dma_wait3A_401 : memref<80000x16xf32, #tpu.memory_space<hbm>>) dst(%dma_wait3A_396 : memref<128x16xf32, #tpu.memory_space<vmem>>)
    %dma_start3A_402 = arith.constant 7 : i32
    %dma_start3A_403 = arith.constant 0 : i32
    %dma_start3A_404 = arith.constant 0 : i32
    %dma_start3A_405 = tpu.memref_slice %arg7[%dma_start3A_402, %dma_start3A_403, %dma_start3A_404] : memref<16x128x16xf32, #tpu.memory_space<vmem>> -> memref<1x128x16xf32, #tpu.memory_space<vmem>>
    %dma_start3A_406 = tpu.memref_squeeze %dma_start3A_405 : memref<1x128x16xf32, #tpu.memory_space<vmem>> -> memref<128x16xf32, #tpu.memory_space<vmem>>
    %dma_start3A_407 = arith.constant 9088 : i32
    %dma_start3A_408 = tpu.memref_slice %arg6[%dma_start3A_407] : memref<10112xi32, #tpu.memory_space<vmem>> -> memref<128xi32, #tpu.memory_space<vmem>>
    %dma_start3A_409 = arith.constant 0 : i32
    %dma_start3A_410 = arith.constant 0 : i32
    %dma_start3A_411 = tpu.memref_slice %arg9[%dma_start3A_409, %dma_start3A_410] : memref<10048x16xf32, #tpu.memory_space<vmem_shared>> -> memref<10048x16xf32, #tpu.memory_space<vmem_shared>>
    tpu.enqueue_indirect_dma source(%dma_start3A_406 : memref<128x16xf32, #tpu.memory_space<vmem>>) target(%dma_start3A_411 : memref<10048x16xf32, #tpu.memory_space<vmem_shared>>) offsets(%dma_start3A_408 : memref<128xi32, #tpu.memory_space<vmem>>) semaphore(%arg11 : memref<!tpu.dma_semaphore, #tpu.memory_space<semaphore_mem>>) {add = true}
    %dma_wait3A_412 = arith.constant 0 : i32
    %dma_wait3A_413 = arith.constant 0 : i32
    %dma_wait3A_414 = arith.constant 0 : i32
    %dma_wait3A_415 = tpu.memref_slice %arg7[%dma_wait3A_412, %dma_wait3A_413, %dma_wait3A_414] : memref<16x128x16xf32, #tpu.memory_space<vmem>> -> memref<1x128x16xf32, #tpu.memory_space<vmem>>
    %dma_wait3A_416 = tpu.memref_squeeze %dma_wait3A_415 : memref<1x128x16xf32, #tpu.memory_space<vmem>> -> memref<128x16xf32, #tpu.memory_space<vmem>>
    %dma_wait3A_417 = arith.constant 0 : i32
    %dma_wait3A_418 = tpu.memref_slice %arg6[%dma_wait3A_417] : memref<10112xi32, #tpu.memory_space<vmem>> -> memref<128xi32, #tpu.memory_space<vmem>>
    %dma_wait3A_419 = arith.constant 0 : i32
    %dma_wait3A_420 = arith.constant 0 : i32
    %dma_wait3A_421 = tpu.memref_slice %arg9[%dma_wait3A_419, %dma_wait3A_420] : memref<10048x16xf32, #tpu.memory_space<vmem_shared>> -> memref<10048x16xf32, #tpu.memory_space<vmem_shared>>
    tpu.wait_indirect_dma semaphore(%arg11 : memref<!tpu.dma_semaphore, #tpu.memory_space<semaphore_mem>>) src(%dma_wait3A_416 : memref<128x16xf32, #tpu.memory_space<vmem>>) dst(%dma_wait3A_421 : memref<10048x16xf32, #tpu.memory_space<vmem_shared>>)
    %gt3A_422 = arith.constant 72 : i32
    %gt3A_423 = arith.cmpi sgt, %add3A_4, %gt3A_422 : i32
    %convert_element_type3A_424 = arith.extui %gt3A_423 : i1 to i32
    %cond3A_425 = arith.constant 0 : i32
    %cond3A_426 = arith.cmpi ne, %convert_element_type3A_424, %cond3A_425 : i32
    scf.if %cond3A_426 {
      %dma_wait3A_573 = arith.constant 8 : i32
      %dma_wait3A_574 = arith.constant 0 : i32
      %dma_wait3A_575 = arith.constant 0 : i32
      %dma_wait3A_576 = tpu.memref_slice %arg7[%dma_wait3A_573, %dma_wait3A_574, %dma_wait3A_575] : memref<16x128x16xf32, #tpu.memory_space<vmem>> -> memref<1x128x16xf32, #tpu.memory_space<vmem>>
      %dma_wait3A_577 = tpu.memref_squeeze %dma_wait3A_576 : memref<1x128x16xf32, #tpu.memory_space<vmem>> -> memref<128x16xf32, #tpu.memory_space<vmem>>
      %dma_wait3A_578 = arith.constant 0 : i32
      %dma_wait3A_579 = tpu.memref_slice %arg5[%dma_wait3A_578] : memref<10112xi32, #tpu.memory_space<vmem>> -> memref<128xi32, #tpu.memory_space<vmem>>
      %dma_wait3A_580 = arith.constant 0 : i32
      %dma_wait3A_581 = arith.constant 0 : i32
      %dma_wait3A_582 = tpu.memref_slice %arg2[%dma_wait3A_580, %dma_wait3A_581] : memref<80000x16xf32, #tpu.memory_space<hbm>> -> memref<80000x16xf32, #tpu.memory_space<hbm>>
      tpu.wait_indirect_dma semaphore(%arg10 : memref<!tpu.dma_semaphore, #tpu.memory_space<semaphore_mem>>) src(%dma_wait3A_582 : memref<80000x16xf32, #tpu.memory_space<hbm>>) dst(%dma_wait3A_577 : memref<128x16xf32, #tpu.memory_space<vmem>>)
      %dma_start3A_583 = arith.constant 8 : i32
      %dma_start3A_584 = arith.constant 0 : i32
      %dma_start3A_585 = arith.constant 0 : i32
      %dma_start3A_586 = tpu.memref_slice %arg7[%dma_start3A_583, %dma_start3A_584, %dma_start3A_585] : memref<16x128x16xf32, #tpu.memory_space<vmem>> -> memref<1x128x16xf32, #tpu.memory_space<vmem>>
      %dma_start3A_587 = tpu.memref_squeeze %dma_start3A_586 : memref<1x128x16xf32, #tpu.memory_space<vmem>> -> memref<128x16xf32, #tpu.memory_space<vmem>>
      %dma_start3A_588 = arith.constant 9216 : i32
      %dma_start3A_589 = tpu.memref_slice %arg6[%dma_start3A_588] : memref<10112xi32, #tpu.memory_space<vmem>> -> memref<128xi32, #tpu.memory_space<vmem>>
      %dma_start3A_590 = arith.constant 0 : i32
      %dma_start3A_591 = arith.constant 0 : i32
      %dma_start3A_592 = tpu.memref_slice %arg9[%dma_start3A_590, %dma_start3A_591] : memref<10048x16xf32, #tpu.memory_space<vmem_shared>> -> memref<10048x16xf32, #tpu.memory_space<vmem_shared>>
      tpu.enqueue_indirect_dma source(%dma_start3A_587 : memref<128x16xf32, #tpu.memory_space<vmem>>) target(%dma_start3A_592 : memref<10048x16xf32, #tpu.memory_space<vmem_shared>>) offsets(%dma_start3A_589 : memref<128xi32, #tpu.memory_space<vmem>>) semaphore(%arg11 : memref<!tpu.dma_semaphore, #tpu.memory_space<semaphore_mem>>) {add = true}
    } else {
    }
    %dma_wait3A_427 = arith.constant 0 : i32
    %dma_wait3A_428 = arith.constant 0 : i32
    %dma_wait3A_429 = arith.constant 0 : i32
    %dma_wait3A_430 = tpu.memref_slice %arg7[%dma_wait3A_427, %dma_wait3A_428, %dma_wait3A_429] : memref<16x128x16xf32, #tpu.memory_space<vmem>> -> memref<1x128x16xf32, #tpu.memory_space<vmem>>
    %dma_wait3A_431 = tpu.memref_squeeze %dma_wait3A_430 : memref<1x128x16xf32, #tpu.memory_space<vmem>> -> memref<128x16xf32, #tpu.memory_space<vmem>>
    %dma_wait3A_432 = arith.constant 0 : i32
    %dma_wait3A_433 = tpu.memref_slice %arg6[%dma_wait3A_432] : memref<10112xi32, #tpu.memory_space<vmem>> -> memref<128xi32, #tpu.memory_space<vmem>>
    %dma_wait3A_434 = arith.constant 0 : i32
    %dma_wait3A_435 = arith.constant 0 : i32
    %dma_wait3A_436 = tpu.memref_slice %arg9[%dma_wait3A_434, %dma_wait3A_435] : memref<10048x16xf32, #tpu.memory_space<vmem_shared>> -> memref<10048x16xf32, #tpu.memory_space<vmem_shared>>
    tpu.wait_indirect_dma semaphore(%arg11 : memref<!tpu.dma_semaphore, #tpu.memory_space<semaphore_mem>>) src(%dma_wait3A_431 : memref<128x16xf32, #tpu.memory_space<vmem>>) dst(%dma_wait3A_436 : memref<10048x16xf32, #tpu.memory_space<vmem_shared>>)
    %gt3A_437 = arith.constant 73 : i32
    %gt3A_438 = arith.cmpi sgt, %add3A_4, %gt3A_437 : i32
    %convert_element_type3A_439 = arith.extui %gt3A_438 : i1 to i32
    %cond3A_440 = arith.constant 0 : i32
    %cond3A_441 = arith.cmpi ne, %convert_element_type3A_439, %cond3A_440 : i32
    scf.if %cond3A_441 {
      %dma_wait3A_573 = arith.constant 9 : i32
      %dma_wait3A_574 = arith.constant 0 : i32
      %dma_wait3A_575 = arith.constant 0 : i32
      %dma_wait3A_576 = tpu.memref_slice %arg7[%dma_wait3A_573, %dma_wait3A_574, %dma_wait3A_575] : memref<16x128x16xf32, #tpu.memory_space<vmem>> -> memref<1x128x16xf32, #tpu.memory_space<vmem>>
      %dma_wait3A_577 = tpu.memref_squeeze %dma_wait3A_576 : memref<1x128x16xf32, #tpu.memory_space<vmem>> -> memref<128x16xf32, #tpu.memory_space<vmem>>
      %dma_wait3A_578 = arith.constant 0 : i32
      %dma_wait3A_579 = tpu.memref_slice %arg5[%dma_wait3A_578] : memref<10112xi32, #tpu.memory_space<vmem>> -> memref<128xi32, #tpu.memory_space<vmem>>
      %dma_wait3A_580 = arith.constant 0 : i32
      %dma_wait3A_581 = arith.constant 0 : i32
      %dma_wait3A_582 = tpu.memref_slice %arg2[%dma_wait3A_580, %dma_wait3A_581] : memref<80000x16xf32, #tpu.memory_space<hbm>> -> memref<80000x16xf32, #tpu.memory_space<hbm>>
      tpu.wait_indirect_dma semaphore(%arg10 : memref<!tpu.dma_semaphore, #tpu.memory_space<semaphore_mem>>) src(%dma_wait3A_582 : memref<80000x16xf32, #tpu.memory_space<hbm>>) dst(%dma_wait3A_577 : memref<128x16xf32, #tpu.memory_space<vmem>>)
      %dma_start3A_583 = arith.constant 9 : i32
      %dma_start3A_584 = arith.constant 0 : i32
      %dma_start3A_585 = arith.constant 0 : i32
      %dma_start3A_586 = tpu.memref_slice %arg7[%dma_start3A_583, %dma_start3A_584, %dma_start3A_585] : memref<16x128x16xf32, #tpu.memory_space<vmem>> -> memref<1x128x16xf32, #tpu.memory_space<vmem>>
      %dma_start3A_587 = tpu.memref_squeeze %dma_start3A_586 : memref<1x128x16xf32, #tpu.memory_space<vmem>> -> memref<128x16xf32, #tpu.memory_space<vmem>>
      %dma_start3A_588 = arith.constant 9344 : i32
      %dma_start3A_589 = tpu.memref_slice %arg6[%dma_start3A_588] : memref<10112xi32, #tpu.memory_space<vmem>> -> memref<128xi32, #tpu.memory_space<vmem>>
      %dma_start3A_590 = arith.constant 0 : i32
      %dma_start3A_591 = arith.constant 0 : i32
      %dma_start3A_592 = tpu.memref_slice %arg9[%dma_start3A_590, %dma_start3A_591] : memref<10048x16xf32, #tpu.memory_space<vmem_shared>> -> memref<10048x16xf32, #tpu.memory_space<vmem_shared>>
      tpu.enqueue_indirect_dma source(%dma_start3A_587 : memref<128x16xf32, #tpu.memory_space<vmem>>) target(%dma_start3A_592 : memref<10048x16xf32, #tpu.memory_space<vmem_shared>>) offsets(%dma_start3A_589 : memref<128xi32, #tpu.memory_space<vmem>>) semaphore(%arg11 : memref<!tpu.dma_semaphore, #tpu.memory_space<semaphore_mem>>) {add = true}
    } else {
    }
    %dma_wait3A_442 = arith.constant 0 : i32
    %dma_wait3A_443 = arith.constant 0 : i32
    %dma_wait3A_444 = arith.constant 0 : i32
    %dma_wait3A_445 = tpu.memref_slice %arg7[%dma_wait3A_442, %dma_wait3A_443, %dma_wait3A_444] : memref<16x128x16xf32, #tpu.memory_space<vmem>> -> memref<1x128x16xf32, #tpu.memory_space<vmem>>
    %dma_wait3A_446 = tpu.memref_squeeze %dma_wait3A_445 : memref<1x128x16xf32, #tpu.memory_space<vmem>> -> memref<128x16xf32, #tpu.memory_space<vmem>>
    %dma_wait3A_447 = arith.constant 0 : i32
    %dma_wait3A_448 = tpu.memref_slice %arg6[%dma_wait3A_447] : memref<10112xi32, #tpu.memory_space<vmem>> -> memref<128xi32, #tpu.memory_space<vmem>>
    %dma_wait3A_449 = arith.constant 0 : i32
    %dma_wait3A_450 = arith.constant 0 : i32
    %dma_wait3A_451 = tpu.memref_slice %arg9[%dma_wait3A_449, %dma_wait3A_450] : memref<10048x16xf32, #tpu.memory_space<vmem_shared>> -> memref<10048x16xf32, #tpu.memory_space<vmem_shared>>
    tpu.wait_indirect_dma semaphore(%arg11 : memref<!tpu.dma_semaphore, #tpu.memory_space<semaphore_mem>>) src(%dma_wait3A_446 : memref<128x16xf32, #tpu.memory_space<vmem>>) dst(%dma_wait3A_451 : memref<10048x16xf32, #tpu.memory_space<vmem_shared>>)
    %gt3A_452 = arith.constant 74 : i32
    %gt3A_453 = arith.cmpi sgt, %add3A_4, %gt3A_452 : i32
    %convert_element_type3A_454 = arith.extui %gt3A_453 : i1 to i32
    %cond3A_455 = arith.constant 0 : i32
    %cond3A_456 = arith.cmpi ne, %convert_element_type3A_454, %cond3A_455 : i32
    scf.if %cond3A_456 {
      %dma_wait3A_573 = arith.constant 10 : i32
      %dma_wait3A_574 = arith.constant 0 : i32
      %dma_wait3A_575 = arith.constant 0 : i32
      %dma_wait3A_576 = tpu.memref_slice %arg7[%dma_wait3A_573, %dma_wait3A_574, %dma_wait3A_575] : memref<16x128x16xf32, #tpu.memory_space<vmem>> -> memref<1x128x16xf32, #tpu.memory_space<vmem>>
      %dma_wait3A_577 = tpu.memref_squeeze %dma_wait3A_576 : memref<1x128x16xf32, #tpu.memory_space<vmem>> -> memref<128x16xf32, #tpu.memory_space<vmem>>
      %dma_wait3A_578 = arith.constant 0 : i32
      %dma_wait3A_579 = tpu.memref_slice %arg5[%dma_wait3A_578] : memref<10112xi32, #tpu.memory_space<vmem>> -> memref<128xi32, #tpu.memory_space<vmem>>
      %dma_wait3A_580 = arith.constant 0 : i32
      %dma_wait3A_581 = arith.constant 0 : i32
      %dma_wait3A_582 = tpu.memref_slice %arg2[%dma_wait3A_580, %dma_wait3A_581] : memref<80000x16xf32, #tpu.memory_space<hbm>> -> memref<80000x16xf32, #tpu.memory_space<hbm>>
      tpu.wait_indirect_dma semaphore(%arg10 : memref<!tpu.dma_semaphore, #tpu.memory_space<semaphore_mem>>) src(%dma_wait3A_582 : memref<80000x16xf32, #tpu.memory_space<hbm>>) dst(%dma_wait3A_577 : memref<128x16xf32, #tpu.memory_space<vmem>>)
      %dma_start3A_583 = arith.constant 10 : i32
      %dma_start3A_584 = arith.constant 0 : i32
      %dma_start3A_585 = arith.constant 0 : i32
      %dma_start3A_586 = tpu.memref_slice %arg7[%dma_start3A_583, %dma_start3A_584, %dma_start3A_585] : memref<16x128x16xf32, #tpu.memory_space<vmem>> -> memref<1x128x16xf32, #tpu.memory_space<vmem>>
      %dma_start3A_587 = tpu.memref_squeeze %dma_start3A_586 : memref<1x128x16xf32, #tpu.memory_space<vmem>> -> memref<128x16xf32, #tpu.memory_space<vmem>>
      %dma_start3A_588 = arith.constant 9472 : i32
      %dma_start3A_589 = tpu.memref_slice %arg6[%dma_start3A_588] : memref<10112xi32, #tpu.memory_space<vmem>> -> memref<128xi32, #tpu.memory_space<vmem>>
      %dma_start3A_590 = arith.constant 0 : i32
      %dma_start3A_591 = arith.constant 0 : i32
      %dma_start3A_592 = tpu.memref_slice %arg9[%dma_start3A_590, %dma_start3A_591] : memref<10048x16xf32, #tpu.memory_space<vmem_shared>> -> memref<10048x16xf32, #tpu.memory_space<vmem_shared>>
      tpu.enqueue_indirect_dma source(%dma_start3A_587 : memref<128x16xf32, #tpu.memory_space<vmem>>) target(%dma_start3A_592 : memref<10048x16xf32, #tpu.memory_space<vmem_shared>>) offsets(%dma_start3A_589 : memref<128xi32, #tpu.memory_space<vmem>>) semaphore(%arg11 : memref<!tpu.dma_semaphore, #tpu.memory_space<semaphore_mem>>) {add = true}
    } else {
    }
    %dma_wait3A_457 = arith.constant 0 : i32
    %dma_wait3A_458 = arith.constant 0 : i32
    %dma_wait3A_459 = arith.constant 0 : i32
    %dma_wait3A_460 = tpu.memref_slice %arg7[%dma_wait3A_457, %dma_wait3A_458, %dma_wait3A_459] : memref<16x128x16xf32, #tpu.memory_space<vmem>> -> memref<1x128x16xf32, #tpu.memory_space<vmem>>
    %dma_wait3A_461 = tpu.memref_squeeze %dma_wait3A_460 : memref<1x128x16xf32, #tpu.memory_space<vmem>> -> memref<128x16xf32, #tpu.memory_space<vmem>>
    %dma_wait3A_462 = arith.constant 0 : i32
    %dma_wait3A_463 = tpu.memref_slice %arg6[%dma_wait3A_462] : memref<10112xi32, #tpu.memory_space<vmem>> -> memref<128xi32, #tpu.memory_space<vmem>>
    %dma_wait3A_464 = arith.constant 0 : i32
    %dma_wait3A_465 = arith.constant 0 : i32
    %dma_wait3A_466 = tpu.memref_slice %arg9[%dma_wait3A_464, %dma_wait3A_465] : memref<10048x16xf32, #tpu.memory_space<vmem_shared>> -> memref<10048x16xf32, #tpu.memory_space<vmem_shared>>
    tpu.wait_indirect_dma semaphore(%arg11 : memref<!tpu.dma_semaphore, #tpu.memory_space<semaphore_mem>>) src(%dma_wait3A_461 : memref<128x16xf32, #tpu.memory_space<vmem>>) dst(%dma_wait3A_466 : memref<10048x16xf32, #tpu.memory_space<vmem_shared>>)
    %gt3A_467 = arith.constant 75 : i32
    %gt3A_468 = arith.cmpi sgt, %add3A_4, %gt3A_467 : i32
    %convert_element_type3A_469 = arith.extui %gt3A_468 : i1 to i32
    %cond3A_470 = arith.constant 0 : i32
    %cond3A_471 = arith.cmpi ne, %convert_element_type3A_469, %cond3A_470 : i32
    scf.if %cond3A_471 {
      %dma_wait3A_573 = arith.constant 11 : i32
      %dma_wait3A_574 = arith.constant 0 : i32
      %dma_wait3A_575 = arith.constant 0 : i32
      %dma_wait3A_576 = tpu.memref_slice %arg7[%dma_wait3A_573, %dma_wait3A_574, %dma_wait3A_575] : memref<16x128x16xf32, #tpu.memory_space<vmem>> -> memref<1x128x16xf32, #tpu.memory_space<vmem>>
      %dma_wait3A_577 = tpu.memref_squeeze %dma_wait3A_576 : memref<1x128x16xf32, #tpu.memory_space<vmem>> -> memref<128x16xf32, #tpu.memory_space<vmem>>
      %dma_wait3A_578 = arith.constant 0 : i32
      %dma_wait3A_579 = tpu.memref_slice %arg5[%dma_wait3A_578] : memref<10112xi32, #tpu.memory_space<vmem>> -> memref<128xi32, #tpu.memory_space<vmem>>
      %dma_wait3A_580 = arith.constant 0 : i32
      %dma_wait3A_581 = arith.constant 0 : i32
      %dma_wait3A_582 = tpu.memref_slice %arg2[%dma_wait3A_580, %dma_wait3A_581] : memref<80000x16xf32, #tpu.memory_space<hbm>> -> memref<80000x16xf32, #tpu.memory_space<hbm>>
      tpu.wait_indirect_dma semaphore(%arg10 : memref<!tpu.dma_semaphore, #tpu.memory_space<semaphore_mem>>) src(%dma_wait3A_582 : memref<80000x16xf32, #tpu.memory_space<hbm>>) dst(%dma_wait3A_577 : memref<128x16xf32, #tpu.memory_space<vmem>>)
      %dma_start3A_583 = arith.constant 11 : i32
      %dma_start3A_584 = arith.constant 0 : i32
      %dma_start3A_585 = arith.constant 0 : i32
      %dma_start3A_586 = tpu.memref_slice %arg7[%dma_start3A_583, %dma_start3A_584, %dma_start3A_585] : memref<16x128x16xf32, #tpu.memory_space<vmem>> -> memref<1x128x16xf32, #tpu.memory_space<vmem>>
      %dma_start3A_587 = tpu.memref_squeeze %dma_start3A_586 : memref<1x128x16xf32, #tpu.memory_space<vmem>> -> memref<128x16xf32, #tpu.memory_space<vmem>>
      %dma_start3A_588 = arith.constant 9600 : i32
      %dma_start3A_589 = tpu.memref_slice %arg6[%dma_start3A_588] : memref<10112xi32, #tpu.memory_space<vmem>> -> memref<128xi32, #tpu.memory_space<vmem>>
      %dma_start3A_590 = arith.constant 0 : i32
      %dma_start3A_591 = arith.constant 0 : i32
      %dma_start3A_592 = tpu.memref_slice %arg9[%dma_start3A_590, %dma_start3A_591] : memref<10048x16xf32, #tpu.memory_space<vmem_shared>> -> memref<10048x16xf32, #tpu.memory_space<vmem_shared>>
      tpu.enqueue_indirect_dma source(%dma_start3A_587 : memref<128x16xf32, #tpu.memory_space<vmem>>) target(%dma_start3A_592 : memref<10048x16xf32, #tpu.memory_space<vmem_shared>>) offsets(%dma_start3A_589 : memref<128xi32, #tpu.memory_space<vmem>>) semaphore(%arg11 : memref<!tpu.dma_semaphore, #tpu.memory_space<semaphore_mem>>) {add = true}
    } else {
    }
    %dma_wait3A_472 = arith.constant 0 : i32
    %dma_wait3A_473 = arith.constant 0 : i32
    %dma_wait3A_474 = arith.constant 0 : i32
    %dma_wait3A_475 = tpu.memref_slice %arg7[%dma_wait3A_472, %dma_wait3A_473, %dma_wait3A_474] : memref<16x128x16xf32, #tpu.memory_space<vmem>> -> memref<1x128x16xf32, #tpu.memory_space<vmem>>
    %dma_wait3A_476 = tpu.memref_squeeze %dma_wait3A_475 : memref<1x128x16xf32, #tpu.memory_space<vmem>> -> memref<128x16xf32, #tpu.memory_space<vmem>>
    %dma_wait3A_477 = arith.constant 0 : i32
    %dma_wait3A_478 = tpu.memref_slice %arg6[%dma_wait3A_477] : memref<10112xi32, #tpu.memory_space<vmem>> -> memref<128xi32, #tpu.memory_space<vmem>>
    %dma_wait3A_479 = arith.constant 0 : i32
    %dma_wait3A_480 = arith.constant 0 : i32
    %dma_wait3A_481 = tpu.memref_slice %arg9[%dma_wait3A_479, %dma_wait3A_480] : memref<10048x16xf32, #tpu.memory_space<vmem_shared>> -> memref<10048x16xf32, #tpu.memory_space<vmem_shared>>
    tpu.wait_indirect_dma semaphore(%arg11 : memref<!tpu.dma_semaphore, #tpu.memory_space<semaphore_mem>>) src(%dma_wait3A_476 : memref<128x16xf32, #tpu.memory_space<vmem>>) dst(%dma_wait3A_481 : memref<10048x16xf32, #tpu.memory_space<vmem_shared>>)
    %gt3A_482 = arith.constant 76 : i32
    %gt3A_483 = arith.cmpi sgt, %add3A_4, %gt3A_482 : i32
    %convert_element_type3A_484 = arith.extui %gt3A_483 : i1 to i32
    %cond3A_485 = arith.constant 0 : i32
    %cond3A_486 = arith.cmpi ne, %convert_element_type3A_484, %cond3A_485 : i32
    scf.if %cond3A_486 {
      %dma_wait3A_573 = arith.constant 12 : i32
      %dma_wait3A_574 = arith.constant 0 : i32
      %dma_wait3A_575 = arith.constant 0 : i32
      %dma_wait3A_576 = tpu.memref_slice %arg7[%dma_wait3A_573, %dma_wait3A_574, %dma_wait3A_575] : memref<16x128x16xf32, #tpu.memory_space<vmem>> -> memref<1x128x16xf32, #tpu.memory_space<vmem>>
      %dma_wait3A_577 = tpu.memref_squeeze %dma_wait3A_576 : memref<1x128x16xf32, #tpu.memory_space<vmem>> -> memref<128x16xf32, #tpu.memory_space<vmem>>
      %dma_wait3A_578 = arith.constant 0 : i32
      %dma_wait3A_579 = tpu.memref_slice %arg5[%dma_wait3A_578] : memref<10112xi32, #tpu.memory_space<vmem>> -> memref<128xi32, #tpu.memory_space<vmem>>
      %dma_wait3A_580 = arith.constant 0 : i32
      %dma_wait3A_581 = arith.constant 0 : i32
      %dma_wait3A_582 = tpu.memref_slice %arg2[%dma_wait3A_580, %dma_wait3A_581] : memref<80000x16xf32, #tpu.memory_space<hbm>> -> memref<80000x16xf32, #tpu.memory_space<hbm>>
      tpu.wait_indirect_dma semaphore(%arg10 : memref<!tpu.dma_semaphore, #tpu.memory_space<semaphore_mem>>) src(%dma_wait3A_582 : memref<80000x16xf32, #tpu.memory_space<hbm>>) dst(%dma_wait3A_577 : memref<128x16xf32, #tpu.memory_space<vmem>>)
      %dma_start3A_583 = arith.constant 12 : i32
      %dma_start3A_584 = arith.constant 0 : i32
      %dma_start3A_585 = arith.constant 0 : i32
      %dma_start3A_586 = tpu.memref_slice %arg7[%dma_start3A_583, %dma_start3A_584, %dma_start3A_585] : memref<16x128x16xf32, #tpu.memory_space<vmem>> -> memref<1x128x16xf32, #tpu.memory_space<vmem>>
      %dma_start3A_587 = tpu.memref_squeeze %dma_start3A_586 : memref<1x128x16xf32, #tpu.memory_space<vmem>> -> memref<128x16xf32, #tpu.memory_space<vmem>>
      %dma_start3A_588 = arith.constant 9728 : i32
      %dma_start3A_589 = tpu.memref_slice %arg6[%dma_start3A_588] : memref<10112xi32, #tpu.memory_space<vmem>> -> memref<128xi32, #tpu.memory_space<vmem>>
      %dma_start3A_590 = arith.constant 0 : i32
      %dma_start3A_591 = arith.constant 0 : i32
      %dma_start3A_592 = tpu.memref_slice %arg9[%dma_start3A_590, %dma_start3A_591] : memref<10048x16xf32, #tpu.memory_space<vmem_shared>> -> memref<10048x16xf32, #tpu.memory_space<vmem_shared>>
      tpu.enqueue_indirect_dma source(%dma_start3A_587 : memref<128x16xf32, #tpu.memory_space<vmem>>) target(%dma_start3A_592 : memref<10048x16xf32, #tpu.memory_space<vmem_shared>>) offsets(%dma_start3A_589 : memref<128xi32, #tpu.memory_space<vmem>>) semaphore(%arg11 : memref<!tpu.dma_semaphore, #tpu.memory_space<semaphore_mem>>) {add = true}
    } else {
    }
    %dma_wait3A_487 = arith.constant 0 : i32
    %dma_wait3A_488 = arith.constant 0 : i32
    %dma_wait3A_489 = arith.constant 0 : i32
    %dma_wait3A_490 = tpu.memref_slice %arg7[%dma_wait3A_487, %dma_wait3A_488, %dma_wait3A_489] : memref<16x128x16xf32, #tpu.memory_space<vmem>> -> memref<1x128x16xf32, #tpu.memory_space<vmem>>
    %dma_wait3A_491 = tpu.memref_squeeze %dma_wait3A_490 : memref<1x128x16xf32, #tpu.memory_space<vmem>> -> memref<128x16xf32, #tpu.memory_space<vmem>>
    %dma_wait3A_492 = arith.constant 0 : i32
    %dma_wait3A_493 = tpu.memref_slice %arg6[%dma_wait3A_492] : memref<10112xi32, #tpu.memory_space<vmem>> -> memref<128xi32, #tpu.memory_space<vmem>>
    %dma_wait3A_494 = arith.constant 0 : i32
    %dma_wait3A_495 = arith.constant 0 : i32
    %dma_wait3A_496 = tpu.memref_slice %arg9[%dma_wait3A_494, %dma_wait3A_495] : memref<10048x16xf32, #tpu.memory_space<vmem_shared>> -> memref<10048x16xf32, #tpu.memory_space<vmem_shared>>
    tpu.wait_indirect_dma semaphore(%arg11 : memref<!tpu.dma_semaphore, #tpu.memory_space<semaphore_mem>>) src(%dma_wait3A_491 : memref<128x16xf32, #tpu.memory_space<vmem>>) dst(%dma_wait3A_496 : memref<10048x16xf32, #tpu.memory_space<vmem_shared>>)
    %gt3A_497 = arith.constant 77 : i32
    %gt3A_498 = arith.cmpi sgt, %add3A_4, %gt3A_497 : i32
    %convert_element_type3A_499 = arith.extui %gt3A_498 : i1 to i32
    %cond3A_500 = arith.constant 0 : i32
    %cond3A_501 = arith.cmpi ne, %convert_element_type3A_499, %cond3A_500 : i32
    scf.if %cond3A_501 {
      %dma_wait3A_573 = arith.constant 13 : i32
      %dma_wait3A_574 = arith.constant 0 : i32
      %dma_wait3A_575 = arith.constant 0 : i32
      %dma_wait3A_576 = tpu.memref_slice %arg7[%dma_wait3A_573, %dma_wait3A_574, %dma_wait3A_575] : memref<16x128x16xf32, #tpu.memory_space<vmem>> -> memref<1x128x16xf32, #tpu.memory_space<vmem>>
      %dma_wait3A_577 = tpu.memref_squeeze %dma_wait3A_576 : memref<1x128x16xf32, #tpu.memory_space<vmem>> -> memref<128x16xf32, #tpu.memory_space<vmem>>
      %dma_wait3A_578 = arith.constant 0 : i32
      %dma_wait3A_579 = tpu.memref_slice %arg5[%dma_wait3A_578] : memref<10112xi32, #tpu.memory_space<vmem>> -> memref<128xi32, #tpu.memory_space<vmem>>
      %dma_wait3A_580 = arith.constant 0 : i32
      %dma_wait3A_581 = arith.constant 0 : i32
      %dma_wait3A_582 = tpu.memref_slice %arg2[%dma_wait3A_580, %dma_wait3A_581] : memref<80000x16xf32, #tpu.memory_space<hbm>> -> memref<80000x16xf32, #tpu.memory_space<hbm>>
      tpu.wait_indirect_dma semaphore(%arg10 : memref<!tpu.dma_semaphore, #tpu.memory_space<semaphore_mem>>) src(%dma_wait3A_582 : memref<80000x16xf32, #tpu.memory_space<hbm>>) dst(%dma_wait3A_577 : memref<128x16xf32, #tpu.memory_space<vmem>>)
      %dma_start3A_583 = arith.constant 13 : i32
      %dma_start3A_584 = arith.constant 0 : i32
      %dma_start3A_585 = arith.constant 0 : i32
      %dma_start3A_586 = tpu.memref_slice %arg7[%dma_start3A_583, %dma_start3A_584, %dma_start3A_585] : memref<16x128x16xf32, #tpu.memory_space<vmem>> -> memref<1x128x16xf32, #tpu.memory_space<vmem>>
      %dma_start3A_587 = tpu.memref_squeeze %dma_start3A_586 : memref<1x128x16xf32, #tpu.memory_space<vmem>> -> memref<128x16xf32, #tpu.memory_space<vmem>>
      %dma_start3A_588 = arith.constant 9856 : i32
      %dma_start3A_589 = tpu.memref_slice %arg6[%dma_start3A_588] : memref<10112xi32, #tpu.memory_space<vmem>> -> memref<128xi32, #tpu.memory_space<vmem>>
      %dma_start3A_590 = arith.constant 0 : i32
      %dma_start3A_591 = arith.constant 0 : i32
      %dma_start3A_592 = tpu.memref_slice %arg9[%dma_start3A_590, %dma_start3A_591] : memref<10048x16xf32, #tpu.memory_space<vmem_shared>> -> memref<10048x16xf32, #tpu.memory_space<vmem_shared>>
      tpu.enqueue_indirect_dma source(%dma_start3A_587 : memref<128x16xf32, #tpu.memory_space<vmem>>) target(%dma_start3A_592 : memref<10048x16xf32, #tpu.memory_space<vmem_shared>>) offsets(%dma_start3A_589 : memref<128xi32, #tpu.memory_space<vmem>>) semaphore(%arg11 : memref<!tpu.dma_semaphore, #tpu.memory_space<semaphore_mem>>) {add = true}
    } else {
    }
    %dma_wait3A_502 = arith.constant 0 : i32
    %dma_wait3A_503 = arith.constant 0 : i32
    %dma_wait3A_504 = arith.constant 0 : i32
    %dma_wait3A_505 = tpu.memref_slice %arg7[%dma_wait3A_502, %dma_wait3A_503, %dma_wait3A_504] : memref<16x128x16xf32, #tpu.memory_space<vmem>> -> memref<1x128x16xf32, #tpu.memory_space<vmem>>
    %dma_wait3A_506 = tpu.memref_squeeze %dma_wait3A_505 : memref<1x128x16xf32, #tpu.memory_space<vmem>> -> memref<128x16xf32, #tpu.memory_space<vmem>>
    %dma_wait3A_507 = arith.constant 0 : i32
    %dma_wait3A_508 = tpu.memref_slice %arg6[%dma_wait3A_507] : memref<10112xi32, #tpu.memory_space<vmem>> -> memref<128xi32, #tpu.memory_space<vmem>>
    %dma_wait3A_509 = arith.constant 0 : i32
    %dma_wait3A_510 = arith.constant 0 : i32
    %dma_wait3A_511 = tpu.memref_slice %arg9[%dma_wait3A_509, %dma_wait3A_510] : memref<10048x16xf32, #tpu.memory_space<vmem_shared>> -> memref<10048x16xf32, #tpu.memory_space<vmem_shared>>
    tpu.wait_indirect_dma semaphore(%arg11 : memref<!tpu.dma_semaphore, #tpu.memory_space<semaphore_mem>>) src(%dma_wait3A_506 : memref<128x16xf32, #tpu.memory_space<vmem>>) dst(%dma_wait3A_511 : memref<10048x16xf32, #tpu.memory_space<vmem_shared>>)
    %gt3A_512 = arith.constant 78 : i32
    %gt3A_513 = arith.cmpi sgt, %add3A_4, %gt3A_512 : i32
    %convert_element_type3A_514 = arith.extui %gt3A_513 : i1 to i32
    %cond3A_515 = arith.constant 0 : i32
    %cond3A_516 = arith.cmpi ne, %convert_element_type3A_514, %cond3A_515 : i32
    scf.if %cond3A_516 {
      %dma_wait3A_573 = arith.constant 14 : i32
      %dma_wait3A_574 = arith.constant 0 : i32
      %dma_wait3A_575 = arith.constant 0 : i32
      %dma_wait3A_576 = tpu.memref_slice %arg7[%dma_wait3A_573, %dma_wait3A_574, %dma_wait3A_575] : memref<16x128x16xf32, #tpu.memory_space<vmem>> -> memref<1x128x16xf32, #tpu.memory_space<vmem>>
      %dma_wait3A_577 = tpu.memref_squeeze %dma_wait3A_576 : memref<1x128x16xf32, #tpu.memory_space<vmem>> -> memref<128x16xf32, #tpu.memory_space<vmem>>
      %dma_wait3A_578 = arith.constant 0 : i32
      %dma_wait3A_579 = tpu.memref_slice %arg5[%dma_wait3A_578] : memref<10112xi32, #tpu.memory_space<vmem>> -> memref<128xi32, #tpu.memory_space<vmem>>
      %dma_wait3A_580 = arith.constant 0 : i32
      %dma_wait3A_581 = arith.constant 0 : i32
      %dma_wait3A_582 = tpu.memref_slice %arg2[%dma_wait3A_580, %dma_wait3A_581] : memref<80000x16xf32, #tpu.memory_space<hbm>> -> memref<80000x16xf32, #tpu.memory_space<hbm>>
      tpu.wait_indirect_dma semaphore(%arg10 : memref<!tpu.dma_semaphore, #tpu.memory_space<semaphore_mem>>) src(%dma_wait3A_582 : memref<80000x16xf32, #tpu.memory_space<hbm>>) dst(%dma_wait3A_577 : memref<128x16xf32, #tpu.memory_space<vmem>>)
      %dma_start3A_583 = arith.constant 14 : i32
      %dma_start3A_584 = arith.constant 0 : i32
      %dma_start3A_585 = arith.constant 0 : i32
      %dma_start3A_586 = tpu.memref_slice %arg7[%dma_start3A_583, %dma_start3A_584, %dma_start3A_585] : memref<16x128x16xf32, #tpu.memory_space<vmem>> -> memref<1x128x16xf32, #tpu.memory_space<vmem>>
      %dma_start3A_587 = tpu.memref_squeeze %dma_start3A_586 : memref<1x128x16xf32, #tpu.memory_space<vmem>> -> memref<128x16xf32, #tpu.memory_space<vmem>>
      %dma_start3A_588 = arith.constant 9984 : i32
      %dma_start3A_589 = tpu.memref_slice %arg6[%dma_start3A_588] : memref<10112xi32, #tpu.memory_space<vmem>> -> memref<128xi32, #tpu.memory_space<vmem>>
      %dma_start3A_590 = arith.constant 0 : i32
      %dma_start3A_591 = arith.constant 0 : i32
      %dma_start3A_592 = tpu.memref_slice %arg9[%dma_start3A_590, %dma_start3A_591] : memref<10048x16xf32, #tpu.memory_space<vmem_shared>> -> memref<10048x16xf32, #tpu.memory_space<vmem_shared>>
      tpu.enqueue_indirect_dma source(%dma_start3A_587 : memref<128x16xf32, #tpu.memory_space<vmem>>) target(%dma_start3A_592 : memref<10048x16xf32, #tpu.memory_space<vmem_shared>>) offsets(%dma_start3A_589 : memref<128xi32, #tpu.memory_space<vmem>>) semaphore(%arg11 : memref<!tpu.dma_semaphore, #tpu.memory_space<semaphore_mem>>) {add = true}
    } else {
    }
    %dma_wait3A_517 = arith.constant 0 : i32
    %dma_wait3A_518 = arith.constant 0 : i32
    %dma_wait3A_519 = arith.constant 0 : i32
    %dma_wait3A_520 = tpu.memref_slice %arg7[%dma_wait3A_517, %dma_wait3A_518, %dma_wait3A_519] : memref<16x128x16xf32, #tpu.memory_space<vmem>> -> memref<1x128x16xf32, #tpu.memory_space<vmem>>
    %dma_wait3A_521 = tpu.memref_squeeze %dma_wait3A_520 : memref<1x128x16xf32, #tpu.memory_space<vmem>> -> memref<128x16xf32, #tpu.memory_space<vmem>>
    %dma_wait3A_522 = arith.constant 0 : i32
    %dma_wait3A_523 = tpu.memref_slice %arg6[%dma_wait3A_522] : memref<10112xi32, #tpu.memory_space<vmem>> -> memref<128xi32, #tpu.memory_space<vmem>>
    %dma_wait3A_524 = arith.constant 0 : i32
    %dma_wait3A_525 = arith.constant 0 : i32
    %dma_wait3A_526 = tpu.memref_slice %arg9[%dma_wait3A_524, %dma_wait3A_525] : memref<10048x16xf32, #tpu.memory_space<vmem_shared>> -> memref<10048x16xf32, #tpu.memory_space<vmem_shared>>
    tpu.wait_indirect_dma semaphore(%arg11 : memref<!tpu.dma_semaphore, #tpu.memory_space<semaphore_mem>>) src(%dma_wait3A_521 : memref<128x16xf32, #tpu.memory_space<vmem>>) dst(%dma_wait3A_526 : memref<10048x16xf32, #tpu.memory_space<vmem_shared>>)
    %dma_wait3A_527 = arith.constant 0 : i32
    %dma_wait3A_528 = arith.constant 0 : i32
    %dma_wait3A_529 = arith.constant 0 : i32
    %dma_wait3A_530 = tpu.memref_slice %arg7[%dma_wait3A_527, %dma_wait3A_528, %dma_wait3A_529] : memref<16x128x16xf32, #tpu.memory_space<vmem>> -> memref<1x128x16xf32, #tpu.memory_space<vmem>>
    %dma_wait3A_531 = tpu.memref_squeeze %dma_wait3A_530 : memref<1x128x16xf32, #tpu.memory_space<vmem>> -> memref<128x16xf32, #tpu.memory_space<vmem>>
    %dma_wait3A_532 = arith.constant 0 : i32
    %dma_wait3A_533 = tpu.memref_slice %arg6[%dma_wait3A_532] : memref<10112xi32, #tpu.memory_space<vmem>> -> memref<128xi32, #tpu.memory_space<vmem>>
    %dma_wait3A_534 = arith.constant 0 : i32
    %dma_wait3A_535 = arith.constant 0 : i32
    %dma_wait3A_536 = tpu.memref_slice %arg9[%dma_wait3A_534, %dma_wait3A_535] : memref<10048x16xf32, #tpu.memory_space<vmem_shared>> -> memref<10048x16xf32, #tpu.memory_space<vmem_shared>>
    tpu.wait_indirect_dma semaphore(%arg11 : memref<!tpu.dma_semaphore, #tpu.memory_space<semaphore_mem>>) src(%dma_wait3A_531 : memref<128x16xf32, #tpu.memory_space<vmem>>) dst(%dma_wait3A_536 : memref<10048x16xf32, #tpu.memory_space<vmem_shared>>)
    %gt3A_537 = arith.constant 72 : i32
    %gt3A_538 = arith.cmpi sgt, %add3A_4, %gt3A_537 : i32
    %convert_element_type3A_539 = arith.extui %gt3A_538 : i1 to i32
    %cond3A_540 = arith.constant 0 : i32
    %cond3A_541 = arith.cmpi ne, %convert_element_type3A_539, %cond3A_540 : i32
    scf.if %cond3A_541 {
      %dma_wait3A_573 = arith.constant 0 : i32
      %dma_wait3A_574 = arith.constant 0 : i32
      %dma_wait3A_575 = arith.constant 0 : i32
      %dma_wait3A_576 = tpu.memref_slice %arg7[%dma_wait3A_573, %dma_wait3A_574, %dma_wait3A_575] : memref<16x128x16xf32, #tpu.memory_space<vmem>> -> memref<1x128x16xf32, #tpu.memory_space<vmem>>
      %dma_wait3A_577 = tpu.memref_squeeze %dma_wait3A_576 : memref<1x128x16xf32, #tpu.memory_space<vmem>> -> memref<128x16xf32, #tpu.memory_space<vmem>>
      %dma_wait3A_578 = arith.constant 0 : i32
      %dma_wait3A_579 = tpu.memref_slice %arg6[%dma_wait3A_578] : memref<10112xi32, #tpu.memory_space<vmem>> -> memref<128xi32, #tpu.memory_space<vmem>>
      %dma_wait3A_580 = arith.constant 0 : i32
      %dma_wait3A_581 = arith.constant 0 : i32
      %dma_wait3A_582 = tpu.memref_slice %arg9[%dma_wait3A_580, %dma_wait3A_581] : memref<10048x16xf32, #tpu.memory_space<vmem_shared>> -> memref<10048x16xf32, #tpu.memory_space<vmem_shared>>
      tpu.wait_indirect_dma semaphore(%arg11 : memref<!tpu.dma_semaphore, #tpu.memory_space<semaphore_mem>>) src(%dma_wait3A_577 : memref<128x16xf32, #tpu.memory_space<vmem>>) dst(%dma_wait3A_582 : memref<10048x16xf32, #tpu.memory_space<vmem_shared>>)
    } else {
    }
    %gt3A_542 = arith.constant 73 : i32
    %gt3A_543 = arith.cmpi sgt, %add3A_4, %gt3A_542 : i32
    %convert_element_type3A_544 = arith.extui %gt3A_543 : i1 to i32
    %cond3A_545 = arith.constant 0 : i32
    %cond3A_546 = arith.cmpi ne, %convert_element_type3A_544, %cond3A_545 : i32
    scf.if %cond3A_546 {
      %dma_wait3A_573 = arith.constant 0 : i32
      %dma_wait3A_574 = arith.constant 0 : i32
      %dma_wait3A_575 = arith.constant 0 : i32
      %dma_wait3A_576 = tpu.memref_slice %arg7[%dma_wait3A_573, %dma_wait3A_574, %dma_wait3A_575] : memref<16x128x16xf32, #tpu.memory_space<vmem>> -> memref<1x128x16xf32, #tpu.memory_space<vmem>>
      %dma_wait3A_577 = tpu.memref_squeeze %dma_wait3A_576 : memref<1x128x16xf32, #tpu.memory_space<vmem>> -> memref<128x16xf32, #tpu.memory_space<vmem>>
      %dma_wait3A_578 = arith.constant 0 : i32
      %dma_wait3A_579 = tpu.memref_slice %arg6[%dma_wait3A_578] : memref<10112xi32, #tpu.memory_space<vmem>> -> memref<128xi32, #tpu.memory_space<vmem>>
      %dma_wait3A_580 = arith.constant 0 : i32
      %dma_wait3A_581 = arith.constant 0 : i32
      %dma_wait3A_582 = tpu.memref_slice %arg9[%dma_wait3A_580, %dma_wait3A_581] : memref<10048x16xf32, #tpu.memory_space<vmem_shared>> -> memref<10048x16xf32, #tpu.memory_space<vmem_shared>>
      tpu.wait_indirect_dma semaphore(%arg11 : memref<!tpu.dma_semaphore, #tpu.memory_space<semaphore_mem>>) src(%dma_wait3A_577 : memref<128x16xf32, #tpu.memory_space<vmem>>) dst(%dma_wait3A_582 : memref<10048x16xf32, #tpu.memory_space<vmem_shared>>)
    } else {
    }
    %gt3A_547 = arith.constant 74 : i32
    %gt3A_548 = arith.cmpi sgt, %add3A_4, %gt3A_547 : i32
    %convert_element_type3A_549 = arith.extui %gt3A_548 : i1 to i32
    %cond3A_550 = arith.constant 0 : i32
    %cond3A_551 = arith.cmpi ne, %convert_element_type3A_549, %cond3A_550 : i32
    scf.if %cond3A_551 {
      %dma_wait3A_573 = arith.constant 0 : i32
      %dma_wait3A_574 = arith.constant 0 : i32
      %dma_wait3A_575 = arith.constant 0 : i32
      %dma_wait3A_576 = tpu.memref_slice %arg7[%dma_wait3A_573, %dma_wait3A_574, %dma_wait3A_575] : memref<16x128x16xf32, #tpu.memory_space<vmem>> -> memref<1x128x16xf32, #tpu.memory_space<vmem>>
      %dma_wait3A_577 = tpu.memref_squeeze %dma_wait3A_576 : memref<1x128x16xf32, #tpu.memory_space<vmem>> -> memref<128x16xf32, #tpu.memory_space<vmem>>
      %dma_wait3A_578 = arith.constant 0 : i32
      %dma_wait3A_579 = tpu.memref_slice %arg6[%dma_wait3A_578] : memref<10112xi32, #tpu.memory_space<vmem>> -> memref<128xi32, #tpu.memory_space<vmem>>
      %dma_wait3A_580 = arith.constant 0 : i32
      %dma_wait3A_581 = arith.constant 0 : i32
      %dma_wait3A_582 = tpu.memref_slice %arg9[%dma_wait3A_580, %dma_wait3A_581] : memref<10048x16xf32, #tpu.memory_space<vmem_shared>> -> memref<10048x16xf32, #tpu.memory_space<vmem_shared>>
      tpu.wait_indirect_dma semaphore(%arg11 : memref<!tpu.dma_semaphore, #tpu.memory_space<semaphore_mem>>) src(%dma_wait3A_577 : memref<128x16xf32, #tpu.memory_space<vmem>>) dst(%dma_wait3A_582 : memref<10048x16xf32, #tpu.memory_space<vmem_shared>>)
    } else {
    }
    %gt3A_552 = arith.constant 75 : i32
    %gt3A_553 = arith.cmpi sgt, %add3A_4, %gt3A_552 : i32
    %convert_element_type3A_554 = arith.extui %gt3A_553 : i1 to i32
    %cond3A_555 = arith.constant 0 : i32
    %cond3A_556 = arith.cmpi ne, %convert_element_type3A_554, %cond3A_555 : i32
    scf.if %cond3A_556 {
      %dma_wait3A_573 = arith.constant 0 : i32
      %dma_wait3A_574 = arith.constant 0 : i32
      %dma_wait3A_575 = arith.constant 0 : i32
      %dma_wait3A_576 = tpu.memref_slice %arg7[%dma_wait3A_573, %dma_wait3A_574, %dma_wait3A_575] : memref<16x128x16xf32, #tpu.memory_space<vmem>> -> memref<1x128x16xf32, #tpu.memory_space<vmem>>
      %dma_wait3A_577 = tpu.memref_squeeze %dma_wait3A_576 : memref<1x128x16xf32, #tpu.memory_space<vmem>> -> memref<128x16xf32, #tpu.memory_space<vmem>>
      %dma_wait3A_578 = arith.constant 0 : i32
      %dma_wait3A_579 = tpu.memref_slice %arg6[%dma_wait3A_578] : memref<10112xi32, #tpu.memory_space<vmem>> -> memref<128xi32, #tpu.memory_space<vmem>>
      %dma_wait3A_580 = arith.constant 0 : i32
      %dma_wait3A_581 = arith.constant 0 : i32
      %dma_wait3A_582 = tpu.memref_slice %arg9[%dma_wait3A_580, %dma_wait3A_581] : memref<10048x16xf32, #tpu.memory_space<vmem_shared>> -> memref<10048x16xf32, #tpu.memory_space<vmem_shared>>
      tpu.wait_indirect_dma semaphore(%arg11 : memref<!tpu.dma_semaphore, #tpu.memory_space<semaphore_mem>>) src(%dma_wait3A_577 : memref<128x16xf32, #tpu.memory_space<vmem>>) dst(%dma_wait3A_582 : memref<10048x16xf32, #tpu.memory_space<vmem_shared>>)
    } else {
    }
    %gt3A_557 = arith.constant 76 : i32
    %gt3A_558 = arith.cmpi sgt, %add3A_4, %gt3A_557 : i32
    %convert_element_type3A_559 = arith.extui %gt3A_558 : i1 to i32
    %cond3A_560 = arith.constant 0 : i32
    %cond3A_561 = arith.cmpi ne, %convert_element_type3A_559, %cond3A_560 : i32
    scf.if %cond3A_561 {
      %dma_wait3A_573 = arith.constant 0 : i32
      %dma_wait3A_574 = arith.constant 0 : i32
      %dma_wait3A_575 = arith.constant 0 : i32
      %dma_wait3A_576 = tpu.memref_slice %arg7[%dma_wait3A_573, %dma_wait3A_574, %dma_wait3A_575] : memref<16x128x16xf32, #tpu.memory_space<vmem>> -> memref<1x128x16xf32, #tpu.memory_space<vmem>>
      %dma_wait3A_577 = tpu.memref_squeeze %dma_wait3A_576 : memref<1x128x16xf32, #tpu.memory_space<vmem>> -> memref<128x16xf32, #tpu.memory_space<vmem>>
      %dma_wait3A_578 = arith.constant 0 : i32
      %dma_wait3A_579 = tpu.memref_slice %arg6[%dma_wait3A_578] : memref<10112xi32, #tpu.memory_space<vmem>> -> memref<128xi32, #tpu.memory_space<vmem>>
      %dma_wait3A_580 = arith.constant 0 : i32
      %dma_wait3A_581 = arith.constant 0 : i32
      %dma_wait3A_582 = tpu.memref_slice %arg9[%dma_wait3A_580, %dma_wait3A_581] : memref<10048x16xf32, #tpu.memory_space<vmem_shared>> -> memref<10048x16xf32, #tpu.memory_space<vmem_shared>>
      tpu.wait_indirect_dma semaphore(%arg11 : memref<!tpu.dma_semaphore, #tpu.memory_space<semaphore_mem>>) src(%dma_wait3A_577 : memref<128x16xf32, #tpu.memory_space<vmem>>) dst(%dma_wait3A_582 : memref<10048x16xf32, #tpu.memory_space<vmem_shared>>)
    } else {
    }
    %gt3A_562 = arith.constant 77 : i32
    %gt3A_563 = arith.cmpi sgt, %add3A_4, %gt3A_562 : i32
    %convert_element_type3A_564 = arith.extui %gt3A_563 : i1 to i32
    %cond3A_565 = arith.constant 0 : i32
    %cond3A_566 = arith.cmpi ne, %convert_element_type3A_564, %cond3A_565 : i32
    scf.if %cond3A_566 {
      %dma_wait3A_573 = arith.constant 0 : i32
      %dma_wait3A_574 = arith.constant 0 : i32
      %dma_wait3A_575 = arith.constant 0 : i32
      %dma_wait3A_576 = tpu.memref_slice %arg7[%dma_wait3A_573, %dma_wait3A_574, %dma_wait3A_575] : memref<16x128x16xf32, #tpu.memory_space<vmem>> -> memref<1x128x16xf32, #tpu.memory_space<vmem>>
      %dma_wait3A_577 = tpu.memref_squeeze %dma_wait3A_576 : memref<1x128x16xf32, #tpu.memory_space<vmem>> -> memref<128x16xf32, #tpu.memory_space<vmem>>
      %dma_wait3A_578 = arith.constant 0 : i32
      %dma_wait3A_579 = tpu.memref_slice %arg6[%dma_wait3A_578] : memref<10112xi32, #tpu.memory_space<vmem>> -> memref<128xi32, #tpu.memory_space<vmem>>
      %dma_wait3A_580 = arith.constant 0 : i32
      %dma_wait3A_581 = arith.constant 0 : i32
      %dma_wait3A_582 = tpu.memref_slice %arg9[%dma_wait3A_580, %dma_wait3A_581] : memref<10048x16xf32, #tpu.memory_space<vmem_shared>> -> memref<10048x16xf32, #tpu.memory_space<vmem_shared>>
      tpu.wait_indirect_dma semaphore(%arg11 : memref<!tpu.dma_semaphore, #tpu.memory_space<semaphore_mem>>) src(%dma_wait3A_577 : memref<128x16xf32, #tpu.memory_space<vmem>>) dst(%dma_wait3A_582 : memref<10048x16xf32, #tpu.memory_space<vmem_shared>>)
    } else {
    }
    %gt3A_567 = arith.constant 78 : i32
    %gt3A_568 = arith.cmpi sgt, %add3A_4, %gt3A_567 : i32
    %convert_element_type3A_569 = arith.extui %gt3A_568 : i1 to i32
    %cond3A_570 = arith.constant 0 : i32
    %cond3A_571 = arith.cmpi ne, %convert_element_type3A_569, %cond3A_570 : i32
    scf.if %cond3A_571 {
      %dma_wait3A_573 = arith.constant 0 : i32
      %dma_wait3A_574 = arith.constant 0 : i32
      %dma_wait3A_575 = arith.constant 0 : i32
      %dma_wait3A_576 = tpu.memref_slice %arg7[%dma_wait3A_573, %dma_wait3A_574, %dma_wait3A_575] : memref<16x128x16xf32, #tpu.memory_space<vmem>> -> memref<1x128x16xf32, #tpu.memory_space<vmem>>
      %dma_wait3A_577 = tpu.memref_squeeze %dma_wait3A_576 : memref<1x128x16xf32, #tpu.memory_space<vmem>> -> memref<128x16xf32, #tpu.memory_space<vmem>>
      %dma_wait3A_578 = arith.constant 0 : i32
      %dma_wait3A_579 = tpu.memref_slice %arg6[%dma_wait3A_578] : memref<10112xi32, #tpu.memory_space<vmem>> -> memref<128xi32, #tpu.memory_space<vmem>>
      %dma_wait3A_580 = arith.constant 0 : i32
      %dma_wait3A_581 = arith.constant 0 : i32
      %dma_wait3A_582 = tpu.memref_slice %arg9[%dma_wait3A_580, %dma_wait3A_581] : memref<10048x16xf32, #tpu.memory_space<vmem_shared>> -> memref<10048x16xf32, #tpu.memory_space<vmem_shared>>
      tpu.wait_indirect_dma semaphore(%arg11 : memref<!tpu.dma_semaphore, #tpu.memory_space<semaphore_mem>>) src(%dma_wait3A_577 : memref<128x16xf32, #tpu.memory_space<vmem>>) dst(%dma_wait3A_582 : memref<10048x16xf32, #tpu.memory_space<vmem_shared>>)
    } else {
    }
    %barrier3A_572 = arith.constant 0 : index
    tpu.barrier barrier_id(%barrier3A_572)
    "tpu.region"() ({
      %run_scoped3A = tpu.sem_alloc : memref<!tpu.dma_semaphore, #tpu.memory_space<semaphore_mem>>
      %dma_start3A_573 = arith.constant 0 : i32
      %dma_start3A_574 = tpu.memref_slice %arg4[%arg0, %mul3A_24, %dma_start3A_573] : memref<2x10048x16xf32, #tpu.memory_space<hbm>> -> memref<1x628x16xf32, #tpu.memory_space<hbm>>
      %dma_start3A_575 = tpu.memref_squeeze %dma_start3A_574 : memref<1x628x16xf32, #tpu.memory_space<hbm>> -> memref<628x16xf32, #tpu.memory_space<hbm>>
      %dma_start3A_576 = arith.constant 0 : i32
      %dma_start3A_577 = tpu.memref_slice %arg9[%mul3A_24, %dma_start3A_576] : memref<10048x16xf32, #tpu.memory_space<vmem_shared>> -> memref<628x16xf32, #tpu.memory_space<vmem_shared>>
      tpu.enqueue_dma source(%dma_start3A_577 : memref<628x16xf32, #tpu.memory_space<vmem_shared>>) target(%dma_start3A_575 : memref<628x16xf32, #tpu.memory_space<hbm>>) target_semaphore(%run_scoped3A : memref<!tpu.dma_semaphore, #tpu.memory_space<semaphore_mem>>)
      %dma_wait3A_578 = arith.constant 0 : i32
      %dma_wait3A_579 = tpu.memref_slice %arg4[%arg0, %mul3A_24, %dma_wait3A_578] : memref<2x10048x16xf32, #tpu.memory_space<hbm>> -> memref<1x628x16xf32, #tpu.memory_space<hbm>>
      %dma_wait3A_580 = tpu.memref_squeeze %dma_wait3A_579 : memref<1x628x16xf32, #tpu.memory_space<hbm>> -> memref<628x16xf32, #tpu.memory_space<hbm>>
      %dma_wait3A_581 = arith.constant 0 : i32
      %dma_wait3A_582 = tpu.memref_slice %arg9[%mul3A_24, %dma_wait3A_581] : memref<10048x16xf32, #tpu.memory_space<vmem_shared>> -> memref<628x16xf32, #tpu.memory_space<vmem_shared>>
      tpu.wait_dma2 semaphore(%run_scoped3A : memref<!tpu.dma_semaphore, #tpu.memory_space<semaphore_mem>>) src(%dma_wait3A_582 : memref<628x16xf32, #tpu.memory_space<vmem_shared>>) dst(%dma_wait3A_580 : memref<628x16xf32, #tpu.memory_space<hbm>>)
      tpu.yield
    }) : () -> ()
    return
  }
}

module attributes {stable_mosaic.version = 14 : i64} {
  func.func @_mm_body(%arg0: i32, %arg1: memref<1000x128xf32, #tpu.memory_space<vmem>>, %arg2: memref<128x128xf32, #tpu.memory_space<vmem>>, %arg3: memref<1x128xf32, #tpu.memory_space<vmem>>, %arg4: memref<1000x128xf32, #tpu.memory_space<vmem>>, %arg5: memref<1x128xf32, #tpu.memory_space<vmem>>) attributes {dimension_semantics = [#tpu.dimension_semantics<arbitrary>], iteration_bounds = array<i64: 10>, scalar_prefetch = 0 : i64, scratch_operands = 0 : i64, tpu.core_type = #tpu.core_type<tc>, window_params = [{transform_indices = @transform_0, window_bounds = array<i64: 1000, 128>}, {pipeline_mode = #tpu.pipeline_mode<synchronous>, transform_indices = @transform_1, window_bounds = array<i64: 128, 128>}, {pipeline_mode = #tpu.pipeline_mode<synchronous>, transform_indices = @transform_2, window_bounds = array<i64: 1, 128>}, {transform_indices = @transform_3, window_bounds = array<i64: 1000, 128>}, {pipeline_mode = #tpu.pipeline_mode<synchronous>, transform_indices = @transform_4, window_bounds = array<i64: 1, 128>}]} {
    %get3A = arith.constant 0 : index
    %get3A_0 = arith.constant 0 : index
    %get3A_1 = vector.load %arg1[%get3A, %get3A_0] : memref<1000x128xf32, #tpu.memory_space<vmem>>, vector<1000x128xf32>
    %get3A_2 = arith.constant 0 : index
    %get3A_3 = arith.constant 0 : index
    %get3A_4 = vector.load %arg2[%get3A_2, %get3A_3] : memref<128x128xf32, #tpu.memory_space<vmem>>, vector<128x128xf32>
    %dot_general3A = arith.constant dense<0.000000e+00> : vector<1000x128xf32>
    %dot_general3A_5 = tpu.matmul %get3A_1, %get3A_4, %dot_general3A {dimension_numbers = #tpu.dot_dimension_numbers<[1], [0], [0], [1], [0, 0, 1, 1], [], []>, transpose_lhs_hint = false} : vector<1000x128xf32>, vector<128x128xf32>, vector<1000x128xf32> -> vector<1000x128xf32>
    %swap3A = arith.constant 0 : index
    %swap3A_6 = arith.constant 0 : index
    %swap3A_7 = vector.load %arg4[%swap3A, %swap3A_6] : memref<1000x128xf32, #tpu.memory_space<vmem>>, vector<1000x128xf32>
    tpu.vector_store %arg4[%swap3A, %swap3A_6], %dot_general3A_5 {strides = array<i32>} : memref<1000x128xf32, #tpu.memory_space<vmem>>, vector<1000x128xf32>,
    %get3A_8 = arith.constant 0 : index
    %get3A_9 = arith.constant 0 : index
    %get3A_10 = vector.load %arg3[%get3A_8, %get3A_9] : memref<1x128xf32, #tpu.memory_space<vmem>>, vector<1x128xf32>
    %add3A = vector.broadcast %get3A_10 : vector<1x128xf32> to vector<1000x128xf32>
    %add3A_11 = arith.addf %dot_general3A_5, %add3A : vector<1000x128xf32>
    %max3A = arith.constant 0.000000e+00 : f32
    %max3A_12 = vector.broadcast %max3A : f32 to vector<1000x128xf32>
    %max3A_13 = arith.maximumf %add3A_11, %max3A_12 : vector<1000x128xf32>
    %reduce_sum3A = arith.constant dense<0.000000e+00> : vector<128xf32>
    %reduce_sum3A_14 = vector.multi_reduction <add>, %max3A_13, %reduce_sum3A [0] : vector<1000x128xf32> to vector<128xf32>
    %broadcast_in_dim3A = vector.shape_cast %reduce_sum3A_14 : vector<128xf32> to vector<1x128xf32>
    %eq3A = arith.constant 0 : i32
    %eq3A_15 = arith.cmpi eq, %arg0, %eq3A : i32
    %convert_element_type3A = arith.extui %eq3A_15 : i1 to i32
    %cond3A = arith.constant 0 : i32
    %cond3A_16 = arith.cmpi ne, %convert_element_type3A, %cond3A : i32
    scf.if %cond3A_16 {
      %swap3A_21 = arith.constant 0 : index
      %swap3A_22 = arith.constant 0 : index
      %swap3A_23 = vector.load %arg5[%swap3A_21, %swap3A_22] : memref<1x128xf32, #tpu.memory_space<vmem>>, vector<1x128xf32>
      tpu.vector_store %arg5[%swap3A_21, %swap3A_22], %broadcast_in_dim3A {strides = array<i32>} : memref<1x128xf32, #tpu.memory_space<vmem>>, vector<1x128xf32>,
    } else {
    }
    %ne3A = arith.constant 0 : i32
    %ne3A_17 = arith.cmpi ne, %arg0, %ne3A : i32
    %convert_element_type3A_18 = arith.extui %ne3A_17 : i1 to i32
    %cond3A_19 = arith.constant 0 : i32
    %cond3A_20 = arith.cmpi ne, %convert_element_type3A_18, %cond3A_19 : i32
    scf.if %cond3A_20 {
      %get3A_21 = arith.constant 0 : index
      %get3A_22 = arith.constant 0 : index
      %get3A_23 = vector.load %arg5[%get3A_21, %get3A_22] : memref<1x128xf32, #tpu.memory_space<vmem>>, vector<1x128xf32>
      %add3A_24 = arith.addf %get3A_23, %broadcast_in_dim3A : vector<1x128xf32>
      %swap3A_25 = arith.constant 0 : index
      %swap3A_26 = arith.constant 0 : index
      %swap3A_27 = vector.load %arg5[%swap3A_25, %swap3A_26] : memref<1x128xf32, #tpu.memory_space<vmem>>, vector<1x128xf32>
      tpu.vector_store %arg5[%swap3A_25, %swap3A_26], %add3A_24 {strides = array<i32>} : memref<1x128xf32, #tpu.memory_space<vmem>>, vector<1x128xf32>,
    } else {
    }
    return
  }
  func.func @transform_0(%arg0: i32) -> (i32, i32) {
    %c0_i32 = arith.constant 0 : i32
    %c0_i32_0 = arith.constant 0 : i32
    return %arg0, %c0_i32 : i32, i32
  }
  func.func @transform_1(%arg0: i32) -> (i32, i32) {
    %c0_i32 = arith.constant 0 : i32
    %c0_i32_0 = arith.constant 0 : i32
    %c0_i32_1 = arith.constant 0 : i32
    return %c0_i32, %c0_i32_0 : i32, i32
  }
  func.func @transform_2(%arg0: i32) -> (i32, i32) {
    %c0_i32 = arith.constant 0 : i32
    %c0_i32_0 = arith.constant 0 : i32
    %c0_i32_1 = arith.constant 0 : i32
    return %c0_i32, %c0_i32_0 : i32, i32
  }
  func.func @transform_3(%arg0: i32) -> (i32, i32) {
    %c0_i32 = arith.constant 0 : i32
    %c0_i32_0 = arith.constant 0 : i32
    return %arg0, %c0_i32 : i32, i32
  }
  func.func @transform_4(%arg0: i32) -> (i32, i32) {
    %c0_i32 = arith.constant 0 : i32
    %c0_i32_0 = arith.constant 0 : i32
    %c0_i32_1 = arith.constant 0 : i32
    return %c0_i32, %c0_i32_0 : i32, i32
  }
}

module attributes {stable_mosaic.version = 14 : i64} {
  func.func @_fin_body(%arg0: i32, %arg1: memref<2x1256x128xf32, #tpu.memory_space<vmem>>, %arg2: memref<1x128xf32, #tpu.memory_space<vmem>>, %arg3: memref<1x128xf32, #tpu.memory_space<vmem>>) attributes {dimension_semantics = [#tpu.dimension_semantics<arbitrary>], iteration_bounds = array<i64: 1>, scalar_prefetch = 0 : i64, scratch_operands = 0 : i64, tpu.core_type = #tpu.core_type<tc>, window_params = [{pipeline_mode = #tpu.pipeline_mode<synchronous>, transform_indices = @transform_0, window_bounds = array<i64: 2, 1256, 128>}, {pipeline_mode = #tpu.pipeline_mode<synchronous>, transform_indices = @transform_1, window_bounds = array<i64: 1, 128>}, {pipeline_mode = #tpu.pipeline_mode<synchronous>, transform_indices = @transform_2, window_bounds = array<i64: 1, 128>}]} {
    %get3A = arith.constant 0 : index
    %get3A_0 = arith.constant 0 : index
    %get3A_1 = arith.constant 0 : index
    %get3A_2 = vector.load %arg1[%get3A, %get3A_0, %get3A_1] : memref<2x1256x128xf32, #tpu.memory_space<vmem>>, vector<1x1256x128xf32>
    %get3A_3 = vector.shape_cast %get3A_2 : vector<1x1256x128xf32> to vector<1256x128xf32>
    %get3A_4 = arith.constant 1 : index
    %get3A_5 = arith.constant 0 : index
    %get3A_6 = arith.constant 0 : index
    %get3A_7 = vector.load %arg1[%get3A_4, %get3A_5, %get3A_6] : memref<2x1256x128xf32, #tpu.memory_space<vmem>>, vector<1x1256x128xf32>
    %get3A_8 = vector.shape_cast %get3A_7 : vector<1x1256x128xf32> to vector<1256x128xf32>
    %add3A = arith.addf %get3A_3, %get3A_8 : vector<1256x128xf32>
    %get3A_9 = arith.constant 0 : index
    %get3A_10 = arith.constant 0 : index
    %get3A_11 = vector.load %arg2[%get3A_9, %get3A_10] : memref<1x128xf32, #tpu.memory_space<vmem>>, vector<1x128xf32>
    %add3A_12 = vector.broadcast %get3A_11 : vector<1x128xf32> to vector<1256x128xf32>
    %add3A_13 = arith.addf %add3A, %add3A_12 : vector<1256x128xf32>
    %max3A = arith.constant 0.000000e+00 : f32
    %max3A_14 = vector.broadcast %max3A : f32 to vector<1256x128xf32>
    %max3A_15 = arith.maximumf %add3A_13, %max3A_14 : vector<1256x128xf32>
    %iota3A = tpu.iota {dimensions = array<i32: 0>} : vector<1256x128xi32>
    %lt3A = arith.constant 1250 : i32
    %lt3A_16 = vector.broadcast %lt3A : i32 to vector<1256x128xi32>
    %lt3A_17 = arith.cmpi slt, %iota3A, %lt3A_16 : vector<1256x128xi32>
    %jit3A = arith.constant 0.000000e+00 : f32
    %broadcast_in_dim3A = vector.broadcast %jit3A : f32 to vector<1256x128xf32>
    %select_n3A = arith.select %lt3A_17, %max3A_15, %broadcast_in_dim3A : vector<1256x128xi1>, vector<1256x128xf32>
    %reduce_sum3A = arith.constant dense<0.000000e+00> : vector<128xf32>
    %reduce_sum3A_18 = vector.multi_reduction <add>, %select_n3A, %reduce_sum3A [0] : vector<1256x128xf32> to vector<128xf32>
    %broadcast_in_dim3A_19 = vector.shape_cast %reduce_sum3A_18 : vector<128xf32> to vector<1x128xf32>
    %swap3A = arith.constant 0 : index
    %swap3A_20 = arith.constant 0 : index
    %swap3A_21 = vector.load %arg3[%swap3A, %swap3A_20] : memref<1x128xf32, #tpu.memory_space<vmem>>, vector<1x128xf32>
    tpu.vector_store %arg3[%swap3A, %swap3A_20], %broadcast_in_dim3A_19 {strides = array<i32>} : memref<1x128xf32, #tpu.memory_space<vmem>>, vector<1x128xf32>,
    return
  }
  func.func @transform_0(%arg0: i32) -> (i32, i32, i32) {
    %c0_i32 = arith.constant 0 : i32
    %c0_i32_0 = arith.constant 0 : i32
    %c0_i32_1 = arith.constant 0 : i32
    %c0_i32_2 = arith.constant 0 : i32
    return %c0_i32, %c0_i32_0, %c0_i32_1 : i32, i32, i32
  }
  func.func @transform_1(%arg0: i32) -> (i32, i32) {
    %c0_i32 = arith.constant 0 : i32
    %c0_i32_0 = arith.constant 0 : i32
    %c0_i32_1 = arith.constant 0 : i32
    return %c0_i32, %c0_i32_0 : i32, i32
  }
  func.func @transform_2(%arg0: i32) -> (i32, i32) {
    %c0_i32 = arith.constant 0 : i32
    %c0_i32_0 = arith.constant 0 : i32
    %c0_i32_1 = arith.constant 0 : i32
    return %c0_i32, %c0_i32_0 : i32, i32
  }
}

</mosaic_0001>

<sc_bundles>
// kernel: kernel.5.cloned.1.call-start
scs
__scs_entry_jumppad:
0x0: {  	(pc) =	sbr.rel $0x88, $3  }
0x1: {  	(tag) =	ssettag $0x0;
	lr =	simm.s32 $0x1  }
0x2: {  	[smem:$0x3F9D] =	sst lr;
	_ =	strace $0xD0000000  }
0x3: {  	_ = 	snop  }
0x4: {  	_ = 	snop  }
0x5: {  	_ = 	snop  }
0x6: {  	_ = 	snop  }
0x7: {  	_ = 	snop  }
__scs_overlays_trampoline_lowered:
0x8: {  	[smem:$0x3FAC] =	sst s0  }
0x9: {  	[smem:$0x3FAD] =	sst s1  }
0xa: {  	[smem:$0x3FAE] =	sst s2  }
0xb: {  	[smem:$0x3FAF] =	sst s3  }
0xc: {  	[smem:$0x3FB0] =	sst s4  }
0xd: {  	[smem:$0x3FB1] =	sst s5  }
0xe: {  	[smem:$0x3FB2] =	sst s6  }
0xf: {  	[smem:$0x3FB3] =	sst s7  }
0x10: {  	[smem:$0x3FB4] =	sst s8  }
0x11: {  	[smem:$0x3FB5] =	sst s9;
	s0 =	simm.s32 @!p0 $0x0  }
0x12: {  	s1 =	sld [smem:$0x3F9B];
	s0 =	simm.s32 @p0 $0x1  }
0x13: {  	[smem:$0x3FB6] =	sst s0;
	s0 =	simm.s32 @!p1 $0x0  }
0x14: {  	s2 =	sld [smem:$0x3F9A];
	s0 =	simm.s32 @p1 $0x1  }
0x15: {  	[smem:$0x3FB7] =	sst s0;
	s0 =	simm.s32 @!p2 $0x0  }
0x16: {  	s3 =	sld [smem:$0x3FDB];
	s0 =	simm.s32 @p2 $0x1  }
0x17: {  	s4 =	simm.s32 $0x1BF5;
	[smem:$0x3FB9] =	sst s0  }
0x18: {  	s0 =	sld [smem:$0x3F9C];
	_ =	swait.ge [sflag:s4], $0x0  }
0x19: {  	s7 =	sld [smem:$0x3F9D]  }
0x1a: {  	s8 =	sadd.s32 $0xFFFFE003, lr  }
0x1b: {  	s9 =	sadd.s32 $0xFFFFFEF7, lr;
	s5 =	simm.s32 $0xFFFFFFFF;
	p2 =	slt.u32 s8, $0xFFFFF086  }
0x1c: {  	p1 =	slt.u32 s9, $0xF7A;
	s5 =	simm.s32 @!p2 $0x0  }
0x1d: {  	s5 =	simm.s32 @p1 $0x1;
	p0 =	seq.s32 s7, s2  }
0x1e: {  	s7 =	smul.u32 @!p0 $0xF7A, s2;
	p2 =	seq.s32 @!p0 s5, $0x0  }
0x1f: {  	s9 =	smul.u32 $0xF7A, s1;
	s8 =	simm.s32 @!p0 $0x1BF5;
	p2 =	por !p2, p0  }
0x20: {  	[sflag:s8] =	ssyncset.s32 @!p0 $0xFFFFF086;
	s6 =	sadd.s32 @!p0 s3, s7;
	s7 =	simm.s32 @!p0 $0x108  }
0x21: {  	s3 =	sadd.s32 s3, s9;
	s6 =	sadd.s32 @!p0 $0x88, s6;
	s7 =	simm.s32 @p2 $0x1082  }
0x22: {  	[simem:s7], [sflag:s8] =	dma.local @!p0 [hbm:s6], $0xF7A  }
0x23: {  	s9 =	sor.u32 $0xD0000000, s2;
	s6 =	simm.s32 $0x108;
	_ =	swait.ge @!p0 [sflag:s8], $0x0  }
0x24: {  	s3 =	sadd.s32 $0x88, s3;
	s6 =	simm.s32 @!p1 $0x1082;
	[sflag:s4] =	ssyncset.s32 $0xFFFFF086  }
0x25: {  	[simem:s6], [sflag:s4] =	dma.local [hbm:s3], $0xF7A  }
0x26: {  	[smem:$0x3F9D] =	sst s1;
	(tag) =	ssettag s2;
	_ =	strace s9  }
0x27: {  	s1 =	sld [smem:$0x3FAD]  }
0x28: {  	s2 =	sld [smem:$0x3FAE]  }
0x29: {  	s4 =	sld [smem:$0x3FB0]  }
0x2a: {  	p0 =	seq.s32 s5, $0x0;
	s5 =	sld [smem:$0x3FB1]  }
0x2b: {  	s6 =	sld [smem:$0x3FB2]  }
0x2c: {  	s7 =	sld [smem:$0x3FB3]  }
0x2d: {  	s3 =	simm.s32 $0x108;
	s8 =	sld [smem:$0x3FB4]  }
0x2e: {  	s3 =	simm.s32 @!p0 $0x1082;
	s9 =	sld [smem:$0x3FB5]  }
0x2f: {  	lr =	sadd.s32 s0, s3;
	s0 =	sld [smem:$0x3FAC]  }
0x30: {  	s3 =	sld [smem:$0x3FAF]  }
0x31: {  	[smem:$0x3FB8] =	sst s10  }
0x32: {  	s10 =	sld [smem:$0x3FB6];
	_ =	sdelay $0x3  }
0x33: {  	p0 =	seq.s32 s10, $0x1;
	s10 =	sld [smem:$0x3FB8];
	_ =	sdelay $0x3  }
0x34: {  	[smem:$0x3FB8] =	sst s10  }
0x35: {  	s10 =	sld [smem:$0x3FB7];
	_ =	sdelay $0x3  }
0x36: {  	p1 =	seq.s32 s10, $0x1;
	s10 =	sld [smem:$0x3FB8];
	_ =	sdelay $0x3  }
0x37: {  	[smem:$0x3FB8] =	sst s10  }
0x38: {  	s10 =	sld [smem:$0x3FB9]  }
0x39: {  	_ = 	snop;
	(pc) =	sbr.ind lr, $3  }
0x3a: {  	_ = 	snop  }
0x3b: {  	_ = 	snop  }
0x3c: {  	p2 =	seq.s32 s10, $0x1;
	s10 =	sld [smem:$0x3FB8]  }
0x3d: {  	_ =	shalt  }
0x3e: {  	_ =	shalt  }
0x3f: {  	_ =	shalt  }
0x40: {  	_ =	shalt  }
0x41: {  	_ =	shalt  }
0x42: {  	_ =	shalt  }
0x43: {  	_ =	shalt  }
0x44: {  	_ =	shalt  }
0x45: {  	_ =	shalt  }
0x46: {  	_ =	shalt  }
0x47: {  	_ =	shalt  }
0x48: {  	_ =	shalt  }
0x49: {  	_ =	shalt  }
0x4a: {  	_ =	shalt  }
0x4b: {  	_ =	shalt  }
0x4c: {  	_ =	shalt  }
0x4d: {  	_ =	shalt  }
0x4e: {  	_ =	shalt  }
0x4f: {  	_ =	shalt  }
0x50: {  	_ =	shalt  }
0x51: {  	_ =	shalt  }
0x52: {  	_ =	shalt  }
0x53: {  	_ =	shalt  }
0x54: {  	_ =	shalt  }
0x55: {  	_ =	shalt  }
0x56: {  	_ =	shalt  }
0x57: {  	_ =	shalt  }
0x58: {  	_ =	shalt  }
0x59: {  	_ =	shalt  }
0x5a: {  	_ =	shalt  }
0x5b: {  	_ =	shalt  }
0x5c: {  	_ =	shalt  }
0x5d: {  	_ =	shalt  }
0x5e: {  	_ =	shalt  }
0x5f: {  	_ =	shalt  }
0x60: {  	_ =	shalt  }
0x61: {  	_ =	shalt  }
0x62: {  	_ =	shalt  }
0x63: {  	_ =	shalt  }
0x64: {  	_ =	shalt  }
0x65: {  	_ =	shalt  }
0x66: {  	_ =	shalt  }
0x67: {  	_ =	shalt  }
0x68: {  	_ =	shalt  }
0x69: {  	_ =	shalt  }
0x6a: {  	_ =	shalt  }
0x6b: {  	_ =	shalt  }
0x6c: {  	_ =	shalt  }
0x6d: {  	_ =	shalt  }
0x6e: {  	_ =	shalt  }
0x6f: {  	_ =	shalt  }
0x70: {  	_ =	shalt  }
0x71: {  	_ =	shalt  }
0x72: {  	_ =	shalt  }
0x73: {  	_ =	shalt  }
0x74: {  	_ =	shalt  }
0x75: {  	_ =	shalt  }
0x76: {  	_ =	shalt  }
0x77: {  	_ =	shalt  }
0x78: {  	_ =	shalt  }
0x79: {  	_ =	shalt  }
0x7a: {  	_ =	shalt  }
0x7b: {  	_ =	shalt  }
0x7c: {  	_ =	shalt  }
0x7d: {  	_ =	shalt  }
0x7e: {  	_ =	shalt  }
0x7f: {  	_ =	shalt  }
0x80: {  	_ =	shalt  }
0x81: {  	_ =	shalt  }
0x82: {  	_ =	shalt  }
0x83: {  	_ =	shalt  }
0x84: {  	_ =	shalt  }
0x85: {  	_ =	shalt  }
0x86: {  	_ =	shalt  }
0x87: {  	_ =	shalt  }
.Lfunc_end0:
.L_simem_size_0:
called_computation_lowered:
.L_overlay_start_0:
0x88: {  	s2 =	sld [smem:$0x3FD9]  }
0x89: {  	s3 =	sld [smem:$0x3FFE];
	_ =	sdelay $0x1  }
0x8a: {  	s1 =	srdreg.scid  }
0x8b: {  	s0 =	sand.u32 $0x1, s1  }
0x8c: {  	s16 =	sshll.u32 s0, $0xA;
	s2 =	sadd.s32 s3, s2  }
0x8d: {  	s2 =	sadd.s32 s2, s16  }
0x8e: {  	[smem:$0x3FC4] =	sst s2  }
0x8f: {  	_ = 	snop  }
0x90: {  	(tm) =	ssettm $0x1  }
0x91: {  	s17 =	sld [smem:$0x3FFB];
	_ =	sdelay $0x3  }
0x92: {  	_ =	strace s17  }
0x93: {  	s2 =	sld [smem:$0x3FFC];
	_ =	sdelay $0x3  }
0x94: {  	_ =	strace s2  }
0x95: {  	s2 =	sld [smem:$0x3FFD];
	_ =	sdelay $0x3  }
0x96: {  	_ =	strace s2  }
0x97: {  	_ =	strace $0x8FFFFFFF  }
0x98: {  	s18 =	sld [smem:$0x3FDB];
	_ =	sdelay $0x1  }
0x99: {  	s19 =	simm.s32 $_scs_section_size  }
0x9a: {  	s4 =	simm.s32 $_size__tile_overlayer_lowered;
	s5 =	simm.s32 $_tile_overlayer_lowered  }
0x9b: {  	s22 =	simm.s32 $0x1BFF;
	s21 =	sshll.u32 s5, $0x1;
	s2 =	sadd.s32 s19, s18  }
0x9c: {  	s6 =	simm.s32 $0x0;
	s20 =	sshll.u32 s4, $0x1;
	s4 =	sadd.s32 s21, s2  }
0x9d: {  	[timem:s6], [sflag:s22] =	dma.local [hbm:s4], s20  }
0x9e: {  	_ =	swait.ge [sflag:s22], s20  }
0x9f: {  	s3 =	ssub.s32 $0x0, s20;
	[sflag:s22] =	ssyncset.done $0x0  }
0xa0: {  	[sflag:s22] =	ssyncadd.s32 s3;
	_ =	sdelay $0x1  }
0xa1: {  	s23 =	simm.s32 $0x1B8B  }
0xa2: {  	_ =	swait.ge [sflag:s23], $0x1  }
0xa3: {  	[sflag:s23] =	ssyncset.done $0x0  }
0xa4: {  	s25 =	simm.s32 $0x1B8E;
	s24 =	sld [smem:$0x3FFE];
	[sflag:s23] =	ssyncadd.s32 $0xFFFFFFFF  }
0xa5: {  	s26 =	simm.s32 $execute0_lowered;
	[smem:$0x3FD2] =	sst s25  }
0xa6: {  	s4 =	sshll.u32 s26, $0x1;
	_ =	strace $0x80000046;
	[dreg:$0x1] =	wrdreg $0xFFFFFFFF  }
0xa7: {  	s28 =	simm.s32 $_size_execute0_lowered;
	s2 =	sadd.s32 s2, s4;
	[dreg:$0x0] =	wrdreg $0x0  }
0xa8: {  	s4 =	sshll.u32 s28, $0x1;
	[dreg:$0x2] =	wrdreg s2  }
0xa9: {  	[dreg:$0x3] =	wrdreg s4  }
0xaa: {  	[dreg:$0x4] =	wrdreg $0xC0  }
0xab: {  	_ =	task [dreg:s6], $0x5FFFF  }
0xac: {  	[dreg:$0x1] =	wrdreg $0xFFFFFFFF  }
0xad: {  	[dreg:$0x0] =	wrdreg $0x60  }
0xae: {  	[dreg:$0x2] =	wrdreg s24  }
0xaf: {  	[dreg:$0x3] =	wrdreg $0xF6400  }
0xb0: {  	[dreg:$0x4] =	wrdreg $0x9  }
0xb1: {  	_ =	task.clear_ibuf [dreg:s6], $0x5FFFF;
	_ =	strace $0x90000046  }
0xb2: {  	s29 =	simm.s32 $0x9;
	_ =	strace $0x80000048  }
0xb3: {  	_ =	swait.ge [sflag:s29], $0x1  }
0xb4: {  	[sflag:s29] =	ssyncadd.s32 $0xFFFFFFFF  }
0xb5: {  	_ =	strace $0x90000048  }
0xb6: {  	_ =	sfence  }
0xb7: {  	s30 =	sld [smem:$0x0];
	_ =	sdelay $0x2  }
0xb8: {  	s31 =	sshll.u32 s1, $0xD;
	s1 =	sshrl.u32 s1, $0x2  }
0xb9: {  	s3 =	sand.u32 $0x4000, s31;
	s1 =	sadd.s32 s1, s30  }
0xba: {  	s0 =	sor.u32 s3, s0;
	s1 =	sshll.u32 s1, $0x11  }
0xbb: {  	s0 =	sor.u32 s1, s0  }
0xbc: {  	s0 =	sadd.s32 $0x8F2B, s0  }
0xbd: {  	[sflag:s0] =	ssyncadd.remote.s32 $0x1  }
0xbe: {  	_ =	sfence.sel $0xFFFF  }
0xbf: {  	[dreg:$0x0] =	wrdreg $0xFFFFFFFF;
	(pc) =	sbr.abs _section_cstart, $3  }
0xc0: {  	[dreg:$0x1] =	wrdreg $0xFFFFFFFF  }
0xc1: {  	_ =	task.clear_ibuf [dreg:s6], $0x2FFFF;
	_ =	strace $0x9FFFFFFF  }
0xc2: {  	(tm) =	ssettm $0x7FFFFFFF  }
0xc3: {  	_ =	shalt  }
tec
execute0_lowered:
.L_overlay_start_1:
0x0: {  	(tag) =	ssettag $0x1  }
0x1: {  	s0 =	rddreg [dreg:$0x0]  }
0x2: {  	s2 =	rddreg [dreg:$0x1]  }
0x3: {  	s1 =	srdreg.scid;
	s8 =	stileid.u32  }
0x4: {  	s6 =	simm.s32 $0x0;
	s11 =	simm.s32 $0x2;
	s12 =	simm.s32 $0x1  }
0x5: {  	s15 =	simm.s32 $0x80;
	s16 =	simm.s32 $0x4F00;
	s17 =	simm.s32 $0x5700  }
0x6: {  	s18 =	simm.s32 $0x5F00;
	s19 =	simm.s32 $0x6700;
	s20 =	simm.s32 $0x6F00  }
0x7: {  	s26 =	simm.s32 $0xBF00;
	s21 =	simm.s32 $0x7700;
	s28 =	simm.s32 $0x7F00  }
0x8: {  	s31 =	simm.s32 $0x9700;
	s10 =	simm.s32 $0xB700;
	s13 =	simm.s32 $0xC700  }
0x9: {  	s29 =	simm.s32 $0x9F00;
	s30 =	simm.s32 $0xAF00;
	s1 =	sand.u32 $0x1, s1  }
0xa: {  	s3 =	smul.u32 $0x2740, s8;
	s4 =	sshll.u32 s8, $0x1;
	[smem:$0x7FF] =	sst s6  }
0xb: {  	p0 =	slt.u32 s8, $0xE;
	s5 =	smul.u32 $0x27400, s1;
	s4 =	sor.u32 s1, s4  }
0xc: {  	_ =	strace $0x80000047;
	s1 =	ssub.s32 $0x2, s1;
	[dreg:$0x3] =	wrdreg s26  }
0xd: {  	s22 =	smul.u32 $0x4E, s4;
	s7 =	smax.u32 s4, $0x1C;
	s23 =	sshrl.u32 s1, $0x1  }
0xe: {  	s4 =	sadd.s32 $0x14000, s0;
	s5 =	sadd.s32 s3, s5;
	s1 =	ssub.s32 s1, s23  }
0xf: {  	s23 =	simm.s32 $0x5F00;
	s6 =	sadd.s32 s22, s7;
	s5 =	sshrl.u32 s5, $0x3  }
0x10: {  	s25 =	smax.u32 s1, $0x1;
	s6 =	sshll.u32 s6, $0x4;
	s5 =	sadd.s32 s5, s0  }
0x11: {  	[dreg:$0x8] =	wrdreg s25;
	s0 =	sadd.s32 s0, s6;
	s24 =	sadd.s32 $0x3B200, s5  }
0x12: {  	s7 =	simm.s32 $0x3;
	s6 =	sadd.s32 $0x440, s0;
	[dreg:$0x7] =	wrdreg s24  }
0x13: {  	s22 =	simm.s32 $0x8700;
	s0 =	sadd.s32 $0xA080, s0;
	[dreg:$0x4] =	wrdreg s6  }
0x14: {  	s25 =	simm.s32 $0x8F00;
	[dreg:$0x5] =	wrdreg s0;
	s6 =	sadd.s32 s3, s2  }
0x15: {  	v0 =	vimm.f32 $0.0e+00;
	s0 =	simm.s32 $0xA700;
	s3 =	simm.s32 $0x0;
	[dreg:$0x6] =	wrdreg s6  }
.LBB2_1:
0x16: {  	s1 =	simm.s32 $0x0;
	s24 =	rddreg [dreg:$0x4];
	s5 =	simm.s32 $0x2780  }
0x17: {  	[tilespmem:s5], [sflag:$0x1] =	stream.linear.gather [hbm4b:s24+s1], $0x2780, $0x38;
	[tilespmem:$0x11D80] =	vst v63  }
0x18: {  	s26 =	rddreg [dreg:$0x5]  }
0x19: {  	[tilespmem:s1], [sflag:$0x2] =	stream.linear.gather [hbm4b:s26+s1], $0x2780, $0x38;
	[tilespmem:$0x11D80] =	vst v63  }
0x1a: {  	[dreg:$0x9] =	wrdreg s3;
	s3 =	simm.s32 $0x0;
	s1 =	simm.s32 $0x40  }
.LBB2_2:
0x1b: {  	p1 =	sne.s32 s1, $0x9CC0;
	[tilespmem:s3+$0xCF00] =	vst v0;
	s3 =	smov.u32 s1;
	s1 =	sadd.s32 $0x40, s1  }
.Ltmp0:
0x1c: {  	(pc) =	sbr.rel @p1 .LBB2_2-.Ltmp0, $2  }
0x1d: {  	_ =	sdelay $0x2  }
0x1e: {  	s3 =	sshra.s32 s3, $0x2  }
0x1f: {  	[tilespmem:s3+$0xCF00] =	vst v0  }
0x20: {  	_ =	swait.ge [sflag:s11], $0x2780  }
0x21: {  	[sflag:s11] =	ssyncset.done $0x0  }
0x22: {  	s1 =	simm.s32 $0x0;
	[sflag:s11] =	ssyncadd.s32 $0xFFFFD880  }
0x23: {  	v3 =	vld [tilespmem:s1+$0x0]  }
0x24: {  	v2 =	vld [tilespmem:s1+$0x10]  }
0x25: {  	s3 =	simm.s32 $0x100;
	v1 =	vld [tilespmem:s1+$0x20]  }
.LBB2_4:
0x26: {  	p1 =	sne.s32 s3, $0x9D00;
	v4 =	vld [tilespmem:s1+$0x30];
	_ =	sdelay $0x1  }
.Ltmp1:
0x27: {  	v3 =	vshll.u32 v3, $0x3;
	(pc) =	sbr.rel @p1 .LBB2_4-.Ltmp1, $4  }
0x28: {  	s5 =	sshra.s32 s3, $0x2;
	[tilespmem:s1+$0x0] =	vst v3;
	v2 =	vshll.u32 v2, $0x3  }
0x29: {  	v3 =	vld [tilespmem:s5+$0x0];
	[tilespmem:s1+$0x10] =	vst v2;
	v1 =	vshll.u32 v1, $0x3  }
0x2a: {  	v2 =	vld [tilespmem:s5+$0x10];
	[tilespmem:s1+$0x20] =	vst v1;
	v4 =	vshll.u32 v4, $0x3  }
0x2b: {  	s3 =	sadd.s32 $0x100, s3;
	v1 =	vld [tilespmem:s5+$0x20];
	[tilespmem:s1+$0x30] =	vst v4;
	s1 =	smov.u32 s5  }
0x2c: {  	v4 =	vld [tilespmem:s1+$0x30];
	_ =	sdelay $0x1  }
0x2d: {  	v3 =	vshll.u32 v3, $0x3  }
0x2e: {  	[tilespmem:s1+$0x0] =	vst v3;
	v2 =	vshll.u32 v2, $0x3  }
0x2f: {  	[tilespmem:s1+$0x10] =	vst v2;
	v1 =	vshll.u32 v1, $0x3  }
0x30: {  	[tilespmem:s1+$0x20] =	vst v1;
	v1 =	vshll.u32 v4, $0x3  }
0x31: {  	[tilespmem:s1+$0x30] =	vst v1  }
0x32: {  	_ =	swait.ge [sflag:s12], $0x2780  }
0x33: {  	[sflag:s12] =	ssyncset.done $0x0  }
0x34: {  	s26 =	simm.s32 $0xCF00;
	[sflag:s12] =	ssyncadd.s32 $0xFFFFD880  }
0x35: {  	[spmem:s6] =	stream.linear.scatter [tilespmem:s26], [sflag:$0x3], $0x2740, $0x38;
	[tilespmem:$0x11D80] =	vst v63  }
0x36: {  	_ =	swait.ge [sflag:s7], $0x2740  }
0x37: {  	[sflag:s7] =	ssyncset.done $0x0  }
0x38: {  	[sflag:s7] =	ssyncadd.s32 $0xFFFFD8C0  }
0x39: {  	s3 =	simm.s32 $0x0;
	[bflag:$0x0] =	sbarrier.arrive $0xFFFF  }
0x3a: {  	[tilespmem:s16], [sflag:$0x1] =	stream.indirect.gather [hbm4b:s4+s15], $0x10, s3, s15, $0xb8;
	[tilespmem:$0x11D80] =	vst v63  }
0x3b: {  	_ = 	snop  }
0x3c: {  	[tilespmem:s17], [sflag:$0x1] =	stream.indirect.gather [hbm4b:s4+s15], $0x10, s15, s15, $0xb8;
	[tilespmem:$0x11D80] =	vst v63  }
0x3d: {  	s5 =	simm.s32 $0x100  }
0x3e: {  	[tilespmem:s18], [sflag:$0x1] =	stream.indirect.gather [hbm4b:s4+s15], $0x10, s5, s15, $0xb8;
	[tilespmem:$0x11D80] =	vst v63  }
0x3f: {  	s6 =	simm.s32 $0x180  }
0x40: {  	[tilespmem:s19], [sflag:$0x1] =	stream.indirect.gather [hbm4b:s4+s15], $0x10, s6, s15, $0xb8;
	[tilespmem:$0x11D80] =	vst v63  }
0x41: {  	s7 =	simm.s32 $0x200  }
0x42: {  	[tilespmem:s20], [sflag:$0x1] =	stream.indirect.gather [hbm4b:s4+s15], $0x10, s7, s15, $0xb8;
	[tilespmem:$0x11D80] =	vst v63  }
0x43: {  	s8 =	simm.s32 $0x280  }
0x44: {  	[tilespmem:s21], [sflag:$0x1] =	stream.indirect.gather [hbm4b:s4+s15], $0x10, s8, s15, $0xb8;
	[tilespmem:$0x11D80] =	vst v63  }
0x45: {  	s9 =	simm.s32 $0x300  }
0x46: {  	[tilespmem:s28], [sflag:$0x1] =	stream.indirect.gather [hbm4b:s4+s15], $0x10, s9, s15, $0xb8;
	[tilespmem:$0x11D80] =	vst v63  }
0x47: {  	s14 =	simm.s32 $0x380  }
0x48: {  	[tilespmem:s22], [sflag:$0x1] =	stream.indirect.gather [hbm4b:s4+s15], $0x10, s14, s15, $0xb8;
	[tilespmem:$0x11D80] =	vst v63  }
0x49: {  	_ =	swait.ge [sflag:s12], $0x800  }
0x4a: {  	p1 =	por $0x1, $0x1;
	[sflag:s12] =	ssyncset.done $0x0  }
0x4b: {  	s24 =	simm.s32 $0x2780;
	s1 =	simm.s32 @p1 $0x8F00;
	[sflag:s12] =	ssyncadd.s32 $0xFFFFF800  }
0x4c: {  	[spmem:s2] =	stream.indirect.scatter.add.f32 [tilespmem:s16], [sflag:$0x2], $0x10, s24, s15, $0xb8;
	[tilespmem:$0x11D80] =	vst v63  }
0x4d: {  	s3 =	simm.s32 @p1 $0x80;
	s5 =	simm.s32 @p1 $0x400;
	s6 =	simm.s32 @p1 $0x1  }
0x4e: {  	[tilespmem:s1], [sflag:$0x1] =	stream.indirect.gather @p1 [hbm4b:s4+s3], $0x10, s5, s3, $0xb8;
	[tilespmem:$0x11D80] =	vst v63  }
0x4f: {  	_ =	swait.ge @p1 [sflag:s6], $0x800  }
0x50: {  	s7 =	simm.s32 @p1 $0x5700;
	[sflag:s6] =	ssyncset.done @p1 $0x0  }
0x51: {  	s5 =	simm.s32 @p1 $0x2800;
	s1 =	simm.s32 @!p1 $0x2;
	[sflag:s6] =	ssyncadd.s32 @p1 $0xFFFFF800  }
0x52: {  	[spmem:s2] =	stream.indirect.scatter.add.f32 @p1 [tilespmem:s7], [sflag:$0x2], $0x10, s5, s3, $0xb8;
	[tilespmem:$0x11D80] =	vst v63  }
0x53: {  	_ =	swait.ge @!p1 [sflag:s1], $0x800  }
0x54: {  	s8 =	simm.s32 @!p1 $0x400;
	s9 =	simm.s32 @!p1 $0x8F00;
	[sflag:s1] =	ssyncset.done @!p1 $0x0  }
0x55: {  	s5 =	simm.s32 @!p1 $0x80;
	s7 =	simm.s32 @!p1 $0x1;
	[sflag:s1] =	ssyncadd.s32 @!p1 $0xFFFFF800  }
0x56: {  	[tilespmem:s9], [sflag:$0x1] =	stream.indirect.gather @!p1 [hbm4b:s4+s5], $0x10, s8, s5, $0xb8;
	[tilespmem:$0x11D80] =	vst v63  }
0x57: {  	_ =	swait.ge @!p1 [sflag:s7], $0x800  }
0x58: {  	[sflag:s7] =	ssyncset.done @!p1 $0x0  }
0x59: {  	s8 =	simm.s32 @!p1 $0x2800;
	s9 =	simm.s32 @!p1 $0x5700;
	[sflag:s7] =	ssyncadd.s32 @!p1 $0xFFFFF800  }
0x5a: {  	[spmem:s2] =	stream.indirect.scatter.add.f32 @!p1 [tilespmem:s9], [sflag:$0x2], $0x10, s8, s5, $0xb8;
	[tilespmem:$0x11D80] =	vst v63  }
0x5b: {  	s8 =	simm.s32 @!p1 $0x0;
	_ =	swait.ge @!p1 [sflag:s1], $0x800  }
0x5c: {  	s8 =	simm.s32 @p1 $0x0;
	[sflag:s1] =	ssyncset.done @!p1 $0x0  }
0x5d: {  	s26 =	sadd.s32 $0x480, s8;
	[sflag:s1] =	ssyncadd.s32 @!p1 $0xFFFFF800  }
0x5e: {  	[tilespmem:s31], [sflag:$0x1] =	stream.indirect.gather [hbm4b:s4+s15], $0x10, s26, s15, $0xb8;
	[tilespmem:$0x11D80] =	vst v63  }
0x5f: {  	_ =	swait.ge [sflag:s12], $0x800  }
0x60: {  	[sflag:s12] =	ssyncset.done $0x0  }
0x61: {  	s14 =	simm.s32 $0x2880;
	[sflag:s12] =	ssyncadd.s32 $0xFFFFF800  }
0x62: {  	[spmem:s2] =	stream.indirect.scatter.add.f32 [tilespmem:s18], [sflag:$0x2], $0x10, s14, s15, $0xb8;
	[tilespmem:$0x11D80] =	vst v63  }
0x63: {  	s9 =	simm.s32 @p1 $0x500;
	s14 =	simm.s32 @p1 $0x9F00  }
0x64: {  	[tilespmem:s14], [sflag:$0x1] =	stream.indirect.gather @p1 [hbm4b:s4+s3], $0x10, s9, s3, $0xb8;
	[tilespmem:$0x11D80] =	vst v63  }
0x65: {  	_ =	swait.ge @p1 [sflag:s6], $0x800  }
0x66: {  	[sflag:s6] =	ssyncset.done @p1 $0x0  }
0x67: {  	s9 =	simm.s32 @p1 $0x2900;
	s14 =	simm.s32 @p1 $0x6700;
	[sflag:s6] =	ssyncadd.s32 @p1 $0xFFFFF800  }
0x68: {  	[spmem:s2] =	stream.indirect.scatter.add.f32 @p1 [tilespmem:s14], [sflag:$0x2], $0x10, s9, s3, $0xb8;
	[tilespmem:$0x11D80] =	vst v63  }
0x69: {  	_ =	swait.ge @!p1 [sflag:s1], $0x800  }
0x6a: {  	[sflag:s1] =	ssyncset.done @!p1 $0x0  }
0x6b: {  	s9 =	simm.s32 @!p1 $0x500;
	s14 =	simm.s32 @!p1 $0x9F00;
	[sflag:s1] =	ssyncadd.s32 @!p1 $0xFFFFF800  }
0x6c: {  	[tilespmem:s14], [sflag:$0x1] =	stream.indirect.gather @!p1 [hbm4b:s4+s5], $0x10, s9, s5, $0xb8;
	[tilespmem:$0x11D80] =	vst v63  }
0x6d: {  	_ =	swait.ge @!p1 [sflag:s7], $0x800  }
0x6e: {  	[sflag:s7] =	ssyncset.done @!p1 $0x0  }
0x6f: {  	s9 =	simm.s32 @!p1 $0x2900;
	s14 =	simm.s32 @!p1 $0x6700;
	[sflag:s7] =	ssyncadd.s32 @!p1 $0xFFFFF800  }
0x70: {  	[spmem:s2] =	stream.indirect.scatter.add.f32 @!p1 [tilespmem:s14], [sflag:$0x2], $0x10, s9, s5, $0xb8;
	[tilespmem:$0x11D80] =	vst v63  }
0x71: {  	_ =	swait.ge @!p1 [sflag:s1], $0x800  }
0x72: {  	[sflag:s1] =	ssyncset.done @!p1 $0x0  }
0x73: {  	s24 =	sadd.s32 $0x580, s8;
	[sflag:s1] =	ssyncadd.s32 @!p1 $0xFFFFF800  }
0x74: {  	[tilespmem:s0], [sflag:$0x1] =	stream.indirect.gather [hbm4b:s4+s15], $0x10, s24, s15, $0xb8;
	[tilespmem:$0x11D80] =	vst v63  }
0x75: {  	_ =	swait.ge [sflag:s12], $0x800  }
0x76: {  	[sflag:s12] =	ssyncset.done $0x0  }
0x77: {  	s26 =	simm.s32 $0x2980;
	[sflag:s12] =	ssyncadd.s32 $0xFFFFF800  }
0x78: {  	[spmem:s2] =	stream.indirect.scatter.add.f32 [tilespmem:s20], [sflag:$0x2], $0x10, s26, s15, $0xb8;
	[tilespmem:$0x11D80] =	vst v63  }
0x79: {  	s9 =	simm.s32 @p1 $0x600;
	s14 =	simm.s32 @p1 $0xAF00  }
0x7a: {  	[tilespmem:s14], [sflag:$0x1] =	stream.indirect.gather @p1 [hbm4b:s4+s3], $0x10, s9, s3, $0xb8;
	[tilespmem:$0x11D80] =	vst v63  }
0x7b: {  	_ =	swait.ge @p1 [sflag:s6], $0x800  }
0x7c: {  	[sflag:s6] =	ssyncset.done @p1 $0x0  }
0x7d: {  	s9 =	simm.s32 @p1 $0x2A00;
	s14 =	simm.s32 @p1 $0x7700;
	[sflag:s6] =	ssyncadd.s32 @p1 $0xFFFFF800  }
0x7e: {  	[spmem:s2] =	stream.indirect.scatter.add.f32 @p1 [tilespmem:s14], [sflag:$0x2], $0x10, s9, s3, $0xb8;
	[tilespmem:$0x11D80] =	vst v63  }
0x7f: {  	_ =	swait.ge @!p1 [sflag:s1], $0x800  }
0x80: {  	[sflag:s1] =	ssyncset.done @!p1 $0x0  }
0x81: {  	s9 =	simm.s32 @!p1 $0x600;
	s14 =	simm.s32 @!p1 $0xAF00;
	[sflag:s1] =	ssyncadd.s32 @!p1 $0xFFFFF800  }
0x82: {  	[tilespmem:s14], [sflag:$0x1] =	stream.indirect.gather @!p1 [hbm4b:s4+s5], $0x10, s9, s5, $0xb8;
	[tilespmem:$0x11D80] =	vst v63  }
0x83: {  	_ =	swait.ge @!p1 [sflag:s7], $0x800  }
0x84: {  	[sflag:s7] =	ssyncset.done @!p1 $0x0  }
0x85: {  	s9 =	simm.s32 @!p1 $0x2A00;
	s14 =	simm.s32 @!p1 $0x7700;
	[sflag:s7] =	ssyncadd.s32 @!p1 $0xFFFFF800  }
0x86: {  	[spmem:s2] =	stream.indirect.scatter.add.f32 @!p1 [tilespmem:s14], [sflag:$0x2], $0x10, s9, s5, $0xb8;
	[tilespmem:$0x11D80] =	vst v63  }
0x87: {  	_ =	swait.ge @!p1 [sflag:s1], $0x800  }
0x88: {  	[sflag:s1] =	ssyncset.done @!p1 $0x0  }
0x89: {  	s14 =	sadd.s32 $0x680, s8;
	[sflag:s1] =	ssyncadd.s32 @!p1 $0xFFFFF800  }
0x8a: {  	[tilespmem:s10], [sflag:$0x1] =	stream.indirect.gather [hbm4b:s4+s15], $0x10, s14, s15, $0xb8;
	[tilespmem:$0x11D80] =	vst v63  }
0x8b: {  	_ =	swait.ge [sflag:s12], $0x800  }
0x8c: {  	[sflag:s12] =	ssyncset.done $0x0  }
0x8d: {  	s24 =	simm.s32 $0x2A80;
	[sflag:s12] =	ssyncadd.s32 $0xFFFFF800  }
0x8e: {  	[spmem:s2] =	stream.indirect.scatter.add.f32 [tilespmem:s28], [sflag:$0x2], $0x10, s24, s15, $0xb8;
	[tilespmem:$0x11D80] =	vst v63  }
0x8f: {  	s9 =	simm.s32 @p1 $0x700;
	s14 =	simm.s32 @p1 $0xBF00  }
0x90: {  	[tilespmem:s14], [sflag:$0x1] =	stream.indirect.gather @p1 [hbm4b:s4+s3], $0x10, s9, s3, $0xb8;
	[tilespmem:$0x11D80] =	vst v63  }
0x91: {  	_ =	swait.ge @p1 [sflag:s6], $0x800  }
0x92: {  	[sflag:s6] =	ssyncset.done @p1 $0x0  }
0x93: {  	s9 =	simm.s32 @p1 $0x2B00;
	[sflag:s6] =	ssyncadd.s32 @p1 $0xFFFFF800;
	s6 =	simm.s32 @p1 $0x8700  }
0x94: {  	[spmem:s2] =	stream.indirect.scatter.add.f32 @p1 [tilespmem:s6], [sflag:$0x2], $0x10, s9, s3, $0xb8;
	[tilespmem:$0x11D80] =	vst v63  }
0x95: {  	_ =	swait.ge @!p1 [sflag:s1], $0x800  }
0x96: {  	[sflag:s1] =	ssyncset.done @!p1 $0x0  }
0x97: {  	s3 =	simm.s32 @!p1 $0x700;
	s6 =	simm.s32 @!p1 $0xBF00;
	[sflag:s1] =	ssyncadd.s32 @!p1 $0xFFFFF800  }
0x98: {  	[tilespmem:s6], [sflag:$0x1] =	stream.indirect.gather @!p1 [hbm4b:s4+s5], $0x10, s3, s5, $0xb8;
	[tilespmem:$0x11D80] =	vst v63  }
0x99: {  	_ =	swait.ge @!p1 [sflag:s7], $0x800  }
0x9a: {  	[sflag:s7] =	ssyncset.done @!p1 $0x0  }
0x9b: {  	s3 =	simm.s32 @!p1 $0x2B00;
	s6 =	simm.s32 @!p1 $0x8700;
	[sflag:s7] =	ssyncadd.s32 @!p1 $0xFFFFF800  }
0x9c: {  	[spmem:s2] =	stream.indirect.scatter.add.f32 @!p1 [tilespmem:s6], [sflag:$0x2], $0x10, s3, s5, $0xb8;
	[tilespmem:$0x11D80] =	vst v63  }
0x9d: {  	_ =	swait.ge @!p1 [sflag:s1], $0x800  }
0x9e: {  	[sflag:s1] =	ssyncset.done @!p1 $0x0  }
0x9f: {  	s26 =	sadd.s32 $0x780, s8;
	[sflag:s1] =	ssyncadd.s32 @!p1 $0xFFFFF800  }
0xa0: {  	[tilespmem:s13], [sflag:$0x1] =	stream.indirect.gather [hbm4b:s4+s15], $0x10, s26, s15, $0xb8;
	[tilespmem:$0x11D80] =	vst v63  }
0xa1: {  	_ =	swait.ge [sflag:s12], $0x800  }
0xa2: {  	[sflag:s12] =	ssyncset.done $0x0  }
0xa3: {  	s3 =	simm.s32 $0x2B80;
	[sflag:s12] =	ssyncadd.s32 $0xFFFFF800  }
0xa4: {  	[spmem:s2] =	stream.indirect.scatter.add.f32 [tilespmem:s25], [sflag:$0x2], $0x10, s3, s15, $0xb8;
	[tilespmem:$0x11D80] =	vst v63  }
0xa5: {  	_ =	swait.ge [sflag:s11], $0x800  }
0xa6: {  	[sflag:s11] =	ssyncset.done $0x0  }
0xa7: {  	s5 =	simm.s32 $0x800;
	[sflag:s11] =	ssyncadd.s32 $0xFFFFF800  }
0xa8: {  	[tilespmem:s16], [sflag:$0x1] =	stream.indirect.gather [hbm4b:s4+s15], $0x10, s5, s15, $0xb8;
	[tilespmem:$0x11D80] =	vst v63  }
0xa9: {  	_ =	swait.ge [sflag:s12], $0x800  }
0xaa: {  	[sflag:s12] =	ssyncset.done $0x0  }
0xab: {  	s6 =	simm.s32 $0x2C00;
	[sflag:s12] =	ssyncadd.s32 $0xFFFFF800  }
0xac: {  	[spmem:s2] =	stream.indirect.scatter.add.f32 [tilespmem:s31], [sflag:$0x2], $0x10, s6, s15, $0xb8;
	[tilespmem:$0x11D80] =	vst v63  }
0xad: {  	_ =	swait.ge [sflag:s11], $0x800  }
0xae: {  	[sflag:s11] =	ssyncset.done $0x0  }
0xaf: {  	s7 =	simm.s32 $0x880;
	[sflag:s11] =	ssyncadd.s32 $0xFFFFF800  }
0xb0: {  	[tilespmem:s17], [sflag:$0x1] =	stream.indirect.gather [hbm4b:s4+s15], $0x10, s7, s15, $0xb8;
	[tilespmem:$0x11D80] =	vst v63  }
0xb1: {  	_ =	swait.ge [sflag:s12], $0x800  }
0xb2: {  	[sflag:s12] =	ssyncset.done $0x0  }
0xb3: {  	s8 =	simm.s32 $0x2C80;
	[sflag:s12] =	ssyncadd.s32 $0xFFFFF800  }
0xb4: {  	[spmem:s2] =	stream.indirect.scatter.add.f32 [tilespmem:s29], [sflag:$0x2], $0x10, s8, s15, $0xb8;
	[tilespmem:$0x11D80] =	vst v63  }
0xb5: {  	_ =	swait.ge [sflag:s11], $0x800  }
0xb6: {  	[sflag:s11] =	ssyncset.done $0x0  }
0xb7: {  	s9 =	simm.s32 $0x900;
	[sflag:s11] =	ssyncadd.s32 $0xFFFFF800  }
0xb8: {  	[tilespmem:s18], [sflag:$0x1] =	stream.indirect.gather [hbm4b:s4+s15], $0x10, s9, s15, $0xb8;
	[tilespmem:$0x11D80] =	vst v63  }
0xb9: {  	_ =	swait.ge [sflag:s12], $0x800  }
0xba: {  	[sflag:s12] =	ssyncset.done $0x0  }
0xbb: {  	s14 =	simm.s32 $0x2D00;
	[sflag:s12] =	ssyncadd.s32 $0xFFFFF800  }
0xbc: {  	[spmem:s2] =	stream.indirect.scatter.add.f32 [tilespmem:s0], [sflag:$0x2], $0x10, s14, s15, $0xb8;
	[tilespmem:$0x11D80] =	vst v63  }
0xbd: {  	_ =	swait.ge [sflag:s11], $0x800  }
0xbe: {  	[sflag:s11] =	ssyncset.done $0x0  }
0xbf: {  	s17 =	simm.s32 $0x980;
	[sflag:s11] =	ssyncadd.s32 $0xFFFFF800  }
0xc0: {  	[tilespmem:s19], [sflag:$0x1] =	stream.indirect.gather [hbm4b:s4+s15], $0x10, s17, s15, $0xb8;
	[tilespmem:$0x11D80] =	vst v63  }
0xc1: {  	_ =	swait.ge [sflag:s12], $0x800  }
0xc2: {  	[sflag:s12] =	ssyncset.done $0x0  }
0xc3: {  	s18 =	simm.s32 $0x2D80;
	[sflag:s12] =	ssyncadd.s32 $0xFFFFF800  }
0xc4: {  	[spmem:s2] =	stream.indirect.scatter.add.f32 [tilespmem:s30], [sflag:$0x2], $0x10, s18, s15, $0xb8;
	[tilespmem:$0x11D80] =	vst v63  }
0xc5: {  	_ =	swait.ge [sflag:s11], $0x800  }
0xc6: {  	[sflag:s11] =	ssyncset.done $0x0  }
0xc7: {  	s19 =	simm.s32 $0xA00;
	[sflag:s11] =	ssyncadd.s32 $0xFFFFF800  }
0xc8: {  	[tilespmem:s20], [sflag:$0x1] =	stream.indirect.gather [hbm4b:s4+s15], $0x10, s19, s15, $0xb8;
	[tilespmem:$0x11D80] =	vst v63  }
0xc9: {  	_ =	swait.ge [sflag:s12], $0x800  }
0xca: {  	[sflag:s12] =	ssyncset.done $0x0  }
0xcb: {  	s20 =	simm.s32 $0x2E00;
	[sflag:s12] =	ssyncadd.s32 $0xFFFFF800  }
0xcc: {  	[spmem:s2] =	stream.indirect.scatter.add.f32 [tilespmem:s10], [sflag:$0x2], $0x10, s20, s15, $0xb8;
	[tilespmem:$0x11D80] =	vst v63  }
0xcd: {  	_ =	swait.ge [sflag:s11], $0x800  }
0xce: {  	[sflag:s11] =	ssyncset.done $0x0  }
0xcf: {  	s24 =	simm.s32 $0xA80;
	[sflag:s11] =	ssyncadd.s32 $0xFFFFF800  }
0xd0: {  	[tilespmem:s21], [sflag:$0x1] =	stream.indirect.gather [hbm4b:s4+s15], $0x10, s24, s15, $0xb8;
	[tilespmem:$0x11D80] =	vst v63  }
0xd1: {  	_ =	swait.ge [sflag:s12], $0x800  }
0xd2: {  	[sflag:s12] =	ssyncset.done $0x0  }
0xd3: {  	s26 =	simm.s32 $0x2E80;
	s25 =	rddreg [dreg:$0x3];
	[sflag:s12] =	ssyncadd.s32 $0xFFFFF800  }
0xd4: {  	[spmem:s2] =	stream.indirect.scatter.add.f32 [tilespmem:s25], [sflag:$0x2], $0x10, s26, s15, $0xb8;
	[tilespmem:$0x11D80] =	vst v63  }
0xd5: {  	_ =	swait.ge [sflag:s11], $0x800  }
0xd6: {  	[sflag:s11] =	ssyncset.done $0x0  }
0xd7: {  	s29 =	simm.s32 $0xB00;
	[sflag:s11] =	ssyncadd.s32 $0xFFFFF800  }
0xd8: {  	[tilespmem:s28], [sflag:$0x1] =	stream.indirect.gather [hbm4b:s4+s15], $0x10, s29, s15, $0xb8;
	[tilespmem:$0x11D80] =	vst v63  }
0xd9: {  	_ =	swait.ge [sflag:s12], $0x800  }
0xda: {  	[sflag:s12] =	ssyncset.done $0x0  }
0xdb: {  	s30 =	simm.s32 $0x2F00;
	[sflag:s12] =	ssyncadd.s32 $0xFFFFF800  }
0xdc: {  	[spmem:s2] =	stream.indirect.scatter.add.f32 [tilespmem:s13], [sflag:$0x2], $0x10, s30, s15, $0xb8;
	[tilespmem:$0x11D80] =	vst v63  }
0xdd: {  	_ =	swait.ge [sflag:s11], $0x800  }
0xde: {  	s1 =	simm.s32 $0xB80;
	s24 =	simm.s32 $0x2000;
	[sflag:s11] =	ssyncset.done $0x0  }
.LBB2_6:
0xdf: {  	[sflag:s11] =	ssyncadd.s32 $0xFFFFF800  }
0xe0: {  	[tilespmem:s22], [sflag:$0x1] =	stream.indirect.gather [hbm4b:s4+s15], $0x10, s1, s15, $0xb8;
	[tilespmem:$0x11D80] =	vst v63  }
0xe1: {  	s3 =	smov.u32 s24;
	_ =	swait.ge [sflag:s12], $0x800  }
0xe2: {  	s26 =	sshra.s32 s3, $0x2;
	p2 =	seq.s32 s3, $0x0;
	[sflag:s12] =	ssyncset.done $0x0  }
0xe3: {  	s19 =	sadd.s32 $0x2780, s26;
	s7 =	simm.s32 @p2 $0x400;
	[sflag:s12] =	ssyncadd.s32 $0xFFFFF800  }
0xe4: {  	[spmem:s2] =	stream.indirect.scatter.add.f32 [tilespmem:s16], [sflag:$0x2], $0x10, s19, s15, $0xb8;
	[tilespmem:$0x11D80] =	vst v63  }
0xe5: {  	s8 =	simm.s32 @p2 $0x8F00;
	s5 =	simm.s32 @p2 $0x80;
	s6 =	simm.s32 @p2 $0x1  }
0xe6: {  	[tilespmem:s8], [sflag:$0x1] =	stream.indirect.gather @p2 [hbm4b:s4+s5], $0x10, s7, s5, $0xb8;
	[tilespmem:$0x11D80] =	vst v63  }
0xe7: {  	_ =	swait.ge @p2 [sflag:s6], $0x800  }
0xe8: {  	s14 =	sshra.s32 @p2 s3, $0x2;
	s1 =	simm.s32 @!p2 $0x2;
	[sflag:s6] =	ssyncset.done @p2 $0x0  }
0xe9: {  	s7 =	sadd.s32 @p2 $0x2800, s14;
	s8 =	simm.s32 @p2 $0x5700;
	[sflag:s6] =	ssyncadd.s32 @p2 $0xFFFFF800  }
0xea: {  	[spmem:s2] =	stream.indirect.scatter.add.f32 @p2 [tilespmem:s8], [sflag:$0x2], $0x10, s7, s5, $0xb8;
	[tilespmem:$0x11D80] =	vst v63  }
0xeb: {  	s3 =	sshra.s32 @!p2 s3, $0x2;
	_ =	swait.ge @!p2 [sflag:s1], $0x800  }
0xec: {  	s9 =	simm.s32 @!p2 $0x1;
	s17 =	sadd.s32 @!p2 $0x400, s3;
	[sflag:s1] =	ssyncset.done @!p2 $0x0  }
0xed: {  	s8 =	simm.s32 @!p2 $0x80;
	s7 =	simm.s32 @!p2 $0x8F00;
	[sflag:s1] =	ssyncadd.s32 @!p2 $0xFFFFF800  }
0xee: {  	[tilespmem:s7], [sflag:$0x1] =	stream.indirect.gather @!p2 [hbm4b:s4+s8], $0x10, s17, s8, $0xb8;
	[tilespmem:$0x11D80] =	vst v63  }
0xef: {  	_ =	swait.ge @!p2 [sflag:s9], $0x800  }
0xf0: {  	s20 =	sadd.s32 @!p2 $0x2800, s3;
	[sflag:s9] =	ssyncset.done @!p2 $0x0  }
0xf1: {  	s18 =	smov.u32 s3;
	s7 =	simm.s32 @!p2 $0x5700;
	[sflag:s9] =	ssyncadd.s32 @!p2 $0xFFFFF800  }
0xf2: {  	[spmem:s2] =	stream.indirect.scatter.add.f32 @!p2 [tilespmem:s7], [sflag:$0x2], $0x10, s20, s8, $0xb8;
	[tilespmem:$0x11D80] =	vst v63  }
0xf3: {  	s22 =	sadd.s32 @p2 $0x2900, s14;
	s30 =	sadd.s32 @!p2 $0x2900, s3;
	_ =	swait.ge @!p2 [sflag:s1], $0x800  }
0xf4: {  	s25 =	sadd.s32 @p2 $0x2A00, s14;
	s18 =	simm.s32 @p2 $0x0;
	[sflag:s1] =	ssyncset.done @!p2 $0x0  }
0xf5: {  	s21 =	sadd.s32 @!p2 $0x600, s3;
	s20 =	sadd.s32 $0x480, s18;
	[sflag:s1] =	ssyncadd.s32 @!p2 $0xFFFFF800  }
0xf6: {  	[tilespmem:s31], [sflag:$0x1] =	stream.indirect.gather [hbm4b:s4+s15], $0x10, s20, s15, $0xb8;
	[tilespmem:$0x11D80] =	vst v63  }
0xf7: {  	s29 =	sadd.s32 @p2 $0x2B00, s14;
	s16 =	sadd.s32 @!p2 $0x500, s3;
	_ =	swait.ge [sflag:s12], $0x800  }
0xf8: {  	s14 =	sadd.s32 @!p2 $0x700, s3;
	s17 =	sadd.s32 @!p2 $0x2A00, s3;
	[sflag:s12] =	ssyncset.done $0x0  }
0xf9: {  	s7 =	sadd.s32 @!p2 $0x2B00, s3;
	s3 =	sadd.s32 $0x2880, s26;
	[sflag:s12] =	ssyncadd.s32 $0xFFFFF800  }
0xfa: {  	[spmem:s2] =	stream.indirect.scatter.add.f32 [tilespmem:s23], [sflag:$0x2], $0x10, s3, s15, $0xb8;
	[tilespmem:$0x11D80] =	vst v63  }
0xfb: {  	s19 =	simm.s32 @p2 $0x9F00;
	s20 =	simm.s32 @p2 $0x500  }
0xfc: {  	[tilespmem:s19], [sflag:$0x1] =	stream.indirect.gather @p2 [hbm4b:s4+s5], $0x10, s20, s5, $0xb8;
	[tilespmem:$0x11D80] =	vst v63  }
0xfd: {  	_ =	swait.ge @p2 [sflag:s6], $0x800  }
0xfe: {  	[sflag:s6] =	ssyncset.done @p2 $0x0  }
0xff: {  	s3 =	simm.s32 @p2 $0x6700;
	[sflag:s6] =	ssyncadd.s32 @p2 $0xFFFFF800  }
0x100: {  	[spmem:s2] =	stream.indirect.scatter.add.f32 @p2 [tilespmem:s3], [sflag:$0x2], $0x10, s22, s5, $0xb8;
	[tilespmem:$0x11D80] =	vst v63  }
0x101: {  	_ =	swait.ge @!p2 [sflag:s1], $0x800  }
0x102: {  	[sflag:s1] =	ssyncset.done @!p2 $0x0  }
0x103: {  	s3 =	simm.s32 @!p2 $0x9F00;
	[sflag:s1] =	ssyncadd.s32 @!p2 $0xFFFFF800  }
0x104: {  	[tilespmem:s3], [sflag:$0x1] =	stream.indirect.gather @!p2 [hbm4b:s4+s8], $0x10, s16, s8, $0xb8;
	[tilespmem:$0x11D80] =	vst v63  }
0x105: {  	_ =	swait.ge @!p2 [sflag:s9], $0x800  }
0x106: {  	[sflag:s9] =	ssyncset.done @!p2 $0x0  }
0x107: {  	s3 =	simm.s32 @!p2 $0x6700;
	[sflag:s9] =	ssyncadd.s32 @!p2 $0xFFFFF800  }
0x108: {  	[spmem:s2] =	stream.indirect.scatter.add.f32 @!p2 [tilespmem:s3], [sflag:$0x2], $0x10, s30, s8, $0xb8;
	[tilespmem:$0x11D80] =	vst v63  }
0x109: {  	_ =	swait.ge @!p2 [sflag:s1], $0x800  }
0x10a: {  	[sflag:s1] =	ssyncset.done @!p2 $0x0  }
0x10b: {  	s16 =	sadd.s32 $0x580, s18;
	[sflag:s1] =	ssyncadd.s32 @!p2 $0xFFFFF800  }
0x10c: {  	[tilespmem:s0], [sflag:$0x1] =	stream.indirect.gather [hbm4b:s4+s15], $0x10, s16, s15, $0xb8;
	[tilespmem:$0x11D80] =	vst v63  }
0x10d: {  	_ =	swait.ge [sflag:s12], $0x800  }
0x10e: {  	[sflag:s12] =	ssyncset.done $0x0  }
0x10f: {  	s20 =	simm.s32 $0x6F00;
	s3 =	sadd.s32 $0x2980, s26;
	[sflag:s12] =	ssyncadd.s32 $0xFFFFF800  }
0x110: {  	[spmem:s2] =	stream.indirect.scatter.add.f32 [tilespmem:s20], [sflag:$0x2], $0x10, s3, s15, $0xb8;
	[tilespmem:$0x11D80] =	vst v63  }
0x111: {  	s19 =	simm.s32 @p2 $0xAF00;
	s16 =	simm.s32 @p2 $0x600  }
0x112: {  	[tilespmem:s19], [sflag:$0x1] =	stream.indirect.gather @p2 [hbm4b:s4+s5], $0x10, s16, s5, $0xb8;
	[tilespmem:$0x11D80] =	vst v63  }
0x113: {  	_ =	swait.ge @p2 [sflag:s6], $0x800  }
0x114: {  	[sflag:s6] =	ssyncset.done @p2 $0x0  }
0x115: {  	s3 =	simm.s32 @p2 $0x7700;
	[sflag:s6] =	ssyncadd.s32 @p2 $0xFFFFF800  }
0x116: {  	[spmem:s2] =	stream.indirect.scatter.add.f32 @p2 [tilespmem:s3], [sflag:$0x2], $0x10, s25, s5, $0xb8;
	[tilespmem:$0x11D80] =	vst v63  }
0x117: {  	_ =	swait.ge @!p2 [sflag:s1], $0x800  }
0x118: {  	[sflag:s1] =	ssyncset.done @!p2 $0x0  }
0x119: {  	s3 =	simm.s32 @!p2 $0xAF00;
	[sflag:s1] =	ssyncadd.s32 @!p2 $0xFFFFF800  }
0x11a: {  	[tilespmem:s3], [sflag:$0x1] =	stream.indirect.gather @!p2 [hbm4b:s4+s8], $0x10, s21, s8, $0xb8;
	[tilespmem:$0x11D80] =	vst v63  }
0x11b: {  	_ =	swait.ge @!p2 [sflag:s9], $0x800  }
0x11c: {  	[sflag:s9] =	ssyncset.done @!p2 $0x0  }
0x11d: {  	s3 =	simm.s32 @!p2 $0x7700;
	[sflag:s9] =	ssyncadd.s32 @!p2 $0xFFFFF800  }
0x11e: {  	[spmem:s2] =	stream.indirect.scatter.add.f32 @!p2 [tilespmem:s3], [sflag:$0x2], $0x10, s17, s8, $0xb8;
	[tilespmem:$0x11D80] =	vst v63  }
0x11f: {  	_ =	swait.ge @!p2 [sflag:s1], $0x800  }
0x120: {  	[sflag:s1] =	ssyncset.done @!p2 $0x0  }
0x121: {  	s17 =	sadd.s32 $0x680, s18;
	[sflag:s1] =	ssyncadd.s32 @!p2 $0xFFFFF800  }
0x122: {  	[tilespmem:s10], [sflag:$0x1] =	stream.indirect.gather [hbm4b:s4+s15], $0x10, s17, s15, $0xb8;
	[tilespmem:$0x11D80] =	vst v63  }
0x123: {  	_ =	swait.ge [sflag:s12], $0x800  }
0x124: {  	[sflag:s12] =	ssyncset.done $0x0  }
0x125: {  	s3 =	sadd.s32 $0x2A80, s26;
	[sflag:s12] =	ssyncadd.s32 $0xFFFFF800  }
0x126: {  	[spmem:s2] =	stream.indirect.scatter.add.f32 [tilespmem:s28], [sflag:$0x2], $0x10, s3, s15, $0xb8;
	[tilespmem:$0x11D80] =	vst v63  }
0x127: {  	s16 =	simm.s32 @p2 $0x700;
	s17 =	simm.s32 @p2 $0xBF00  }
0x128: {  	[tilespmem:s17], [sflag:$0x1] =	stream.indirect.gather @p2 [hbm4b:s4+s5], $0x10, s16, s5, $0xb8;
	[tilespmem:$0x11D80] =	vst v63  }
0x129: {  	_ =	swait.ge @p2 [sflag:s6], $0x800  }
0x12a: {  	[sflag:s6] =	ssyncset.done @p2 $0x0  }
0x12b: {  	s3 =	simm.s32 @p2 $0x8700;
	[sflag:s6] =	ssyncadd.s32 @p2 $0xFFFFF800  }
0x12c: {  	[spmem:s2] =	stream.indirect.scatter.add.f32 @p2 [tilespmem:s3], [sflag:$0x2], $0x10, s29, s5, $0xb8;
	[tilespmem:$0x11D80] =	vst v63  }
0x12d: {  	_ =	swait.ge @!p2 [sflag:s1], $0x800  }
0x12e: {  	[sflag:s1] =	ssyncset.done @!p2 $0x0  }
0x12f: {  	s3 =	simm.s32 @!p2 $0xBF00;
	[sflag:s1] =	ssyncadd.s32 @!p2 $0xFFFFF800  }
0x130: {  	[tilespmem:s3], [sflag:$0x1] =	stream.indirect.gather @!p2 [hbm4b:s4+s8], $0x10, s14, s8, $0xb8;
	[tilespmem:$0x11D80] =	vst v63  }
0x131: {  	_ =	swait.ge @!p2 [sflag:s9], $0x800  }
0x132: {  	[sflag:s9] =	ssyncset.done @!p2 $0x0  }
0x133: {  	s3 =	simm.s32 @!p2 $0x8700;
	[sflag:s9] =	ssyncadd.s32 @!p2 $0xFFFFF800  }
0x134: {  	[spmem:s2] =	stream.indirect.scatter.add.f32 @!p2 [tilespmem:s3], [sflag:$0x2], $0x10, s7, s8, $0xb8;
	[tilespmem:$0x11D80] =	vst v63  }
0x135: {  	_ =	swait.ge @!p2 [sflag:s1], $0x800  }
0x136: {  	[sflag:s1] =	ssyncset.done @!p2 $0x0  }
0x137: {  	s18 =	sadd.s32 $0x780, s18;
	[sflag:s1] =	ssyncadd.s32 @!p2 $0xFFFFF800  }
0x138: {  	[tilespmem:s13], [sflag:$0x1] =	stream.indirect.gather [hbm4b:s4+s15], $0x10, s18, s15, $0xb8;
	[tilespmem:$0x11D80] =	vst v63  }
0x139: {  	_ =	swait.ge [sflag:s12], $0x800  }
0x13a: {  	[sflag:s12] =	ssyncset.done $0x0  }
0x13b: {  	s25 =	simm.s32 $0x8F00;
	s3 =	sadd.s32 $0x2B80, s26;
	[sflag:s12] =	ssyncadd.s32 $0xFFFFF800  }
0x13c: {  	[spmem:s2] =	stream.indirect.scatter.add.f32 [tilespmem:s25], [sflag:$0x2], $0x10, s3, s15, $0xb8;
	[tilespmem:$0x11D80] =	vst v63  }
0x13d: {  	_ =	swait.ge [sflag:s11], $0x800  }
0x13e: {  	[sflag:s11] =	ssyncset.done $0x0  }
0x13f: {  	s16 =	simm.s32 $0x4F00;
	s5 =	sadd.s32 $0x800, s26;
	[sflag:s11] =	ssyncadd.s32 $0xFFFFF800  }
0x140: {  	[tilespmem:s16], [sflag:$0x1] =	stream.indirect.gather [hbm4b:s4+s15], $0x10, s5, s15, $0xb8;
	[tilespmem:$0x11D80] =	vst v63  }
0x141: {  	_ =	swait.ge [sflag:s12], $0x800  }
0x142: {  	[sflag:s12] =	ssyncset.done $0x0  }
0x143: {  	s6 =	sadd.s32 $0x2C00, s26;
	[sflag:s12] =	ssyncadd.s32 $0xFFFFF800  }
0x144: {  	[spmem:s2] =	stream.indirect.scatter.add.f32 [tilespmem:s31], [sflag:$0x2], $0x10, s6, s15, $0xb8;
	[tilespmem:$0x11D80] =	vst v63  }
0x145: {  	_ =	swait.ge [sflag:s11], $0x800  }
0x146: {  	[sflag:s11] =	ssyncset.done $0x0  }
0x147: {  	s17 =	simm.s32 $0x5700;
	s7 =	sadd.s32 $0x880, s26;
	[sflag:s11] =	ssyncadd.s32 $0xFFFFF800  }
0x148: {  	[tilespmem:s17], [sflag:$0x1] =	stream.indirect.gather [hbm4b:s4+s15], $0x10, s7, s15, $0xb8;
	[tilespmem:$0x11D80] =	vst v63  }
0x149: {  	_ =	swait.ge [sflag:s12], $0x800  }
0x14a: {  	[sflag:s12] =	ssyncset.done $0x0  }
0x14b: {  	s29 =	simm.s32 $0x9F00;
	s8 =	sadd.s32 $0x2C80, s26;
	[sflag:s12] =	ssyncadd.s32 $0xFFFFF800  }
0x14c: {  	[spmem:s2] =	stream.indirect.scatter.add.f32 [tilespmem:s29], [sflag:$0x2], $0x10, s8, s15, $0xb8;
	[tilespmem:$0x11D80] =	vst v63  }
0x14d: {  	_ =	swait.ge [sflag:s11], $0x800  }
0x14e: {  	[sflag:s11] =	ssyncset.done $0x0  }
0x14f: {  	s9 =	sadd.s32 $0x900, s26;
	[sflag:s11] =	ssyncadd.s32 $0xFFFFF800  }
0x150: {  	[tilespmem:s23], [sflag:$0x1] =	stream.indirect.gather [hbm4b:s4+s15], $0x10, s9, s15, $0xb8;
	[tilespmem:$0x11D80] =	vst v63  }
0x151: {  	_ =	swait.ge [sflag:s12], $0x800  }
0x152: {  	[sflag:s12] =	ssyncset.done $0x0  }
0x153: {  	s14 =	sadd.s32 $0x2D00, s26;
	[sflag:s12] =	ssyncadd.s32 $0xFFFFF800  }
0x154: {  	[spmem:s2] =	stream.indirect.scatter.add.f32 [tilespmem:s0], [sflag:$0x2], $0x10, s14, s15, $0xb8;
	[tilespmem:$0x11D80] =	vst v63  }
0x155: {  	_ =	swait.ge [sflag:s11], $0x800  }
0x156: {  	[sflag:s11] =	ssyncset.done $0x0  }
0x157: {  	s19 =	simm.s32 $0x6700;
	s18 =	sadd.s32 $0x980, s26;
	[sflag:s11] =	ssyncadd.s32 $0xFFFFF800  }
0x158: {  	[tilespmem:s19], [sflag:$0x1] =	stream.indirect.gather [hbm4b:s4+s15], $0x10, s18, s15, $0xb8;
	[tilespmem:$0x11D80] =	vst v63  }
0x159: {  	_ =	swait.ge [sflag:s12], $0x800  }
0x15a: {  	[sflag:s12] =	ssyncset.done $0x0  }
0x15b: {  	s30 =	simm.s32 $0xAF00;
	s3 =	sadd.s32 $0x2D80, s26;
	[sflag:s12] =	ssyncadd.s32 $0xFFFFF800  }
0x15c: {  	[spmem:s2] =	stream.indirect.scatter.add.f32 [tilespmem:s30], [sflag:$0x2], $0x10, s3, s15, $0xb8;
	[tilespmem:$0x11D80] =	vst v63  }
0x15d: {  	_ =	swait.ge [sflag:s11], $0x800  }
0x15e: {  	[sflag:s11] =	ssyncset.done $0x0  }
0x15f: {  	s5 =	sadd.s32 $0xA00, s26;
	[sflag:s11] =	ssyncadd.s32 $0xFFFFF800  }
0x160: {  	[tilespmem:s20], [sflag:$0x1] =	stream.indirect.gather [hbm4b:s4+s15], $0x10, s5, s15, $0xb8;
	[tilespmem:$0x11D80] =	vst v63  }
0x161: {  	_ =	swait.ge [sflag:s12], $0x800  }
0x162: {  	[sflag:s12] =	ssyncset.done $0x0  }
0x163: {  	s6 =	sadd.s32 $0x2E00, s26;
	[sflag:s12] =	ssyncadd.s32 $0xFFFFF800  }
0x164: {  	[spmem:s2] =	stream.indirect.scatter.add.f32 [tilespmem:s10], [sflag:$0x2], $0x10, s6, s15, $0xb8;
	[tilespmem:$0x11D80] =	vst v63  }
0x165: {  	_ =	swait.ge [sflag:s11], $0x800  }
0x166: {  	[sflag:s11] =	ssyncset.done $0x0  }
0x167: {  	s21 =	simm.s32 $0x7700;
	s7 =	sadd.s32 $0xA80, s26;
	[sflag:s11] =	ssyncadd.s32 $0xFFFFF800  }
0x168: {  	[tilespmem:s21], [sflag:$0x1] =	stream.indirect.gather [hbm4b:s4+s15], $0x10, s7, s15, $0xb8;
	[tilespmem:$0x11D80] =	vst v63  }
0x169: {  	_ =	swait.ge [sflag:s12], $0x800  }
0x16a: {  	[sflag:s12] =	ssyncset.done $0x0  }
0x16b: {  	s9 =	sadd.s32 $0x2E80, s26;
	s8 =	rddreg [dreg:$0x3];
	[sflag:s12] =	ssyncadd.s32 $0xFFFFF800  }
0x16c: {  	[spmem:s2] =	stream.indirect.scatter.add.f32 [tilespmem:s8], [sflag:$0x2], $0x10, s9, s15, $0xb8;
	[tilespmem:$0x11D80] =	vst v63  }
0x16d: {  	_ =	swait.ge [sflag:s11], $0x800  }
0x16e: {  	[sflag:s11] =	ssyncset.done $0x0  }
0x16f: {  	s24 =	sadd.s32 $0x2000, s24;
	s14 =	sadd.s32 $0xB00, s26;
	[sflag:s11] =	ssyncadd.s32 $0xFFFFF800  }
0x170: {  	[tilespmem:s28], [sflag:$0x1] =	stream.indirect.gather [hbm4b:s4+s15], $0x10, s14, s15, $0xb8;
	[tilespmem:$0x11D80] =	vst v63  }
0x171: {  	p1 =	sne.s32 s24, $0x8000;
	_ =	swait.ge [sflag:s12], $0x800  }
.Ltmp2:
0x172: {  	[sflag:s12] =	ssyncset.done $0x0;
	(pc) =	sbr.rel @p1 .LBB2_6-.Ltmp2, $4  }
0x173: {  	s18 =	sadd.s32 $0x2F00, s26;
	[sflag:s12] =	ssyncadd.s32 $0xFFFFF800  }
0x174: {  	[spmem:s2] =	stream.indirect.scatter.add.f32 [tilespmem:s13], [sflag:$0x2], $0x10, s18, s15, $0xb8;
	[tilespmem:$0x11D80] =	vst v63  }
0x175: {  	_ =	swait.ge [sflag:s11], $0x800  }
0x176: {  	s22 =	simm.s32 $0x8700;
	s1 =	sadd.s32 $0xB80, s26;
	[sflag:s11] =	ssyncset.done $0x0  }
0x177: {  	[sflag:s11] =	ssyncadd.s32 $0xFFFFF800  }
0x178: {  	[tilespmem:s22], [sflag:$0x1] =	stream.indirect.gather [hbm4b:s4+s15], $0x10, s1, s15, $0xb8;
	[tilespmem:$0x11D80] =	vst v63  }
0x179: {  	_ =	swait.ge [sflag:s12], $0x800  }
0x17a: {  	[sflag:s12] =	ssyncset.done $0x0  }
0x17b: {  	s7 =	simm.s32 $0x4780;
	[sflag:s12] =	ssyncadd.s32 $0xFFFFF800  }
0x17c: {  	[spmem:s2] =	stream.indirect.scatter.add.f32 [tilespmem:s16], [sflag:$0x2], $0x10, s7, s15, $0xb8;
	[tilespmem:$0x11D80] =	vst v63  }
0x17d: {  	_ =	swait.ge [sflag:s11], $0x800  }
0x17e: {  	[sflag:s11] =	ssyncset.done $0x0  }
0x17f: {  	s8 =	simm.s32 $0x2400;
	[sflag:s11] =	ssyncadd.s32 $0xFFFFF800  }
0x180: {  	[tilespmem:s25], [sflag:$0x1] =	stream.indirect.gather [hbm4b:s4+s15], $0x10, s8, s15, $0xb8;
	[tilespmem:$0x11D80] =	vst v63  }
0x181: {  	_ =	swait.ge [sflag:s12], $0x800  }
0x182: {  	[sflag:s12] =	ssyncset.done $0x0  }
0x183: {  	s9 =	simm.s32 $0x4800;
	[sflag:s12] =	ssyncadd.s32 $0xFFFFF800  }
0x184: {  	[spmem:s2] =	stream.indirect.scatter.add.f32 [tilespmem:s17], [sflag:$0x2], $0x10, s9, s15, $0xb8;
	[tilespmem:$0x11D80] =	vst v63  }
0x185: {  	_ =	swait.ge [sflag:s11], $0x800  }
0x186: {  	[sflag:s11] =	ssyncset.done $0x0  }
0x187: {  	s14 =	simm.s32 $0x2480;
	[sflag:s11] =	ssyncadd.s32 $0xFFFFF800  }
0x188: {  	[tilespmem:s31], [sflag:$0x1] =	stream.indirect.gather [hbm4b:s4+s15], $0x10, s14, s15, $0xb8;
	[tilespmem:$0x11D80] =	vst v63  }
0x189: {  	_ =	swait.ge [sflag:s12], $0x800  }
0x18a: {  	[sflag:s12] =	ssyncset.done $0x0  }
0x18b: {  	s18 =	simm.s32 $0x4880;
	[sflag:s12] =	ssyncadd.s32 $0xFFFFF800  }
0x18c: {  	[spmem:s2] =	stream.indirect.scatter.add.f32 [tilespmem:s23], [sflag:$0x2], $0x10, s18, s15, $0xb8;
	[tilespmem:$0x11D80] =	vst v63  }
0x18d: {  	_ =	swait.ge [sflag:s11], $0x800  }
0x18e: {  	[sflag:s11] =	ssyncset.done $0x0  }
0x18f: {  	s24 =	simm.s32 $0x2500;
	[sflag:s11] =	ssyncadd.s32 $0xFFFFF800  }
0x190: {  	[tilespmem:s29], [sflag:$0x1] =	stream.indirect.gather [hbm4b:s4+s15], $0x10, s24, s15, $0xb8;
	[tilespmem:$0x11D80] =	vst v63  }
0x191: {  	_ =	swait.ge [sflag:s12], $0x800  }
0x192: {  	[sflag:s12] =	ssyncset.done $0x0  }
0x193: {  	s26 =	simm.s32 $0x4900;
	[sflag:s12] =	ssyncadd.s32 $0xFFFFF800  }
0x194: {  	[spmem:s2] =	stream.indirect.scatter.add.f32 [tilespmem:s19], [sflag:$0x2], $0x10, s26, s15, $0xb8;
	[tilespmem:$0x11D80] =	vst v63  }
0x195: {  	_ =	swait.ge [sflag:s11], $0x800  }
0x196: {  	[sflag:s11] =	ssyncset.done $0x0  }
0x197: {  	s3 =	simm.s32 $0x2580;
	[sflag:s11] =	ssyncadd.s32 $0xFFFFF800  }
0x198: {  	[tilespmem:s0], [sflag:$0x1] =	stream.indirect.gather [hbm4b:s4+s15], $0x10, s3, s15, $0xb8;
	[tilespmem:$0x11D80] =	vst v63  }
0x199: {  	_ =	swait.ge [sflag:s12], $0x800  }
0x19a: {  	[sflag:s12] =	ssyncset.done $0x0  }
0x19b: {  	s5 =	simm.s32 $0x4980;
	[sflag:s12] =	ssyncadd.s32 $0xFFFFF800  }
0x19c: {  	[spmem:s2] =	stream.indirect.scatter.add.f32 [tilespmem:s20], [sflag:$0x2], $0x10, s5, s15, $0xb8;
	[tilespmem:$0x11D80] =	vst v63  }
0x19d: {  	_ =	swait.ge [sflag:s11], $0x800  }
0x19e: {  	[sflag:s11] =	ssyncset.done $0x0  }
0x19f: {  	s6 =	simm.s32 $0x2600;
	[sflag:s11] =	ssyncadd.s32 $0xFFFFF800  }
0x1a0: {  	[tilespmem:s30], [sflag:$0x1] =	stream.indirect.gather [hbm4b:s4+s15], $0x10, s6, s15, $0xb8;
	[tilespmem:$0x11D80] =	vst v63  }
0x1a1: {  	_ =	swait.ge [sflag:s12], $0x800  }
0x1a2: {  	[sflag:s12] =	ssyncset.done $0x0  }
0x1a3: {  	s7 =	simm.s32 $0x4A00;
	[sflag:s12] =	ssyncadd.s32 $0xFFFFF800  }
0x1a4: {  	[spmem:s2] =	stream.indirect.scatter.add.f32 [tilespmem:s21], [sflag:$0x2], $0x10, s7, s15, $0xb8;
	[tilespmem:$0x11D80] =	vst v63  }
0x1a5: {  	_ =	swait.ge [sflag:s11], $0x800  }
0x1a6: {  	[sflag:s11] =	ssyncset.done $0x0  }
0x1a7: {  	s8 =	simm.s32 $0x2680;
	[sflag:s11] =	ssyncadd.s32 $0xFFFFF800  }
0x1a8: {  	[tilespmem:s10], [sflag:$0x1] =	stream.indirect.gather [hbm4b:s4+s15], $0x10, s8, s15, $0xb8;
	[tilespmem:$0x11D80] =	vst v63  }
0x1a9: {  	_ =	swait.ge [sflag:s12], $0x800  }
0x1aa: {  	[sflag:s12] =	ssyncset.done $0x0  }
0x1ab: {  	s9 =	simm.s32 $0x4A80;
	[sflag:s12] =	ssyncadd.s32 $0xFFFFF800  }
0x1ac: {  	[spmem:s2] =	stream.indirect.scatter.add.f32 [tilespmem:s28], [sflag:$0x2], $0x10, s9, s15, $0xb8;
	[tilespmem:$0x11D80] =	vst v63  }
0x1ad: {  	_ =	swait.ge [sflag:s11], $0x800  }
0x1ae: {  	s1 =	simm.s32 @!p0 $0x80;
	[sflag:s11] =	ssyncset.done $0x0  }
0x1af: {  	s3 =	simm.s32 @!p0 $0x2700;
	s5 =	simm.s32 @!p0 $0xBF00;
	[sflag:s11] =	ssyncadd.s32 $0xFFFFF800  }
0x1b0: {  	[tilespmem:s5], [sflag:$0x1] =	stream.indirect.gather @!p0 [hbm4b:s4+s1], $0x10, s3, s1, $0xb8;
	[tilespmem:$0x11D80] =	vst v63  }
0x1b1: {  	_ =	swait.ge [sflag:s12], $0x800  }
0x1b2: {  	[sflag:s12] =	ssyncset.done $0x0  }
0x1b3: {  	s14 =	simm.s32 $0x4B00;
	[sflag:s12] =	ssyncadd.s32 $0xFFFFF800  }
0x1b4: {  	[spmem:s2] =	stream.indirect.scatter.add.f32 [tilespmem:s22], [sflag:$0x2], $0x10, s14, s15, $0xb8;
	[tilespmem:$0x11D80] =	vst v63  }
0x1b5: {  	_ =	swait.ge [sflag:s11], $0x800  }
0x1b6: {  	[sflag:s11] =	ssyncset.done $0x0  }
0x1b7: {  	[sflag:s11] =	ssyncadd.s32 $0xFFFFF800  }
0x1b8: {  	_ =	swait.ge [sflag:s12], $0x800  }
0x1b9: {  	[sflag:s12] =	ssyncset.done $0x0  }
0x1ba: {  	s18 =	simm.s32 $0x4B80;
	[sflag:s12] =	ssyncadd.s32 $0xFFFFF800  }
0x1bb: {  	[spmem:s2] =	stream.indirect.scatter.add.f32 [tilespmem:s25], [sflag:$0x2], $0x10, s18, s15, $0xb8;
	[tilespmem:$0x11D80] =	vst v63  }
0x1bc: {  	_ =	swait.ge [sflag:s11], $0x800  }
0x1bd: {  	[sflag:s11] =	ssyncset.done $0x0  }
0x1be: {  	[sflag:s11] =	ssyncadd.s32 $0xFFFFF800  }
0x1bf: {  	_ =	swait.ge [sflag:s12], $0x800  }
0x1c0: {  	[sflag:s12] =	ssyncset.done $0x0  }
0x1c1: {  	s24 =	simm.s32 $0x4C00;
	[sflag:s12] =	ssyncadd.s32 $0xFFFFF800  }
0x1c2: {  	[spmem:s2] =	stream.indirect.scatter.add.f32 [tilespmem:s31], [sflag:$0x2], $0x10, s24, s15, $0xb8;
	[tilespmem:$0x11D80] =	vst v63  }
0x1c3: {  	_ =	swait.ge [sflag:s11], $0x800  }
0x1c4: {  	[sflag:s11] =	ssyncset.done $0x0  }
0x1c5: {  	[sflag:s11] =	ssyncadd.s32 $0xFFFFF800  }
0x1c6: {  	_ =	swait.ge [sflag:s12], $0x800  }
0x1c7: {  	[sflag:s12] =	ssyncset.done $0x0  }
0x1c8: {  	s26 =	simm.s32 $0x4C80;
	[sflag:s12] =	ssyncadd.s32 $0xFFFFF800  }
0x1c9: {  	[spmem:s2] =	stream.indirect.scatter.add.f32 [tilespmem:s29], [sflag:$0x2], $0x10, s26, s15, $0xb8;
	[tilespmem:$0x11D80] =	vst v63  }
0x1ca: {  	_ =	swait.ge [sflag:s11], $0x800  }
0x1cb: {  	[sflag:s11] =	ssyncset.done $0x0  }
0x1cc: {  	[sflag:s11] =	ssyncadd.s32 $0xFFFFF800  }
0x1cd: {  	_ =	swait.ge [sflag:s12], $0x800  }
0x1ce: {  	[sflag:s12] =	ssyncset.done $0x0  }
0x1cf: {  	s6 =	simm.s32 $0x4D00;
	[sflag:s12] =	ssyncadd.s32 $0xFFFFF800  }
0x1d0: {  	[spmem:s2] =	stream.indirect.scatter.add.f32 [tilespmem:s0], [sflag:$0x2], $0x10, s6, s15, $0xb8;
	[tilespmem:$0x11D80] =	vst v63  }
0x1d1: {  	_ =	swait.ge [sflag:s11], $0x800  }
0x1d2: {  	[sflag:s11] =	ssyncset.done $0x0  }
0x1d3: {  	[sflag:s11] =	ssyncadd.s32 $0xFFFFF800  }
0x1d4: {  	_ =	swait.ge [sflag:s12], $0x800  }
0x1d5: {  	[sflag:s12] =	ssyncset.done $0x0  }
0x1d6: {  	s7 =	simm.s32 $0x4D80;
	[sflag:s12] =	ssyncadd.s32 $0xFFFFF800  }
0x1d7: {  	[spmem:s2] =	stream.indirect.scatter.add.f32 [tilespmem:s30], [sflag:$0x2], $0x10, s7, s15, $0xb8;
	[tilespmem:$0x11D80] =	vst v63  }
0x1d8: {  	_ =	swait.ge [sflag:s11], $0x800  }
0x1d9: {  	[sflag:s11] =	ssyncset.done $0x0  }
0x1da: {  	[sflag:s11] =	ssyncadd.s32 $0xFFFFF800  }
0x1db: {  	_ =	swait.ge [sflag:s12], $0x800  }
0x1dc: {  	[sflag:s12] =	ssyncset.done $0x0  }
0x1dd: {  	s8 =	simm.s32 $0x4E00;
	[sflag:s12] =	ssyncadd.s32 $0xFFFFF800  }
0x1de: {  	[spmem:s2] =	stream.indirect.scatter.add.f32 [tilespmem:s10], [sflag:$0x2], $0x10, s8, s15, $0xb8;
	[tilespmem:$0x11D80] =	vst v63  }
0x1df: {  	_ =	swait.ge [sflag:s11], $0x800  }
0x1e0: {  	[sflag:s11] =	ssyncset.done $0x0  }
0x1e1: {  	s3 =	simm.s32 @!p0 $0x1;
	[sflag:s11] =	ssyncadd.s32 $0xFFFFF800  }
0x1e2: {  	_ =	swait.ge @!p0 [sflag:s3], $0x800  }
0x1e3: {  	[sflag:s3] =	ssyncset.done @!p0 $0x0  }
0x1e4: {  	[sflag:s3] =	ssyncadd.s32 @!p0 $0xFFFFF800;
	s3 =	simm.s32 @!p0 $0x4E80  }
0x1e5: {  	[spmem:s2] =	stream.indirect.scatter.add.f32 @!p0 [tilespmem:s5], [sflag:$0x2], $0x10, s3, s1, $0xb8;
	[tilespmem:$0x11D80] =	vst v63  }
0x1e6: {  	_ =	swait.ge [sflag:s11], $0x800  }
0x1e7: {  	[sflag:s11] =	ssyncset.done $0x0  }
0x1e8: {  	[sflag:s11] =	ssyncadd.s32 $0xFFFFF800  }
0x1e9: {  	_ =	swait.ge [sflag:s11], $0x800  }
0x1ea: {  	[sflag:s11] =	ssyncset.done $0x0  }
0x1eb: {  	[sflag:s11] =	ssyncadd.s32 $0xFFFFF800  }
0x1ec: {  	_ =	swait.ge [sflag:s11], $0x800  }
0x1ed: {  	[sflag:s11] =	ssyncset.done $0x0  }
0x1ee: {  	[sflag:s11] =	ssyncadd.s32 $0xFFFFF800  }
0x1ef: {  	_ =	swait.ge [sflag:s11], $0x800  }
0x1f0: {  	[sflag:s11] =	ssyncset.done $0x0  }
0x1f1: {  	[sflag:s11] =	ssyncadd.s32 $0xFFFFF800  }
0x1f2: {  	_ =	swait.ge [sflag:s11], $0x800  }
0x1f3: {  	[sflag:s11] =	ssyncset.done $0x0  }
0x1f4: {  	[sflag:s11] =	ssyncadd.s32 $0xFFFFF800  }
0x1f5: {  	_ =	swait.ge [sflag:s11], $0x800  }
0x1f6: {  	[sflag:s11] =	ssyncset.done $0x0  }
0x1f7: {  	[sflag:s11] =	ssyncadd.s32 $0xFFFFF800  }
0x1f8: {  	_ =	swait.ge [sflag:s11], $0x800  }
0x1f9: {  	[sflag:s11] =	ssyncset.done $0x0  }
0x1fa: {  	[sflag:s11] =	ssyncadd.s32 $0xFFFFF800  }
0x1fb: {  	_ =	swait.ge [sflag:s11], $0x800  }
0x1fc: {  	[sflag:s11] =	ssyncset.done $0x0  }
0x1fd: {  	s1 =	simm.s32 @!p0 $0x2;
	[sflag:s11] =	ssyncadd.s32 $0xFFFFF800  }
0x1fe: {  	_ =	swait.ge @!p0 [sflag:s1], $0x800  }
0x1ff: {  	[sflag:s1] =	ssyncset.done @!p0 $0x0  }
0x200: {  	[sflag:s1] =	ssyncadd.s32 @!p0 $0xFFFFF800  }
0x201: {  	s9 =	stileid.u32;
	[bflag:$0x0] =	sbarrier.arrive $0xFFFF  }
0x202: {  	s7 =	simm.s32 $0x3;
	s1 =	sshll.u32 s9, $0x6;
	s6 =	rddreg [dreg:$0x6]  }
0x203: {  	s1 =	sor.u32 $0x1C03, s1;
	s18 =	rddreg [dreg:$0x7];
	s14 =	sshrl.u32 s6, $0x3  }
0x204: {  	[hbm:s18], [sflag:s1] =	dma.local [spmem:s14], $0x4E8  }
0x205: {  	_ =	swait.ge [sflag:s7], $0x4E8  }
0x206: {  	s24 =	rddreg [dreg:$0x9]  }
0x207: {  	s26 =	rddreg [dreg:$0x8];
	s3 =	sadd.s32 $0x1, s24  }
0x208: {  	p1 =	sne.s32 s3, s26  }
.Ltmp3:
0x209: {  	_ = 	snop;
	(pc) =	sbr.rel @p1 .LBB2_1-.Ltmp3, $3  }
0x20a: {  	_ =	sdelay $0x1  }
0x20b: {  	[sflag:s7] =	ssyncset.done $0x0  }
0x20c: {  	s18 =	simm.s32 $0x5F00;
	[sflag:s7] =	ssyncadd.s32 $0xFFFFFB18  }
0x20d: {  	_ =	sfence.sel $0x180000  }
0x20e: {  	[bflag:$0x0] =	sbarrier.arrive $0xFFFF  }
0x20f: {  	_ =	strace $0x90000047  }
0x210: {  	s0 =	stileid.u32;
	[bflag:$0x2] =	sbarrier.arrive $0xFFFF  }
0x211: {  	p0 =	sne.s32 s0, $0x0;
	s0 =	rddreg [dreg:$0x2]  }
0x212: {  	s0 =	sadd.s32 @!p0 $0x100000, s0  }
0x213: {  	[sflag:s0] =	ssyncadd.tile.s32 @!p0 $0x1;
	_ =	shalt  }
.Lfunc_end2:
_tile_overlayer_lowered:
.L_overlay_start_2:
0x214: {  	(tag) =	ssettag $0x2  }
0x215: {  	s0 =	rddreg [dreg:$0x0];
	s2 =	stileid.u32  }
0x216: {  	s1 =	rddreg [dreg:$0x1];
	p0 =	sne.s32 s2, $0x0  }
0x217: {  	s3 =	rddreg [dreg:$0x2];
	[bflag:$0x3] =	sbarrier.arrive $0xFFFF;
	s2 =	simm.s32 @!p0 $0x1C03  }
0x218: {  	[timem:s3], [sflag:s2] =	dma.local @!p0 [hbm:s0], s1  }
0x219: {  	s0 =	simm.s32 @!p0 $0x3  }
0x21a: {  	_ =	swait.ge @!p0 [sflag:s0], s1  }
0x21b: {  	s1 =	ssub.s32 @!p0 $0x0, s1;
	[sflag:s0] =	ssyncset.done @!p0 $0x0  }
0x21c: {  	[sflag:s0] =	ssyncadd.s32 @!p0 s1  }
0x21d: {  	[bflag:$0x3] =	sbarrier.arrive $0xFFFF  }
0x21e: {  	_ =	shalt  }

</sc_bundles>
